<compile_context>
chip_gen: v7x
topology: tpu7x:2x2x1
jax: 0.10.2.dev20260603
libtpu: 0.0.44.dev20260713+nightly
codegen_flags: <defaults>
</compile_context>

<pallas_src>
import functools

import jax
import jax.numpy as jnp
from jax import lax
from jax.experimental import pallas as pl
from jax.experimental.pallas import tpu as pltpu
from jax.experimental.pallas import tpu_sc as plsc

_N = 8192
_RANK = _N // 2 - 1
_ROWS = 64 * 32
_NW = 32
_SC_ROWS = 768
_TC_BLOCK = 128
_CHUNKS = _N // 16
_UNROLL = 16
_INT_MIN = -(2**31)
_BIG = 2**30


def _scan256(hist_v, rank):
    sums = [jnp.sum(hist_v[pl.ds(j * 16, 16)]) for j in range(16)]
    carry = [jnp.int32(0)]
    for j in range(16):
        carry.append(carry[j] + sums[j])
    jstar = jnp.int32(0)
    carry_js = jnp.int32(0)
    for j in range(1, 16):
        le = carry[j] <= rank
        jstar = jstar + le.astype(jnp.int32)
        carry_js = jnp.maximum(carry_js, jnp.where(le, carry[j], 0))
    v = hist_v[pl.ds(jstar * 16, 16)]
    cum = plsc.cumsum(v) + carry_js
    le = cum <= rank
    inner = jnp.sum(le.astype(jnp.int32))
    digit = jstar * 16 + inner
    below = jnp.maximum(jnp.max(jnp.where(le, cum, 0)), carry_js)
    above = jnp.min(jnp.where(le, jnp.int32(_BIG), cum))
    return digit, below, above


def _sc_body(x_hbm, out_hbm, u_v, hist_v, res_v, sem):
    rpw = _SC_ROWS // _NW
    wid = lax.axis_index("s") * 2 + lax.axis_index("c")
    lane0 = lax.iota(jnp.int32, 16) == 0
    ones = jnp.ones((16,), jnp.int32)
    c24 = jnp.full((16,), 24, jnp.int32)
    c31 = jnp.full((16,), 31, jnp.int32)
    m255 = jnp.full((16,), 255, jnp.int32)
    row0 = wid * rpw

    def dma(r):
        return pltpu.make_async_copy(
            x_hbm.at[pl.ds((row0 + r) * _N, _N)],
            u_v.at[pl.ds((r & 1) * _N, _N)],
            sem,
        )

    dma(0).start()

    def clear_hist():
        for j in range(16):
            hist_v[pl.ds(j * 16, 16)] = jnp.zeros((16,), jnp.int32)

    def row_body(r, _):
        base = (r & 1) * _N
        dma(r).wait()

        @pl.when(r + 1 < rpw)
        def _():
            dma(r + 1).start()

        clear_hist()

        @plsc.parallel_loop(0, _CHUNKS, 1, unroll=_UNROLL)
        def _(c):
            b = plsc.bitcast(u_v[pl.ds(base + c * 16, 16)], jnp.int32)
            t = lax.shift_right_logical(b, c24)
            s = lax.shift_right_arithmetic(b, c31)
            o = t ^ ((s & 127) | 128)
            plsc.addupdate_scatter(hist_v, [o], ones)

        rank = jnp.int32(_RANK)
        o_digit, below, above = _scan256(hist_v, rank)
        rank = rank - below
        neg = o_digit < 128
        pfx = jnp.where(neg, o_digit ^ 255, o_digit ^ 128)
        rank = jnp.where(neg, (above - below) - 1 - rank, rank)

        for shift in (16, 8, 0):
            clear_hist()
            xpfx = lax.shift_left(pfx, shift + 8) ^ jnp.int32(_INT_MIN)
            xpfx_b = jnp.full((16,), xpfx, jnp.int32)
            thr = jnp.int32(_INT_MIN + (1 << (shift + 8)))
            sh_b = jnp.full((16,), shift, jnp.int32)

            @plsc.parallel_loop(0, _CHUNKS, 1, unroll=_UNROLL)
            def _(c, xpfx_b=xpfx_b, thr=thr, sh_b=sh_b):
                b = plsc.bitcast(u_v[pl.ds(base + c * 16, 16)], jnp.int32)
                match = (b ^ xpfx_b) < thr
                bucket = lax.shift_right_logical(b, sh_b) & m255
                plsc.addupdate_scatter(hist_v, [bucket], ones, mask=match)

            digit, below, _above = _scan256(hist_v, rank)
            pfx = lax.shift_left(pfx, 8) | digit
            rank = rank - below

        ans = plsc.bitcast(jnp.full((16,), pfx, jnp.int32), jnp.float32)
        plsc.store_scatter(res_v, [jnp.full((16,), r, jnp.int32)], ans, mask=lane0)
        return 0

    lax.fori_loop(0, rpw, row_body, 0)
    pltpu.sync_copy(res_v, out_hbm.at[pl.ds(row0, rpw)])


_sc_kernel = functools.partial(
    pl.kernel,
    out_type=jax.ShapeDtypeStruct((_SC_ROWS,), jnp.float32),
    mesh=plsc.VectorSubcoreMesh(core_axis_name="c", subcore_axis_name="s"),
    compiler_params=pltpu.CompilerParams(needs_layout_passes=False),
    scratch_types=[
        pltpu.VMEM((2 * _N,), jnp.float32),
        pltpu.VMEM((256,), jnp.int32),
        pltpu.VMEM((_SC_ROWS // _NW,), jnp.float32),
        pltpu.SemaphoreType.DMA,
    ],
)(_sc_body)


def _tc_body(x_ref, o_ref):
    x = x_ref[...]
    v = jax.lax.bitcast_convert_type(x, jnp.int32)
    int_min = jnp.int32(_INT_MIN)
    skey = jnp.where(v >= 0, v, int_min - v)
    rows = x.shape[0]
    acc = jnp.zeros((rows, 1), jnp.int32)
    for bit in range(31, -1, -1):
        mask_val = jnp.int32(_INT_MIN if bit == 31 else 1 << bit)
        cand = acc | mask_val
        thr = cand ^ int_min
        cnt = jnp.sum((skey < thr).astype(jnp.int32), axis=1, keepdims=True)
        acc = jnp.where(cnt <= _RANK, cand, acc)
    skey_ans = acc ^ int_min
    vbits = jnp.where(skey_ans >= 0, skey_ans, int_min - skey_ans)
    o_ref[...] = jax.lax.bitcast_convert_type(vbits, jnp.float32)


def _tc_kernel(xr):
    rows = xr.shape[0]
    return pl.pallas_call(
        _tc_body,
        grid=(rows // _TC_BLOCK,),
        in_specs=[pl.BlockSpec((_TC_BLOCK, _N), lambda i: (i, 0))],
        out_specs=pl.BlockSpec((_TC_BLOCK, 1), lambda i: (i, 0)),
        out_shape=jax.ShapeDtypeStruct((rows, 1), jnp.float32),
    )(xr)


def kernel(x):
    b0, b1, n = x.shape
    xr = x.reshape(b0 * b1, n)
    out_sc = _sc_kernel(xr[:_SC_ROWS].reshape(-1))
    out_tc = _tc_kernel(xr[_SC_ROWS:])
    out = jnp.concatenate([out_sc, out_tc[:, 0]])
    return out.reshape(b0, b1)

# --- scband reference (transcript-rebuilt; emitter-appended) ---
"""Pipeline reference for scband-recycle-dual-point-9148280340503 (READ-ONLY COPY).

The authoritative reference and input builder live on the scoring server;
editing this copy changes nothing except your own understanding.
"""

import jax, jax.numpy as jnp
import numpy as np


def setup_inputs(seed: int = 0) -> dict:
    key = jax.random.key(seed)
    x = jax.random.normal(key, (64, 32, 8192), dtype=jnp.float32)
    return {"x": x}


def reference(x):
    # torch: x_sort, _ = torch.sort(x, dim=2, descending=True)
    # jnp.sort is ascending; flip along the sorted axis for descending order.
    x_sort = jnp.flip(jnp.sort(x, axis=2), axis=2)
    # Original module picks random.randint(1, N-1); we fix the index
    # deterministically to N // 2 (a valid draw in [1, N-1]) for reproducibility.
    idx = x.shape[2] // 2
    recycle_point = x_sort[:, :, idx]
    return recycle_point

if __name__ == "__main__":
    import jax
    _d = setup_inputs()
    print(jax.jit(kernel)(*tuple(_d.values())))

</pallas_src>

<mosaic_0001>
#map = affine_map<(d0, d1) -> (0)>
module attributes {stable_mosaic.version = 14 : i64} {
  func.func @_sc_body(%arg0: i32, %arg1: i32, %arg2: memref<6291456xf32, #tpu.memory_space<hbm>>, %arg3: memref<768xf32, #tpu.memory_space<hbm>>, %arg4: memref<16384xf32, #tpu.memory_space<vmem>>, %arg5: memref<256xi32, #tpu.memory_space<vmem>>, %arg6: memref<24xf32, #tpu.memory_space<vmem>>, %arg7: memref<!tpu.dma_semaphore, #tpu.memory_space<semaphore_mem>>) attributes {dimension_semantics = [#tpu.dimension_semantics<core_parallel>, #tpu.dimension_semantics<subcore_parallel>], iteration_bounds = array<i64: 2, 16>, scalar_prefetch = 0 : i64, scratch_operands = 4 : i64, tpu.core_type = #tpu.core_type<sc_vector_subcore>, window_params = [{transform_indices = #map}, {transform_indices = #map}]} {
    %mul3A = arith.constant 2 : i32
    %mul3A_0 = arith.muli %arg1, %mul3A : i32
    %add3A = arith.addi %mul3A_0, %arg0 : i32
    %iota3A = tpu.iota {dimensions = array<i32: 0>} : vector<16xi32>
    %eq3A = arith.constant 0 : i32
    %eq3A_1 = vector.broadcast %eq3A : i32 to vector<16xi32>
    %eq3A_2 = arith.cmpi eq, %iota3A, %eq3A_1 : vector<16xi32>
    %broadcast_in_dim3A = arith.constant 1 : i32
    %broadcast_in_dim3A_3 = vector.broadcast %broadcast_in_dim3A : i32 to vector<16xi32>
    %broadcast_in_dim3A_4 = arith.constant 24 : i32
    %broadcast_in_dim3A_5 = vector.broadcast %broadcast_in_dim3A_4 : i32 to vector<16xi32>
    %broadcast_in_dim3A_6 = arith.constant 31 : i32
    %broadcast_in_dim3A_7 = vector.broadcast %broadcast_in_dim3A_6 : i32 to vector<16xi32>
    %broadcast_in_dim3A_8 = arith.constant 255 : i32
    %broadcast_in_dim3A_9 = vector.broadcast %broadcast_in_dim3A_8 : i32 to vector<16xi32>
    %mul3A_10 = arith.constant 24 : i32
    %mul3A_11 = arith.muli %add3A, %mul3A_10 : i32
    %add3A_12 = arith.constant 0 : i32
    %add3A_13 = arith.addi %mul3A_11, %add3A_12 : i32
    %mul3A_14 = arith.constant 8192 : i32
    %mul3A_15 = arith.muli %add3A_13, %mul3A_14 : i32
    %dma_start3A = arith.constant 0 : i32
    %dma_start3A_16 = tpu.memref_slice %arg4[%dma_start3A] : memref<16384xf32, #tpu.memory_space<vmem>> -> memref<8192xf32, #tpu.memory_space<vmem>>
    %dma_start3A_17 = tpu.memref_slice %arg2[%mul3A_15] : memref<6291456xf32, #tpu.memory_space<hbm>> -> memref<8192xf32, #tpu.memory_space<hbm>>
    %dma_start3A_18 = arith.constant 0 : i32
    %dma_start3A_19 = tpu.memref_slice %arg4[%dma_start3A_18] : memref<16384xf32, #tpu.memory_space<vmem>> -> memref<8192xf32, #tpu.memory_space<vmem>>
    %dma_start3A_20 = tpu.memref_slice %arg2[%mul3A_15] : memref<6291456xf32, #tpu.memory_space<hbm>> -> memref<8192xf32, #tpu.memory_space<hbm>>
    tpu.enqueue_dma source(%dma_start3A_20 : memref<8192xf32, #tpu.memory_space<hbm>>) target(%dma_start3A_19 : memref<8192xf32, #tpu.memory_space<vmem>>) target_semaphore(%arg7 : memref<!tpu.dma_semaphore, #tpu.memory_space<semaphore_mem>>)
    %scan3A = arith.constant 0 : i32
    %scan3A_21 = arith.constant 0 : i32
    %scan3A_22 = arith.constant 24 : i32
    %scan3A_23 = arith.addi %scan3A_21, %scan3A_22 : i32
    %scan3A_24 = arith.constant 1 : i32
    %scan3A_25 = scf.for %scan3A_27 = %scan3A_21 to %scan3A_23 step %scan3A_24 iter_args(%scan3A_28 = %scan3A) -> (i32)  : i32 {
      %and3A = arith.constant 1 : i32
      %and3A_29 = arith.andi %scan3A_27, %and3A : i32
      %mul3A_30 = arith.constant 8192 : i32
      %mul3A_31 = arith.muli %and3A_29, %mul3A_30 : i32
      %add3A_32 = arith.addi %mul3A_11, %scan3A_27 : i32
      %mul3A_33 = arith.constant 8192 : i32
      %mul3A_34 = arith.muli %add3A_32, %mul3A_33 : i32
      %and3A_35 = arith.constant 1 : i32
      %and3A_36 = arith.andi %scan3A_27, %and3A_35 : i32
      %mul3A_37 = arith.constant 8192 : i32
      %mul3A_38 = arith.muli %and3A_36, %mul3A_37 : i32
      %dma_wait3A = tpu.memref_slice %arg4[%mul3A_38] : memref<16384xf32, #tpu.memory_space<vmem>> -> memref<8192xf32, #tpu.memory_space<vmem>>
      %dma_wait3A_39 = tpu.memref_slice %arg2[%mul3A_34] : memref<6291456xf32, #tpu.memory_space<hbm>> -> memref<8192xf32, #tpu.memory_space<hbm>>
      %dma_wait3A_40 = tpu.memref_slice %arg4[%mul3A_38] : memref<16384xf32, #tpu.memory_space<vmem>> -> memref<8192xf32, #tpu.memory_space<vmem>>
      %dma_wait3A_41 = tpu.memref_slice %arg2[%mul3A_34] : memref<6291456xf32, #tpu.memory_space<hbm>> -> memref<8192xf32, #tpu.memory_space<hbm>>
      tpu.wait_dma2 semaphore(%arg7 : memref<!tpu.dma_semaphore, #tpu.memory_space<semaphore_mem>>) src(%dma_wait3A_41 : memref<8192xf32, #tpu.memory_space<hbm>>) dst(%dma_wait3A_40 : memref<8192xf32, #tpu.memory_space<vmem>>)
      %add3A_42 = arith.constant 1 : i32
      %add3A_43 = arith.addi %scan3A_27, %add3A_42 : i32
      %lt3A = arith.constant 24 : i32
      %lt3A_44 = arith.cmpi slt, %add3A_43, %lt3A : i32
      %convert_element_type3A = arith.extui %lt3A_44 : i1 to i32
      %cond3A = arith.constant 0 : i32
      %cond3A_45 = arith.cmpi ne, %convert_element_type3A, %cond3A : i32
      scf.if %cond3A_45 {
        %add3A_1356 = arith.constant 1 : i32
        %add3A_1357 = arith.addi %scan3A_27, %add3A_1356 : i32
        %add3A_1358 = arith.addi %mul3A_11, %add3A_1357 : i32
        %mul3A_1359 = arith.constant 8192 : i32
        %mul3A_1360 = arith.muli %add3A_1358, %mul3A_1359 : i32
        %and3A_1361 = arith.constant 1 : i32
        %and3A_1362 = arith.andi %add3A_1357, %and3A_1361 : i32
        %mul3A_1363 = arith.constant 8192 : i32
        %mul3A_1364 = arith.muli %and3A_1362, %mul3A_1363 : i32
        %dma_start3A_1365 = tpu.memref_slice %arg4[%mul3A_1364] : memref<16384xf32, #tpu.memory_space<vmem>> -> memref<8192xf32, #tpu.memory_space<vmem>>
        %dma_start3A_1366 = tpu.memref_slice %arg2[%mul3A_1360] : memref<6291456xf32, #tpu.memory_space<hbm>> -> memref<8192xf32, #tpu.memory_space<hbm>>
        %dma_start3A_1367 = tpu.memref_slice %arg4[%mul3A_1364] : memref<16384xf32, #tpu.memory_space<vmem>> -> memref<8192xf32, #tpu.memory_space<vmem>>
        %dma_start3A_1368 = tpu.memref_slice %arg2[%mul3A_1360] : memref<6291456xf32, #tpu.memory_space<hbm>> -> memref<8192xf32, #tpu.memory_space<hbm>>
        tpu.enqueue_dma source(%dma_start3A_1368 : memref<8192xf32, #tpu.memory_space<hbm>>) target(%dma_start3A_1367 : memref<8192xf32, #tpu.memory_space<vmem>>) target_semaphore(%arg7 : memref<!tpu.dma_semaphore, #tpu.memory_space<semaphore_mem>>)
      } else {
      }
      %broadcast_in_dim3A_46 = arith.constant 0 : i32
      %broadcast_in_dim3A_47 = vector.broadcast %broadcast_in_dim3A_46 : i32 to vector<16xi32>
      %swap3A = arith.constant 0 : index
      %swap3A_48 = tpu.vector_load %arg5[%swap3A] {strides = array<i32>} : memref<256xi32, #tpu.memory_space<vmem>>, vector<16xi32>,
      tpu.vector_store %arg5[%swap3A], %broadcast_in_dim3A_47 {strides = array<i32>} : memref<256xi32, #tpu.memory_space<vmem>>, vector<16xi32>,
      %broadcast_in_dim3A_49 = arith.constant 0 : i32
      %broadcast_in_dim3A_50 = vector.broadcast %broadcast_in_dim3A_49 : i32 to vector<16xi32>
      %swap3A_51 = arith.constant 16 : index
      %swap3A_52 = tpu.vector_load %arg5[%swap3A_51] {strides = array<i32>} : memref<256xi32, #tpu.memory_space<vmem>>, vector<16xi32>,
      tpu.vector_store %arg5[%swap3A_51], %broadcast_in_dim3A_50 {strides = array<i32>} : memref<256xi32, #tpu.memory_space<vmem>>, vector<16xi32>,
      %broadcast_in_dim3A_53 = arith.constant 0 : i32
      %broadcast_in_dim3A_54 = vector.broadcast %broadcast_in_dim3A_53 : i32 to vector<16xi32>
      %swap3A_55 = arith.constant 32 : index
      %swap3A_56 = tpu.vector_load %arg5[%swap3A_55] {strides = array<i32>} : memref<256xi32, #tpu.memory_space<vmem>>, vector<16xi32>,
      tpu.vector_store %arg5[%swap3A_55], %broadcast_in_dim3A_54 {strides = array<i32>} : memref<256xi32, #tpu.memory_space<vmem>>, vector<16xi32>,
      %broadcast_in_dim3A_57 = arith.constant 0 : i32
      %broadcast_in_dim3A_58 = vector.broadcast %broadcast_in_dim3A_57 : i32 to vector<16xi32>
      %swap3A_59 = arith.constant 48 : index
      %swap3A_60 = tpu.vector_load %arg5[%swap3A_59] {strides = array<i32>} : memref<256xi32, #tpu.memory_space<vmem>>, vector<16xi32>,
      tpu.vector_store %arg5[%swap3A_59], %broadcast_in_dim3A_58 {strides = array<i32>} : memref<256xi32, #tpu.memory_space<vmem>>, vector<16xi32>,
      %broadcast_in_dim3A_61 = arith.constant 0 : i32
      %broadcast_in_dim3A_62 = vector.broadcast %broadcast_in_dim3A_61 : i32 to vector<16xi32>
      %swap3A_63 = arith.constant 64 : index
      %swap3A_64 = tpu.vector_load %arg5[%swap3A_63] {strides = array<i32>} : memref<256xi32, #tpu.memory_space<vmem>>, vector<16xi32>,
      tpu.vector_store %arg5[%swap3A_63], %broadcast_in_dim3A_62 {strides = array<i32>} : memref<256xi32, #tpu.memory_space<vmem>>, vector<16xi32>,
      %broadcast_in_dim3A_65 = arith.constant 0 : i32
      %broadcast_in_dim3A_66 = vector.broadcast %broadcast_in_dim3A_65 : i32 to vector<16xi32>
      %swap3A_67 = arith.constant 80 : index
      %swap3A_68 = tpu.vector_load %arg5[%swap3A_67] {strides = array<i32>} : memref<256xi32, #tpu.memory_space<vmem>>, vector<16xi32>,
      tpu.vector_store %arg5[%swap3A_67], %broadcast_in_dim3A_66 {strides = array<i32>} : memref<256xi32, #tpu.memory_space<vmem>>, vector<16xi32>,
      %broadcast_in_dim3A_69 = arith.constant 0 : i32
      %broadcast_in_dim3A_70 = vector.broadcast %broadcast_in_dim3A_69 : i32 to vector<16xi32>
      %swap3A_71 = arith.constant 96 : index
      %swap3A_72 = tpu.vector_load %arg5[%swap3A_71] {strides = array<i32>} : memref<256xi32, #tpu.memory_space<vmem>>, vector<16xi32>,
      tpu.vector_store %arg5[%swap3A_71], %broadcast_in_dim3A_70 {strides = array<i32>} : memref<256xi32, #tpu.memory_space<vmem>>, vector<16xi32>,
      %broadcast_in_dim3A_73 = arith.constant 0 : i32
      %broadcast_in_dim3A_74 = vector.broadcast %broadcast_in_dim3A_73 : i32 to vector<16xi32>
      %swap3A_75 = arith.constant 112 : index
      %swap3A_76 = tpu.vector_load %arg5[%swap3A_75] {strides = array<i32>} : memref<256xi32, #tpu.memory_space<vmem>>, vector<16xi32>,
      tpu.vector_store %arg5[%swap3A_75], %broadcast_in_dim3A_74 {strides = array<i32>} : memref<256xi32, #tpu.memory_space<vmem>>, vector<16xi32>,
      %broadcast_in_dim3A_77 = arith.constant 0 : i32
      %broadcast_in_dim3A_78 = vector.broadcast %broadcast_in_dim3A_77 : i32 to vector<16xi32>
      %swap3A_79 = arith.constant 128 : index
      %swap3A_80 = tpu.vector_load %arg5[%swap3A_79] {strides = array<i32>} : memref<256xi32, #tpu.memory_space<vmem>>, vector<16xi32>,
      tpu.vector_store %arg5[%swap3A_79], %broadcast_in_dim3A_78 {strides = array<i32>} : memref<256xi32, #tpu.memory_space<vmem>>, vector<16xi32>,
      %broadcast_in_dim3A_81 = arith.constant 0 : i32
      %broadcast_in_dim3A_82 = vector.broadcast %broadcast_in_dim3A_81 : i32 to vector<16xi32>
      %swap3A_83 = arith.constant 144 : index
      %swap3A_84 = tpu.vector_load %arg5[%swap3A_83] {strides = array<i32>} : memref<256xi32, #tpu.memory_space<vmem>>, vector<16xi32>,
      tpu.vector_store %arg5[%swap3A_83], %broadcast_in_dim3A_82 {strides = array<i32>} : memref<256xi32, #tpu.memory_space<vmem>>, vector<16xi32>,
      %broadcast_in_dim3A_85 = arith.constant 0 : i32
      %broadcast_in_dim3A_86 = vector.broadcast %broadcast_in_dim3A_85 : i32 to vector<16xi32>
      %swap3A_87 = arith.constant 160 : index
      %swap3A_88 = tpu.vector_load %arg5[%swap3A_87] {strides = array<i32>} : memref<256xi32, #tpu.memory_space<vmem>>, vector<16xi32>,
      tpu.vector_store %arg5[%swap3A_87], %broadcast_in_dim3A_86 {strides = array<i32>} : memref<256xi32, #tpu.memory_space<vmem>>, vector<16xi32>,
      %broadcast_in_dim3A_89 = arith.constant 0 : i32
      %broadcast_in_dim3A_90 = vector.broadcast %broadcast_in_dim3A_89 : i32 to vector<16xi32>
      %swap3A_91 = arith.constant 176 : index
      %swap3A_92 = tpu.vector_load %arg5[%swap3A_91] {strides = array<i32>} : memref<256xi32, #tpu.memory_space<vmem>>, vector<16xi32>,
      tpu.vector_store %arg5[%swap3A_91], %broadcast_in_dim3A_90 {strides = array<i32>} : memref<256xi32, #tpu.memory_space<vmem>>, vector<16xi32>,
      %broadcast_in_dim3A_93 = arith.constant 0 : i32
      %broadcast_in_dim3A_94 = vector.broadcast %broadcast_in_dim3A_93 : i32 to vector<16xi32>
      %swap3A_95 = arith.constant 192 : index
      %swap3A_96 = tpu.vector_load %arg5[%swap3A_95] {strides = array<i32>} : memref<256xi32, #tpu.memory_space<vmem>>, vector<16xi32>,
      tpu.vector_store %arg5[%swap3A_95], %broadcast_in_dim3A_94 {strides = array<i32>} : memref<256xi32, #tpu.memory_space<vmem>>, vector<16xi32>,
      %broadcast_in_dim3A_97 = arith.constant 0 : i32
      %broadcast_in_dim3A_98 = vector.broadcast %broadcast_in_dim3A_97 : i32 to vector<16xi32>
      %swap3A_99 = arith.constant 208 : index
      %swap3A_100 = tpu.vector_load %arg5[%swap3A_99] {strides = array<i32>} : memref<256xi32, #tpu.memory_space<vmem>>, vector<16xi32>,
      tpu.vector_store %arg5[%swap3A_99], %broadcast_in_dim3A_98 {strides = array<i32>} : memref<256xi32, #tpu.memory_space<vmem>>, vector<16xi32>,
      %broadcast_in_dim3A_101 = arith.constant 0 : i32
      %broadcast_in_dim3A_102 = vector.broadcast %broadcast_in_dim3A_101 : i32 to vector<16xi32>
      %swap3A_103 = arith.constant 224 : index
      %swap3A_104 = tpu.vector_load %arg5[%swap3A_103] {strides = array<i32>} : memref<256xi32, #tpu.memory_space<vmem>>, vector<16xi32>,
      tpu.vector_store %arg5[%swap3A_103], %broadcast_in_dim3A_102 {strides = array<i32>} : memref<256xi32, #tpu.memory_space<vmem>>, vector<16xi32>,
      %broadcast_in_dim3A_105 = arith.constant 0 : i32
      %broadcast_in_dim3A_106 = vector.broadcast %broadcast_in_dim3A_105 : i32 to vector<16xi32>
      %swap3A_107 = arith.constant 240 : index
      %swap3A_108 = tpu.vector_load %arg5[%swap3A_107] {strides = array<i32>} : memref<256xi32, #tpu.memory_space<vmem>>, vector<16xi32>,
      tpu.vector_store %arg5[%swap3A_107], %broadcast_in_dim3A_106 {strides = array<i32>} : memref<256xi32, #tpu.memory_space<vmem>>, vector<16xi32>,
      %parallel_loop3A = arith.constant 0 : i32
      %parallel_loop3A_109 = arith.constant 512 : i32
      %parallel_loop3A_110 = arith.constant 1 : i32
      scf.for %parallel_loop3A_1356 = %parallel_loop3A to %parallel_loop3A_109 step %parallel_loop3A_110  : i32 {
        %parallel_loop3A_1357 = arith.constant 16 : i32
        %parallel_loop3A_1358 = arith.muli %parallel_loop3A_1356, %parallel_loop3A_1357 : i32
        %parallel_loop3A_1359 = arith.addi %mul3A_31, %parallel_loop3A_1358 : i32
        %parallel_loop3A_1360 = arith.index_cast %parallel_loop3A_1359 : i32 to index
        %parallel_loop3A_1361 = tpu.vector_load %arg4[%parallel_loop3A_1360] {strides = array<i32>} : memref<16384xf32, #tpu.memory_space<vmem>>, vector<16xf32>,
        %parallel_loop3A_1362 = vector.bitcast %parallel_loop3A_1361 : vector<16xf32> to vector<16xi32>
        %parallel_loop3A_1363 = arith.shrui %parallel_loop3A_1362, %broadcast_in_dim3A_5 : vector<16xi32>
        %parallel_loop3A_1364 = arith.shrsi %parallel_loop3A_1362, %broadcast_in_dim3A_7 : vector<16xi32>
        %parallel_loop3A_1365 = arith.constant 127 : i32
        %parallel_loop3A_1366 = vector.broadcast %parallel_loop3A_1365 : i32 to vector<16xi32>
        %parallel_loop3A_1367 = arith.andi %parallel_loop3A_1364, %parallel_loop3A_1366 : vector<16xi32>
        %parallel_loop3A_1368 = arith.constant 128 : i32
        %parallel_loop3A_1369 = vector.broadcast %parallel_loop3A_1368 : i32 to vector<16xi32>
        %parallel_loop3A_1370 = arith.ori %parallel_loop3A_1367, %parallel_loop3A_1369 : vector<16xi32>
        %parallel_loop3A_1371 = arith.xori %parallel_loop3A_1363, %parallel_loop3A_1370 : vector<16xi32>
        tpu.vector_store_idx %arg5[%parallel_loop3A_1371], %broadcast_in_dim3A_3 {add = true} : memref<256xi32, #tpu.memory_space<vmem>>[vector<16xi32>], vector<16xi32>,
      } {sc.loop_unroll_factor = 16 : i64, sc.parallel_access}
      %get3A = arith.constant 0 : index
      %get3A_111 = tpu.vector_load %arg5[%get3A] {strides = array<i32>} : memref<256xi32, #tpu.memory_space<vmem>>, vector<16xi32>,
      %reduce_sum3A = arith.constant true
      %reduce_sum3A_112 = vector.broadcast %reduce_sum3A : i1 to vector<16xi1>
      %reduce_sum3A_113 = tpu.scan <sum>, %get3A_111 masked %reduce_sum3A_112 : vector<16xi32>, vector<16xi1> -> vector<16xi32>
      %reduce_sum3A_114 = vector.extract %reduce_sum3A_113[15] : i32 from vector<16xi32>
      %get3A_115 = arith.constant 16 : index
      %get3A_116 = tpu.vector_load %arg5[%get3A_115] {strides = array<i32>} : memref<256xi32, #tpu.memory_space<vmem>>, vector<16xi32>,
      %reduce_sum3A_117 = arith.constant true
      %reduce_sum3A_118 = vector.broadcast %reduce_sum3A_117 : i1 to vector<16xi1>
      %reduce_sum3A_119 = tpu.scan <sum>, %get3A_116 masked %reduce_sum3A_118 : vector<16xi32>, vector<16xi1> -> vector<16xi32>
      %reduce_sum3A_120 = vector.extract %reduce_sum3A_119[15] : i32 from vector<16xi32>
      %get3A_121 = arith.constant 32 : index
      %get3A_122 = tpu.vector_load %arg5[%get3A_121] {strides = array<i32>} : memref<256xi32, #tpu.memory_space<vmem>>, vector<16xi32>,
      %reduce_sum3A_123 = arith.constant true
      %reduce_sum3A_124 = vector.broadcast %reduce_sum3A_123 : i1 to vector<16xi1>
      %reduce_sum3A_125 = tpu.scan <sum>, %get3A_122 masked %reduce_sum3A_124 : vector<16xi32>, vector<16xi1> -> vector<16xi32>
      %reduce_sum3A_126 = vector.extract %reduce_sum3A_125[15] : i32 from vector<16xi32>
      %get3A_127 = arith.constant 48 : index
      %get3A_128 = tpu.vector_load %arg5[%get3A_127] {strides = array<i32>} : memref<256xi32, #tpu.memory_space<vmem>>, vector<16xi32>,
      %reduce_sum3A_129 = arith.constant true
      %reduce_sum3A_130 = vector.broadcast %reduce_sum3A_129 : i1 to vector<16xi1>
      %reduce_sum3A_131 = tpu.scan <sum>, %get3A_128 masked %reduce_sum3A_130 : vector<16xi32>, vector<16xi1> -> vector<16xi32>
      %reduce_sum3A_132 = vector.extract %reduce_sum3A_131[15] : i32 from vector<16xi32>
      %get3A_133 = arith.constant 64 : index
      %get3A_134 = tpu.vector_load %arg5[%get3A_133] {strides = array<i32>} : memref<256xi32, #tpu.memory_space<vmem>>, vector<16xi32>,
      %reduce_sum3A_135 = arith.constant true
      %reduce_sum3A_136 = vector.broadcast %reduce_sum3A_135 : i1 to vector<16xi1>
      %reduce_sum3A_137 = tpu.scan <sum>, %get3A_134 masked %reduce_sum3A_136 : vector<16xi32>, vector<16xi1> -> vector<16xi32>
      %reduce_sum3A_138 = vector.extract %reduce_sum3A_137[15] : i32 from vector<16xi32>
      %get3A_139 = arith.constant 80 : index
      %get3A_140 = tpu.vector_load %arg5[%get3A_139] {strides = array<i32>} : memref<256xi32, #tpu.memory_space<vmem>>, vector<16xi32>,
      %reduce_sum3A_141 = arith.constant true
      %reduce_sum3A_142 = vector.broadcast %reduce_sum3A_141 : i1 to vector<16xi1>
      %reduce_sum3A_143 = tpu.scan <sum>, %get3A_140 masked %reduce_sum3A_142 : vector<16xi32>, vector<16xi1> -> vector<16xi32>
      %reduce_sum3A_144 = vector.extract %reduce_sum3A_143[15] : i32 from vector<16xi32>
      %get3A_145 = arith.constant 96 : index
      %get3A_146 = tpu.vector_load %arg5[%get3A_145] {strides = array<i32>} : memref<256xi32, #tpu.memory_space<vmem>>, vector<16xi32>,
      %reduce_sum3A_147 = arith.constant true
      %reduce_sum3A_148 = vector.broadcast %reduce_sum3A_147 : i1 to vector<16xi1>
      %reduce_sum3A_149 = tpu.scan <sum>, %get3A_146 masked %reduce_sum3A_148 : vector<16xi32>, vector<16xi1> -> vector<16xi32>
      %reduce_sum3A_150 = vector.extract %reduce_sum3A_149[15] : i32 from vector<16xi32>
      %get3A_151 = arith.constant 112 : index
      %get3A_152 = tpu.vector_load %arg5[%get3A_151] {strides = array<i32>} : memref<256xi32, #tpu.memory_space<vmem>>, vector<16xi32>,
      %reduce_sum3A_153 = arith.constant true
      %reduce_sum3A_154 = vector.broadcast %reduce_sum3A_153 : i1 to vector<16xi1>
      %reduce_sum3A_155 = tpu.scan <sum>, %get3A_152 masked %reduce_sum3A_154 : vector<16xi32>, vector<16xi1> -> vector<16xi32>
      %reduce_sum3A_156 = vector.extract %reduce_sum3A_155[15] : i32 from vector<16xi32>
      %get3A_157 = arith.constant 128 : index
      %get3A_158 = tpu.vector_load %arg5[%get3A_157] {strides = array<i32>} : memref<256xi32, #tpu.memory_space<vmem>>, vector<16xi32>,
      %reduce_sum3A_159 = arith.constant true
      %reduce_sum3A_160 = vector.broadcast %reduce_sum3A_159 : i1 to vector<16xi1>
      %reduce_sum3A_161 = tpu.scan <sum>, %get3A_158 masked %reduce_sum3A_160 : vector<16xi32>, vector<16xi1> -> vector<16xi32>
      %reduce_sum3A_162 = vector.extract %reduce_sum3A_161[15] : i32 from vector<16xi32>
      %get3A_163 = arith.constant 144 : index
      %get3A_164 = tpu.vector_load %arg5[%get3A_163] {strides = array<i32>} : memref<256xi32, #tpu.memory_space<vmem>>, vector<16xi32>,
      %reduce_sum3A_165 = arith.constant true
      %reduce_sum3A_166 = vector.broadcast %reduce_sum3A_165 : i1 to vector<16xi1>
      %reduce_sum3A_167 = tpu.scan <sum>, %get3A_164 masked %reduce_sum3A_166 : vector<16xi32>, vector<16xi1> -> vector<16xi32>
      %reduce_sum3A_168 = vector.extract %reduce_sum3A_167[15] : i32 from vector<16xi32>
      %get3A_169 = arith.constant 160 : index
      %get3A_170 = tpu.vector_load %arg5[%get3A_169] {strides = array<i32>} : memref<256xi32, #tpu.memory_space<vmem>>, vector<16xi32>,
      %reduce_sum3A_171 = arith.constant true
      %reduce_sum3A_172 = vector.broadcast %reduce_sum3A_171 : i1 to vector<16xi1>
      %reduce_sum3A_173 = tpu.scan <sum>, %get3A_170 masked %reduce_sum3A_172 : vector<16xi32>, vector<16xi1> -> vector<16xi32>
      %reduce_sum3A_174 = vector.extract %reduce_sum3A_173[15] : i32 from vector<16xi32>
      %get3A_175 = arith.constant 176 : index
      %get3A_176 = tpu.vector_load %arg5[%get3A_175] {strides = array<i32>} : memref<256xi32, #tpu.memory_space<vmem>>, vector<16xi32>,
      %reduce_sum3A_177 = arith.constant true
      %reduce_sum3A_178 = vector.broadcast %reduce_sum3A_177 : i1 to vector<16xi1>
      %reduce_sum3A_179 = tpu.scan <sum>, %get3A_176 masked %reduce_sum3A_178 : vector<16xi32>, vector<16xi1> -> vector<16xi32>
      %reduce_sum3A_180 = vector.extract %reduce_sum3A_179[15] : i32 from vector<16xi32>
      %get3A_181 = arith.constant 192 : index
      %get3A_182 = tpu.vector_load %arg5[%get3A_181] {strides = array<i32>} : memref<256xi32, #tpu.memory_space<vmem>>, vector<16xi32>,
      %reduce_sum3A_183 = arith.constant true
      %reduce_sum3A_184 = vector.broadcast %reduce_sum3A_183 : i1 to vector<16xi1>
      %reduce_sum3A_185 = tpu.scan <sum>, %get3A_182 masked %reduce_sum3A_184 : vector<16xi32>, vector<16xi1> -> vector<16xi32>
      %reduce_sum3A_186 = vector.extract %reduce_sum3A_185[15] : i32 from vector<16xi32>
      %get3A_187 = arith.constant 208 : index
      %get3A_188 = tpu.vector_load %arg5[%get3A_187] {strides = array<i32>} : memref<256xi32, #tpu.memory_space<vmem>>, vector<16xi32>,
      %reduce_sum3A_189 = arith.constant true
      %reduce_sum3A_190 = vector.broadcast %reduce_sum3A_189 : i1 to vector<16xi1>
      %reduce_sum3A_191 = tpu.scan <sum>, %get3A_188 masked %reduce_sum3A_190 : vector<16xi32>, vector<16xi1> -> vector<16xi32>
      %reduce_sum3A_192 = vector.extract %reduce_sum3A_191[15] : i32 from vector<16xi32>
      %get3A_193 = arith.constant 224 : index
      %get3A_194 = tpu.vector_load %arg5[%get3A_193] {strides = array<i32>} : memref<256xi32, #tpu.memory_space<vmem>>, vector<16xi32>,
      %reduce_sum3A_195 = arith.constant true
      %reduce_sum3A_196 = vector.broadcast %reduce_sum3A_195 : i1 to vector<16xi1>
      %reduce_sum3A_197 = tpu.scan <sum>, %get3A_194 masked %reduce_sum3A_196 : vector<16xi32>, vector<16xi1> -> vector<16xi32>
      %reduce_sum3A_198 = vector.extract %reduce_sum3A_197[15] : i32 from vector<16xi32>
      %get3A_199 = arith.constant 240 : index
      %get3A_200 = tpu.vector_load %arg5[%get3A_199] {strides = array<i32>} : memref<256xi32, #tpu.memory_space<vmem>>, vector<16xi32>,
      %reduce_sum3A_201 = arith.constant true
      %reduce_sum3A_202 = vector.broadcast %reduce_sum3A_201 : i1 to vector<16xi1>
      %reduce_sum3A_203 = tpu.scan <sum>, %get3A_200 masked %reduce_sum3A_202 : vector<16xi32>, vector<16xi1> -> vector<16xi32>
      %reduce_sum3A_204 = vector.extract %reduce_sum3A_203[15] : i32 from vector<16xi32>
      %add3A_205 = arith.constant 0 : i32
      %add3A_206 = arith.addi %add3A_205, %reduce_sum3A_114 : i32
      %add3A_207 = arith.addi %add3A_206, %reduce_sum3A_120 : i32
      %add3A_208 = arith.addi %add3A_207, %reduce_sum3A_126 : i32
      %add3A_209 = arith.addi %add3A_208, %reduce_sum3A_132 : i32
      %add3A_210 = arith.addi %add3A_209, %reduce_sum3A_138 : i32
      %add3A_211 = arith.addi %add3A_210, %reduce_sum3A_144 : i32
      %add3A_212 = arith.addi %add3A_211, %reduce_sum3A_150 : i32
      %add3A_213 = arith.addi %add3A_212, %reduce_sum3A_156 : i32
      %add3A_214 = arith.addi %add3A_213, %reduce_sum3A_162 : i32
      %add3A_215 = arith.addi %add3A_214, %reduce_sum3A_168 : i32
      %add3A_216 = arith.addi %add3A_215, %reduce_sum3A_174 : i32
      %add3A_217 = arith.addi %add3A_216, %reduce_sum3A_180 : i32
      %add3A_218 = arith.addi %add3A_217, %reduce_sum3A_186 : i32
      %add3A_219 = arith.addi %add3A_218, %reduce_sum3A_192 : i32
      %add3A_220 = arith.addi %add3A_219, %reduce_sum3A_198 : i32
      %add3A_221 = arith.addi %add3A_220, %reduce_sum3A_204 : i32
      %le3A = arith.constant 4095 : i32
      %le3A_222 = arith.cmpi sle, %add3A_206, %le3A : i32
      %convert_element_type3A_223 = arith.extui %le3A_222 : i1 to i32
      %add3A_224 = arith.constant 0 : i32
      %add3A_225 = arith.addi %add3A_224, %convert_element_type3A_223 : i32
      %jit3A = arith.constant 0 : i32
      %select_n3A = arith.select %le3A_222, %add3A_206, %jit3A : i32
      %max3A = arith.constant 0 : i32
      %max3A_226 = arith.maxsi %max3A, %select_n3A : i32
      %le3A_227 = arith.constant 4095 : i32
      %le3A_228 = arith.cmpi sle, %add3A_207, %le3A_227 : i32
      %convert_element_type3A_229 = arith.extui %le3A_228 : i1 to i32
      %add3A_230 = arith.addi %add3A_225, %convert_element_type3A_229 : i32
      %jit3A_231 = arith.constant 0 : i32
      %select_n3A_232 = arith.select %le3A_228, %add3A_207, %jit3A_231 : i32
      %max3A_233 = arith.maxsi %max3A_226, %select_n3A_232 : i32
      %le3A_234 = arith.constant 4095 : i32
      %le3A_235 = arith.cmpi sle, %add3A_208, %le3A_234 : i32
      %convert_element_type3A_236 = arith.extui %le3A_235 : i1 to i32
      %add3A_237 = arith.addi %add3A_230, %convert_element_type3A_236 : i32
      %jit3A_238 = arith.constant 0 : i32
      %select_n3A_239 = arith.select %le3A_235, %add3A_208, %jit3A_238 : i32
      %max3A_240 = arith.maxsi %max3A_233, %select_n3A_239 : i32
      %le3A_241 = arith.constant 4095 : i32
      %le3A_242 = arith.cmpi sle, %add3A_209, %le3A_241 : i32
      %convert_element_type3A_243 = arith.extui %le3A_242 : i1 to i32
      %add3A_244 = arith.addi %add3A_237, %convert_element_type3A_243 : i32
      %jit3A_245 = arith.constant 0 : i32
      %select_n3A_246 = arith.select %le3A_242, %add3A_209, %jit3A_245 : i32
      %max3A_247 = arith.maxsi %max3A_240, %select_n3A_246 : i32
      %le3A_248 = arith.constant 4095 : i32
      %le3A_249 = arith.cmpi sle, %add3A_210, %le3A_248 : i32
      %convert_element_type3A_250 = arith.extui %le3A_249 : i1 to i32
      %add3A_251 = arith.addi %add3A_244, %convert_element_type3A_250 : i32
      %jit3A_252 = arith.constant 0 : i32
      %select_n3A_253 = arith.select %le3A_249, %add3A_210, %jit3A_252 : i32
      %max3A_254 = arith.maxsi %max3A_247, %select_n3A_253 : i32
      %le3A_255 = arith.constant 4095 : i32
      %le3A_256 = arith.cmpi sle, %add3A_211, %le3A_255 : i32
      %convert_element_type3A_257 = arith.extui %le3A_256 : i1 to i32
      %add3A_258 = arith.addi %add3A_251, %convert_element_type3A_257 : i32
      %jit3A_259 = arith.constant 0 : i32
      %select_n3A_260 = arith.select %le3A_256, %add3A_211, %jit3A_259 : i32
      %max3A_261 = arith.maxsi %max3A_254, %select_n3A_260 : i32
      %le3A_262 = arith.constant 4095 : i32
      %le3A_263 = arith.cmpi sle, %add3A_212, %le3A_262 : i32
      %convert_element_type3A_264 = arith.extui %le3A_263 : i1 to i32
      %add3A_265 = arith.addi %add3A_258, %convert_element_type3A_264 : i32
      %jit3A_266 = arith.constant 0 : i32
      %select_n3A_267 = arith.select %le3A_263, %add3A_212, %jit3A_266 : i32
      %max3A_268 = arith.maxsi %max3A_261, %select_n3A_267 : i32
      %le3A_269 = arith.constant 4095 : i32
      %le3A_270 = arith.cmpi sle, %add3A_213, %le3A_269 : i32
      %convert_element_type3A_271 = arith.extui %le3A_270 : i1 to i32
      %add3A_272 = arith.addi %add3A_265, %convert_element_type3A_271 : i32
      %jit3A_273 = arith.constant 0 : i32
      %select_n3A_274 = arith.select %le3A_270, %add3A_213, %jit3A_273 : i32
      %max3A_275 = arith.maxsi %max3A_268, %select_n3A_274 : i32
      %le3A_276 = arith.constant 4095 : i32
      %le3A_277 = arith.cmpi sle, %add3A_214, %le3A_276 : i32
      %convert_element_type3A_278 = arith.extui %le3A_277 : i1 to i32
      %add3A_279 = arith.addi %add3A_272, %convert_element_type3A_278 : i32
      %jit3A_280 = arith.constant 0 : i32
      %select_n3A_281 = arith.select %le3A_277, %add3A_214, %jit3A_280 : i32
      %max3A_282 = arith.maxsi %max3A_275, %select_n3A_281 : i32
      %le3A_283 = arith.constant 4095 : i32
      %le3A_284 = arith.cmpi sle, %add3A_215, %le3A_283 : i32
      %convert_element_type3A_285 = arith.extui %le3A_284 : i1 to i32
      %add3A_286 = arith.addi %add3A_279, %convert_element_type3A_285 : i32
      %jit3A_287 = arith.constant 0 : i32
      %select_n3A_288 = arith.select %le3A_284, %add3A_215, %jit3A_287 : i32
      %max3A_289 = arith.maxsi %max3A_282, %select_n3A_288 : i32
      %le3A_290 = arith.constant 4095 : i32
      %le3A_291 = arith.cmpi sle, %add3A_216, %le3A_290 : i32
      %convert_element_type3A_292 = arith.extui %le3A_291 : i1 to i32
      %add3A_293 = arith.addi %add3A_286, %convert_element_type3A_292 : i32
      %jit3A_294 = arith.constant 0 : i32
      %select_n3A_295 = arith.select %le3A_291, %add3A_216, %jit3A_294 : i32
      %max3A_296 = arith.maxsi %max3A_289, %select_n3A_295 : i32
      %le3A_297 = arith.constant 4095 : i32
      %le3A_298 = arith.cmpi sle, %add3A_217, %le3A_297 : i32
      %convert_element_type3A_299 = arith.extui %le3A_298 : i1 to i32
      %add3A_300 = arith.addi %add3A_293, %convert_element_type3A_299 : i32
      %jit3A_301 = arith.constant 0 : i32
      %select_n3A_302 = arith.select %le3A_298, %add3A_217, %jit3A_301 : i32
      %max3A_303 = arith.maxsi %max3A_296, %select_n3A_302 : i32
      %le3A_304 = arith.constant 4095 : i32
      %le3A_305 = arith.cmpi sle, %add3A_218, %le3A_304 : i32
      %convert_element_type3A_306 = arith.extui %le3A_305 : i1 to i32
      %add3A_307 = arith.addi %add3A_300, %convert_element_type3A_306 : i32
      %jit3A_308 = arith.constant 0 : i32
      %select_n3A_309 = arith.select %le3A_305, %add3A_218, %jit3A_308 : i32
      %max3A_310 = arith.maxsi %max3A_303, %select_n3A_309 : i32
      %le3A_311 = arith.constant 4095 : i32
      %le3A_312 = arith.cmpi sle, %add3A_219, %le3A_311 : i32
      %convert_element_type3A_313 = arith.extui %le3A_312 : i1 to i32
      %add3A_314 = arith.addi %add3A_307, %convert_element_type3A_313 : i32
      %jit3A_315 = arith.constant 0 : i32
      %select_n3A_316 = arith.select %le3A_312, %add3A_219, %jit3A_315 : i32
      %max3A_317 = arith.maxsi %max3A_310, %select_n3A_316 : i32
      %le3A_318 = arith.constant 4095 : i32
      %le3A_319 = arith.cmpi sle, %add3A_220, %le3A_318 : i32
      %convert_element_type3A_320 = arith.extui %le3A_319 : i1 to i32
      %add3A_321 = arith.addi %add3A_314, %convert_element_type3A_320 : i32
      %jit3A_322 = arith.constant 0 : i32
      %select_n3A_323 = arith.select %le3A_319, %add3A_220, %jit3A_322 : i32
      %max3A_324 = arith.maxsi %max3A_317, %select_n3A_323 : i32
      %mul3A_325 = arith.constant 16 : i32
      %mul3A_326 = arith.muli %add3A_321, %mul3A_325 : i32
      %get3A_327 = arith.index_cast %mul3A_326 : i32 to index
      %get3A_328 = tpu.vector_load %arg5[%get3A_327] {strides = array<i32>} : memref<256xi32, #tpu.memory_space<vmem>>, vector<16xi32>,
      %broadcast_in_dim3A_329 = arith.constant true
      %broadcast_in_dim3A_330 = vector.broadcast %broadcast_in_dim3A_329 : i1 to vector<16xi1>
      %masked_cumsum3A = tpu.scan <sum>, %get3A_328 masked %broadcast_in_dim3A_330 : vector<16xi32>, vector<16xi1> -> vector<16xi32>
      %add3A_331 = vector.broadcast %max3A_324 : i32 to vector<16xi32>
      %add3A_332 = arith.addi %masked_cumsum3A, %add3A_331 : vector<16xi32>
      %le3A_333 = arith.constant 4095 : i32
      %le3A_334 = vector.broadcast %le3A_333 : i32 to vector<16xi32>
      %le3A_335 = arith.cmpi sle, %add3A_332, %le3A_334 : vector<16xi32>
      %convert_element_type3A_336 = arith.extui %le3A_335 : vector<16xi1> to vector<16xi32>
      %reduce_sum3A_337 = arith.constant true
      %reduce_sum3A_338 = vector.broadcast %reduce_sum3A_337 : i1 to vector<16xi1>
      %reduce_sum3A_339 = tpu.scan <sum>, %convert_element_type3A_336 masked %reduce_sum3A_338 : vector<16xi32>, vector<16xi1> -> vector<16xi32>
      %reduce_sum3A_340 = vector.extract %reduce_sum3A_339[15] : i32 from vector<16xi32>
      %mul3A_341 = arith.constant 16 : i32
      %mul3A_342 = arith.muli %add3A_321, %mul3A_341 : i32
      %add3A_343 = arith.addi %mul3A_342, %reduce_sum3A_340 : i32
      %jit3A_344 = arith.constant 0 : i32
      %broadcast_in_dim3A_345 = vector.broadcast %jit3A_344 : i32 to vector<16xi32>
      %select_n3A_346 = arith.select %le3A_335, %add3A_332, %broadcast_in_dim3A_345 : vector<16xi1>, vector<16xi32>
      %reduce_max3A = arith.constant true
      %reduce_max3A_347 = vector.broadcast %reduce_max3A : i1 to vector<16xi1>
      %reduce_max3A_348 = arith.constant -2147483648 : i32
      %reduce_max3A_349 = vector.broadcast %reduce_max3A_348 : i32 to vector<16xi32>
      %reduce_max3A_350 = arith.xori %select_n3A_346, %reduce_max3A_349 : vector<16xi32>
      %reduce_max3A_351 = tpu.scan <max>, %reduce_max3A_350 masked %reduce_max3A_347 : vector<16xi32>, vector<16xi1> -> vector<16xi32>
      %reduce_max3A_352 = arith.xori %reduce_max3A_351, %reduce_max3A_349 : vector<16xi32>
      %reduce_max3A_353 = vector.extract %reduce_max3A_352[15] : i32 from vector<16xi32>
      %max3A_354 = arith.maxsi %reduce_max3A_353, %max3A_324 : i32
      %jit3A_355 = arith.constant 1073741824 : i32
      %broadcast_in_dim3A_356 = vector.broadcast %jit3A_355 : i32 to vector<16xi32>
      %select_n3A_357 = arith.select %le3A_335, %broadcast_in_dim3A_356, %add3A_332 : vector<16xi1>, vector<16xi32>
      %reduce_min3A = arith.constant true
      %reduce_min3A_358 = vector.broadcast %reduce_min3A : i1 to vector<16xi1>
      %reduce_min3A_359 = arith.constant -2147483648 : i32
      %reduce_min3A_360 = vector.broadcast %reduce_min3A_359 : i32 to vector<16xi32>
      %reduce_min3A_361 = arith.xori %select_n3A_357, %reduce_min3A_360 : vector<16xi32>
      %reduce_min3A_362 = tpu.scan <min>, %reduce_min3A_361 masked %reduce_min3A_358 : vector<16xi32>, vector<16xi1> -> vector<16xi32>
      %reduce_min3A_363 = arith.xori %reduce_min3A_362, %reduce_min3A_360 : vector<16xi32>
      %reduce_min3A_364 = vector.extract %reduce_min3A_363[15] : i32 from vector<16xi32>
      %sub3A = arith.constant 4095 : i32
      %sub3A_365 = arith.subi %sub3A, %max3A_354 : i32
      %lt3A_366 = arith.constant 128 : i32
      %lt3A_367 = arith.cmpi slt, %add3A_343, %lt3A_366 : i32
      %xor3A = arith.constant 255 : i32
      %xor3A_368 = arith.xori %add3A_343, %xor3A : i32
      %xor3A_369 = arith.constant 128 : i32
      %xor3A_370 = arith.xori %add3A_343, %xor3A_369 : i32
      %select_n3A_371 = arith.select %lt3A_367, %xor3A_368, %xor3A_370 : i32
      %sub3A_372 = arith.subi %reduce_min3A_364, %max3A_354 : i32
      %sub3A_373 = arith.constant 1 : i32
      %sub3A_374 = arith.subi %sub3A_372, %sub3A_373 : i32
      %sub3A_375 = arith.subi %sub3A_374, %sub3A_365 : i32
      %select_n3A_376 = arith.select %lt3A_367, %sub3A_375, %sub3A_365 : i32
      %broadcast_in_dim3A_377 = arith.constant 0 : i32
      %broadcast_in_dim3A_378 = vector.broadcast %broadcast_in_dim3A_377 : i32 to vector<16xi32>
      %swap3A_379 = arith.constant 0 : index
      %swap3A_380 = tpu.vector_load %arg5[%swap3A_379] {strides = array<i32>} : memref<256xi32, #tpu.memory_space<vmem>>, vector<16xi32>,
      tpu.vector_store %arg5[%swap3A_379], %broadcast_in_dim3A_378 {strides = array<i32>} : memref<256xi32, #tpu.memory_space<vmem>>, vector<16xi32>,
      %broadcast_in_dim3A_381 = arith.constant 0 : i32
      %broadcast_in_dim3A_382 = vector.broadcast %broadcast_in_dim3A_381 : i32 to vector<16xi32>
      %swap3A_383 = arith.constant 16 : index
      %swap3A_384 = tpu.vector_load %arg5[%swap3A_383] {strides = array<i32>} : memref<256xi32, #tpu.memory_space<vmem>>, vector<16xi32>,
      tpu.vector_store %arg5[%swap3A_383], %broadcast_in_dim3A_382 {strides = array<i32>} : memref<256xi32, #tpu.memory_space<vmem>>, vector<16xi32>,
      %broadcast_in_dim3A_385 = arith.constant 0 : i32
      %broadcast_in_dim3A_386 = vector.broadcast %broadcast_in_dim3A_385 : i32 to vector<16xi32>
      %swap3A_387 = arith.constant 32 : index
      %swap3A_388 = tpu.vector_load %arg5[%swap3A_387] {strides = array<i32>} : memref<256xi32, #tpu.memory_space<vmem>>, vector<16xi32>,
      tpu.vector_store %arg5[%swap3A_387], %broadcast_in_dim3A_386 {strides = array<i32>} : memref<256xi32, #tpu.memory_space<vmem>>, vector<16xi32>,
      %broadcast_in_dim3A_389 = arith.constant 0 : i32
      %broadcast_in_dim3A_390 = vector.broadcast %broadcast_in_dim3A_389 : i32 to vector<16xi32>
      %swap3A_391 = arith.constant 48 : index
      %swap3A_392 = tpu.vector_load %arg5[%swap3A_391] {strides = array<i32>} : memref<256xi32, #tpu.memory_space<vmem>>, vector<16xi32>,
      tpu.vector_store %arg5[%swap3A_391], %broadcast_in_dim3A_390 {strides = array<i32>} : memref<256xi32, #tpu.memory_space<vmem>>, vector<16xi32>,
      %broadcast_in_dim3A_393 = arith.constant 0 : i32
      %broadcast_in_dim3A_394 = vector.broadcast %broadcast_in_dim3A_393 : i32 to vector<16xi32>
      %swap3A_395 = arith.constant 64 : index
      %swap3A_396 = tpu.vector_load %arg5[%swap3A_395] {strides = array<i32>} : memref<256xi32, #tpu.memory_space<vmem>>, vector<16xi32>,
      tpu.vector_store %arg5[%swap3A_395], %broadcast_in_dim3A_394 {strides = array<i32>} : memref<256xi32, #tpu.memory_space<vmem>>, vector<16xi32>,
      %broadcast_in_dim3A_397 = arith.constant 0 : i32
      %broadcast_in_dim3A_398 = vector.broadcast %broadcast_in_dim3A_397 : i32 to vector<16xi32>
      %swap3A_399 = arith.constant 80 : index
      %swap3A_400 = tpu.vector_load %arg5[%swap3A_399] {strides = array<i32>} : memref<256xi32, #tpu.memory_space<vmem>>, vector<16xi32>,
      tpu.vector_store %arg5[%swap3A_399], %broadcast_in_dim3A_398 {strides = array<i32>} : memref<256xi32, #tpu.memory_space<vmem>>, vector<16xi32>,
      %broadcast_in_dim3A_401 = arith.constant 0 : i32
      %broadcast_in_dim3A_402 = vector.broadcast %broadcast_in_dim3A_401 : i32 to vector<16xi32>
      %swap3A_403 = arith.constant 96 : index
      %swap3A_404 = tpu.vector_load %arg5[%swap3A_403] {strides = array<i32>} : memref<256xi32, #tpu.memory_space<vmem>>, vector<16xi32>,
      tpu.vector_store %arg5[%swap3A_403], %broadcast_in_dim3A_402 {strides = array<i32>} : memref<256xi32, #tpu.memory_space<vmem>>, vector<16xi32>,
      %broadcast_in_dim3A_405 = arith.constant 0 : i32
      %broadcast_in_dim3A_406 = vector.broadcast %broadcast_in_dim3A_405 : i32 to vector<16xi32>
      %swap3A_407 = arith.constant 112 : index
      %swap3A_408 = tpu.vector_load %arg5[%swap3A_407] {strides = array<i32>} : memref<256xi32, #tpu.memory_space<vmem>>, vector<16xi32>,
      tpu.vector_store %arg5[%swap3A_407], %broadcast_in_dim3A_406 {strides = array<i32>} : memref<256xi32, #tpu.memory_space<vmem>>, vector<16xi32>,
      %broadcast_in_dim3A_409 = arith.constant 0 : i32
      %broadcast_in_dim3A_410 = vector.broadcast %broadcast_in_dim3A_409 : i32 to vector<16xi32>
      %swap3A_411 = arith.constant 128 : index
      %swap3A_412 = tpu.vector_load %arg5[%swap3A_411] {strides = array<i32>} : memref<256xi32, #tpu.memory_space<vmem>>, vector<16xi32>,
      tpu.vector_store %arg5[%swap3A_411], %broadcast_in_dim3A_410 {strides = array<i32>} : memref<256xi32, #tpu.memory_space<vmem>>, vector<16xi32>,
      %broadcast_in_dim3A_413 = arith.constant 0 : i32
      %broadcast_in_dim3A_414 = vector.broadcast %broadcast_in_dim3A_413 : i32 to vector<16xi32>
      %swap3A_415 = arith.constant 144 : index
      %swap3A_416 = tpu.vector_load %arg5[%swap3A_415] {strides = array<i32>} : memref<256xi32, #tpu.memory_space<vmem>>, vector<16xi32>,
      tpu.vector_store %arg5[%swap3A_415], %broadcast_in_dim3A_414 {strides = array<i32>} : memref<256xi32, #tpu.memory_space<vmem>>, vector<16xi32>,
      %broadcast_in_dim3A_417 = arith.constant 0 : i32
      %broadcast_in_dim3A_418 = vector.broadcast %broadcast_in_dim3A_417 : i32 to vector<16xi32>
      %swap3A_419 = arith.constant 160 : index
      %swap3A_420 = tpu.vector_load %arg5[%swap3A_419] {strides = array<i32>} : memref<256xi32, #tpu.memory_space<vmem>>, vector<16xi32>,
      tpu.vector_store %arg5[%swap3A_419], %broadcast_in_dim3A_418 {strides = array<i32>} : memref<256xi32, #tpu.memory_space<vmem>>, vector<16xi32>,
      %broadcast_in_dim3A_421 = arith.constant 0 : i32
      %broadcast_in_dim3A_422 = vector.broadcast %broadcast_in_dim3A_421 : i32 to vector<16xi32>
      %swap3A_423 = arith.constant 176 : index
      %swap3A_424 = tpu.vector_load %arg5[%swap3A_423] {strides = array<i32>} : memref<256xi32, #tpu.memory_space<vmem>>, vector<16xi32>,
      tpu.vector_store %arg5[%swap3A_423], %broadcast_in_dim3A_422 {strides = array<i32>} : memref<256xi32, #tpu.memory_space<vmem>>, vector<16xi32>,
      %broadcast_in_dim3A_425 = arith.constant 0 : i32
      %broadcast_in_dim3A_426 = vector.broadcast %broadcast_in_dim3A_425 : i32 to vector<16xi32>
      %swap3A_427 = arith.constant 192 : index
      %swap3A_428 = tpu.vector_load %arg5[%swap3A_427] {strides = array<i32>} : memref<256xi32, #tpu.memory_space<vmem>>, vector<16xi32>,
      tpu.vector_store %arg5[%swap3A_427], %broadcast_in_dim3A_426 {strides = array<i32>} : memref<256xi32, #tpu.memory_space<vmem>>, vector<16xi32>,
      %broadcast_in_dim3A_429 = arith.constant 0 : i32
      %broadcast_in_dim3A_430 = vector.broadcast %broadcast_in_dim3A_429 : i32 to vector<16xi32>
      %swap3A_431 = arith.constant 208 : index
      %swap3A_432 = tpu.vector_load %arg5[%swap3A_431] {strides = array<i32>} : memref<256xi32, #tpu.memory_space<vmem>>, vector<16xi32>,
      tpu.vector_store %arg5[%swap3A_431], %broadcast_in_dim3A_430 {strides = array<i32>} : memref<256xi32, #tpu.memory_space<vmem>>, vector<16xi32>,
      %broadcast_in_dim3A_433 = arith.constant 0 : i32
      %broadcast_in_dim3A_434 = vector.broadcast %broadcast_in_dim3A_433 : i32 to vector<16xi32>
      %swap3A_435 = arith.constant 224 : index
      %swap3A_436 = tpu.vector_load %arg5[%swap3A_435] {strides = array<i32>} : memref<256xi32, #tpu.memory_space<vmem>>, vector<16xi32>,
      tpu.vector_store %arg5[%swap3A_435], %broadcast_in_dim3A_434 {strides = array<i32>} : memref<256xi32, #tpu.memory_space<vmem>>, vector<16xi32>,
      %broadcast_in_dim3A_437 = arith.constant 0 : i32
      %broadcast_in_dim3A_438 = vector.broadcast %broadcast_in_dim3A_437 : i32 to vector<16xi32>
      %swap3A_439 = arith.constant 240 : index
      %swap3A_440 = tpu.vector_load %arg5[%swap3A_439] {strides = array<i32>} : memref<256xi32, #tpu.memory_space<vmem>>, vector<16xi32>,
      tpu.vector_store %arg5[%swap3A_439], %broadcast_in_dim3A_438 {strides = array<i32>} : memref<256xi32, #tpu.memory_space<vmem>>, vector<16xi32>,
      %shift_left3A = arith.constant 24 : i32
      %shift_left3A_441 = arith.shli %select_n3A_371, %shift_left3A : i32
      %xor3A_442 = arith.constant -2147483648 : i32
      %xor3A_443 = arith.xori %shift_left3A_441, %xor3A_442 : i32
      %broadcast_in_dim3A_444 = vector.broadcast %xor3A_443 : i32 to vector<16xi32>
      %broadcast_in_dim3A_445 = arith.constant 16 : i32
      %broadcast_in_dim3A_446 = vector.broadcast %broadcast_in_dim3A_445 : i32 to vector<16xi32>
      %parallel_loop3A_447 = arith.constant 0 : i32
      %parallel_loop3A_448 = arith.constant 512 : i32
      %parallel_loop3A_449 = arith.constant 1 : i32
      %parallel_loop3A_450 = arith.constant -2130706432 : i32
      scf.for %parallel_loop3A_1356 = %parallel_loop3A_447 to %parallel_loop3A_448 step %parallel_loop3A_449  : i32 {
        %parallel_loop3A_1357 = arith.constant 16 : i32
        %parallel_loop3A_1358 = arith.muli %parallel_loop3A_1356, %parallel_loop3A_1357 : i32
        %parallel_loop3A_1359 = arith.addi %mul3A_31, %parallel_loop3A_1358 : i32
        %parallel_loop3A_1360 = arith.index_cast %parallel_loop3A_1359 : i32 to index
        %parallel_loop3A_1361 = tpu.vector_load %arg4[%parallel_loop3A_1360] {strides = array<i32>} : memref<16384xf32, #tpu.memory_space<vmem>>, vector<16xf32>,
        %parallel_loop3A_1362 = vector.bitcast %parallel_loop3A_1361 : vector<16xf32> to vector<16xi32>
        %parallel_loop3A_1363 = arith.xori %parallel_loop3A_1362, %broadcast_in_dim3A_444 : vector<16xi32>
        %parallel_loop3A_1364 = vector.broadcast %parallel_loop3A_450 : i32 to vector<16xi32>
        %parallel_loop3A_1365 = arith.cmpi slt, %parallel_loop3A_1363, %parallel_loop3A_1364 : vector<16xi32>
        %parallel_loop3A_1366 = arith.shrui %parallel_loop3A_1362, %broadcast_in_dim3A_446 : vector<16xi32>
        %parallel_loop3A_1367 = arith.andi %parallel_loop3A_1366, %broadcast_in_dim3A_9 : vector<16xi32>
        tpu.vector_store_idx %arg5[%parallel_loop3A_1367], %broadcast_in_dim3A_3 masked %parallel_loop3A_1365 {add = true} : memref<256xi32, #tpu.memory_space<vmem>>[vector<16xi32>], vector<16xi32>, vector<16xi1>
      } {sc.loop_unroll_factor = 16 : i64, sc.parallel_access}
      %get3A_451 = arith.constant 0 : index
      %get3A_452 = tpu.vector_load %arg5[%get3A_451] {strides = array<i32>} : memref<256xi32, #tpu.memory_space<vmem>>, vector<16xi32>,
      %reduce_sum3A_453 = arith.constant true
      %reduce_sum3A_454 = vector.broadcast %reduce_sum3A_453 : i1 to vector<16xi1>
      %reduce_sum3A_455 = tpu.scan <sum>, %get3A_452 masked %reduce_sum3A_454 : vector<16xi32>, vector<16xi1> -> vector<16xi32>
      %reduce_sum3A_456 = vector.extract %reduce_sum3A_455[15] : i32 from vector<16xi32>
      %get3A_457 = arith.constant 16 : index
      %get3A_458 = tpu.vector_load %arg5[%get3A_457] {strides = array<i32>} : memref<256xi32, #tpu.memory_space<vmem>>, vector<16xi32>,
      %reduce_sum3A_459 = arith.constant true
      %reduce_sum3A_460 = vector.broadcast %reduce_sum3A_459 : i1 to vector<16xi1>
      %reduce_sum3A_461 = tpu.scan <sum>, %get3A_458 masked %reduce_sum3A_460 : vector<16xi32>, vector<16xi1> -> vector<16xi32>
      %reduce_sum3A_462 = vector.extract %reduce_sum3A_461[15] : i32 from vector<16xi32>
      %get3A_463 = arith.constant 32 : index
      %get3A_464 = tpu.vector_load %arg5[%get3A_463] {strides = array<i32>} : memref<256xi32, #tpu.memory_space<vmem>>, vector<16xi32>,
      %reduce_sum3A_465 = arith.constant true
      %reduce_sum3A_466 = vector.broadcast %reduce_sum3A_465 : i1 to vector<16xi1>
      %reduce_sum3A_467 = tpu.scan <sum>, %get3A_464 masked %reduce_sum3A_466 : vector<16xi32>, vector<16xi1> -> vector<16xi32>
      %reduce_sum3A_468 = vector.extract %reduce_sum3A_467[15] : i32 from vector<16xi32>
      %get3A_469 = arith.constant 48 : index
      %get3A_470 = tpu.vector_load %arg5[%get3A_469] {strides = array<i32>} : memref<256xi32, #tpu.memory_space<vmem>>, vector<16xi32>,
      %reduce_sum3A_471 = arith.constant true
      %reduce_sum3A_472 = vector.broadcast %reduce_sum3A_471 : i1 to vector<16xi1>
      %reduce_sum3A_473 = tpu.scan <sum>, %get3A_470 masked %reduce_sum3A_472 : vector<16xi32>, vector<16xi1> -> vector<16xi32>
      %reduce_sum3A_474 = vector.extract %reduce_sum3A_473[15] : i32 from vector<16xi32>
      %get3A_475 = arith.constant 64 : index
      %get3A_476 = tpu.vector_load %arg5[%get3A_475] {strides = array<i32>} : memref<256xi32, #tpu.memory_space<vmem>>, vector<16xi32>,
      %reduce_sum3A_477 = arith.constant true
      %reduce_sum3A_478 = vector.broadcast %reduce_sum3A_477 : i1 to vector<16xi1>
      %reduce_sum3A_479 = tpu.scan <sum>, %get3A_476 masked %reduce_sum3A_478 : vector<16xi32>, vector<16xi1> -> vector<16xi32>
      %reduce_sum3A_480 = vector.extract %reduce_sum3A_479[15] : i32 from vector<16xi32>
      %get3A_481 = arith.constant 80 : index
      %get3A_482 = tpu.vector_load %arg5[%get3A_481] {strides = array<i32>} : memref<256xi32, #tpu.memory_space<vmem>>, vector<16xi32>,
      %reduce_sum3A_483 = arith.constant true
      %reduce_sum3A_484 = vector.broadcast %reduce_sum3A_483 : i1 to vector<16xi1>
      %reduce_sum3A_485 = tpu.scan <sum>, %get3A_482 masked %reduce_sum3A_484 : vector<16xi32>, vector<16xi1> -> vector<16xi32>
      %reduce_sum3A_486 = vector.extract %reduce_sum3A_485[15] : i32 from vector<16xi32>
      %get3A_487 = arith.constant 96 : index
      %get3A_488 = tpu.vector_load %arg5[%get3A_487] {strides = array<i32>} : memref<256xi32, #tpu.memory_space<vmem>>, vector<16xi32>,
      %reduce_sum3A_489 = arith.constant true
      %reduce_sum3A_490 = vector.broadcast %reduce_sum3A_489 : i1 to vector<16xi1>
      %reduce_sum3A_491 = tpu.scan <sum>, %get3A_488 masked %reduce_sum3A_490 : vector<16xi32>, vector<16xi1> -> vector<16xi32>
      %reduce_sum3A_492 = vector.extract %reduce_sum3A_491[15] : i32 from vector<16xi32>
      %get3A_493 = arith.constant 112 : index
      %get3A_494 = tpu.vector_load %arg5[%get3A_493] {strides = array<i32>} : memref<256xi32, #tpu.memory_space<vmem>>, vector<16xi32>,
      %reduce_sum3A_495 = arith.constant true
      %reduce_sum3A_496 = vector.broadcast %reduce_sum3A_495 : i1 to vector<16xi1>
      %reduce_sum3A_497 = tpu.scan <sum>, %get3A_494 masked %reduce_sum3A_496 : vector<16xi32>, vector<16xi1> -> vector<16xi32>
      %reduce_sum3A_498 = vector.extract %reduce_sum3A_497[15] : i32 from vector<16xi32>
      %get3A_499 = arith.constant 128 : index
      %get3A_500 = tpu.vector_load %arg5[%get3A_499] {strides = array<i32>} : memref<256xi32, #tpu.memory_space<vmem>>, vector<16xi32>,
      %reduce_sum3A_501 = arith.constant true
      %reduce_sum3A_502 = vector.broadcast %reduce_sum3A_501 : i1 to vector<16xi1>
      %reduce_sum3A_503 = tpu.scan <sum>, %get3A_500 masked %reduce_sum3A_502 : vector<16xi32>, vector<16xi1> -> vector<16xi32>
      %reduce_sum3A_504 = vector.extract %reduce_sum3A_503[15] : i32 from vector<16xi32>
      %get3A_505 = arith.constant 144 : index
      %get3A_506 = tpu.vector_load %arg5[%get3A_505] {strides = array<i32>} : memref<256xi32, #tpu.memory_space<vmem>>, vector<16xi32>,
      %reduce_sum3A_507 = arith.constant true
      %reduce_sum3A_508 = vector.broadcast %reduce_sum3A_507 : i1 to vector<16xi1>
      %reduce_sum3A_509 = tpu.scan <sum>, %get3A_506 masked %reduce_sum3A_508 : vector<16xi32>, vector<16xi1> -> vector<16xi32>
      %reduce_sum3A_510 = vector.extract %reduce_sum3A_509[15] : i32 from vector<16xi32>
      %get3A_511 = arith.constant 160 : index
      %get3A_512 = tpu.vector_load %arg5[%get3A_511] {strides = array<i32>} : memref<256xi32, #tpu.memory_space<vmem>>, vector<16xi32>,
      %reduce_sum3A_513 = arith.constant true
      %reduce_sum3A_514 = vector.broadcast %reduce_sum3A_513 : i1 to vector<16xi1>
      %reduce_sum3A_515 = tpu.scan <sum>, %get3A_512 masked %reduce_sum3A_514 : vector<16xi32>, vector<16xi1> -> vector<16xi32>
      %reduce_sum3A_516 = vector.extract %reduce_sum3A_515[15] : i32 from vector<16xi32>
      %get3A_517 = arith.constant 176 : index
      %get3A_518 = tpu.vector_load %arg5[%get3A_517] {strides = array<i32>} : memref<256xi32, #tpu.memory_space<vmem>>, vector<16xi32>,
      %reduce_sum3A_519 = arith.constant true
      %reduce_sum3A_520 = vector.broadcast %reduce_sum3A_519 : i1 to vector<16xi1>
      %reduce_sum3A_521 = tpu.scan <sum>, %get3A_518 masked %reduce_sum3A_520 : vector<16xi32>, vector<16xi1> -> vector<16xi32>
      %reduce_sum3A_522 = vector.extract %reduce_sum3A_521[15] : i32 from vector<16xi32>
      %get3A_523 = arith.constant 192 : index
      %get3A_524 = tpu.vector_load %arg5[%get3A_523] {strides = array<i32>} : memref<256xi32, #tpu.memory_space<vmem>>, vector<16xi32>,
      %reduce_sum3A_525 = arith.constant true
      %reduce_sum3A_526 = vector.broadcast %reduce_sum3A_525 : i1 to vector<16xi1>
      %reduce_sum3A_527 = tpu.scan <sum>, %get3A_524 masked %reduce_sum3A_526 : vector<16xi32>, vector<16xi1> -> vector<16xi32>
      %reduce_sum3A_528 = vector.extract %reduce_sum3A_527[15] : i32 from vector<16xi32>
      %get3A_529 = arith.constant 208 : index
      %get3A_530 = tpu.vector_load %arg5[%get3A_529] {strides = array<i32>} : memref<256xi32, #tpu.memory_space<vmem>>, vector<16xi32>,
      %reduce_sum3A_531 = arith.constant true
      %reduce_sum3A_532 = vector.broadcast %reduce_sum3A_531 : i1 to vector<16xi1>
      %reduce_sum3A_533 = tpu.scan <sum>, %get3A_530 masked %reduce_sum3A_532 : vector<16xi32>, vector<16xi1> -> vector<16xi32>
      %reduce_sum3A_534 = vector.extract %reduce_sum3A_533[15] : i32 from vector<16xi32>
      %get3A_535 = arith.constant 224 : index
      %get3A_536 = tpu.vector_load %arg5[%get3A_535] {strides = array<i32>} : memref<256xi32, #tpu.memory_space<vmem>>, vector<16xi32>,
      %reduce_sum3A_537 = arith.constant true
      %reduce_sum3A_538 = vector.broadcast %reduce_sum3A_537 : i1 to vector<16xi1>
      %reduce_sum3A_539 = tpu.scan <sum>, %get3A_536 masked %reduce_sum3A_538 : vector<16xi32>, vector<16xi1> -> vector<16xi32>
      %reduce_sum3A_540 = vector.extract %reduce_sum3A_539[15] : i32 from vector<16xi32>
      %get3A_541 = arith.constant 240 : index
      %get3A_542 = tpu.vector_load %arg5[%get3A_541] {strides = array<i32>} : memref<256xi32, #tpu.memory_space<vmem>>, vector<16xi32>,
      %reduce_sum3A_543 = arith.constant true
      %reduce_sum3A_544 = vector.broadcast %reduce_sum3A_543 : i1 to vector<16xi1>
      %reduce_sum3A_545 = tpu.scan <sum>, %get3A_542 masked %reduce_sum3A_544 : vector<16xi32>, vector<16xi1> -> vector<16xi32>
      %reduce_sum3A_546 = vector.extract %reduce_sum3A_545[15] : i32 from vector<16xi32>
      %add3A_547 = arith.constant 0 : i32
      %add3A_548 = arith.addi %add3A_547, %reduce_sum3A_456 : i32
      %add3A_549 = arith.addi %add3A_548, %reduce_sum3A_462 : i32
      %add3A_550 = arith.addi %add3A_549, %reduce_sum3A_468 : i32
      %add3A_551 = arith.addi %add3A_550, %reduce_sum3A_474 : i32
      %add3A_552 = arith.addi %add3A_551, %reduce_sum3A_480 : i32
      %add3A_553 = arith.addi %add3A_552, %reduce_sum3A_486 : i32
      %add3A_554 = arith.addi %add3A_553, %reduce_sum3A_492 : i32
      %add3A_555 = arith.addi %add3A_554, %reduce_sum3A_498 : i32
      %add3A_556 = arith.addi %add3A_555, %reduce_sum3A_504 : i32
      %add3A_557 = arith.addi %add3A_556, %reduce_sum3A_510 : i32
      %add3A_558 = arith.addi %add3A_557, %reduce_sum3A_516 : i32
      %add3A_559 = arith.addi %add3A_558, %reduce_sum3A_522 : i32
      %add3A_560 = arith.addi %add3A_559, %reduce_sum3A_528 : i32
      %add3A_561 = arith.addi %add3A_560, %reduce_sum3A_534 : i32
      %add3A_562 = arith.addi %add3A_561, %reduce_sum3A_540 : i32
      %add3A_563 = arith.addi %add3A_562, %reduce_sum3A_546 : i32
      %le3A_564 = arith.cmpi sle, %add3A_548, %select_n3A_376 : i32
      %convert_element_type3A_565 = arith.extui %le3A_564 : i1 to i32
      %add3A_566 = arith.constant 0 : i32
      %add3A_567 = arith.addi %add3A_566, %convert_element_type3A_565 : i32
      %jit3A_568 = arith.constant 0 : i32
      %select_n3A_569 = arith.select %le3A_564, %add3A_548, %jit3A_568 : i32
      %max3A_570 = arith.constant 0 : i32
      %max3A_571 = arith.maxsi %max3A_570, %select_n3A_569 : i32
      %le3A_572 = arith.cmpi sle, %add3A_549, %select_n3A_376 : i32
      %convert_element_type3A_573 = arith.extui %le3A_572 : i1 to i32
      %add3A_574 = arith.addi %add3A_567, %convert_element_type3A_573 : i32
      %jit3A_575 = arith.constant 0 : i32
      %select_n3A_576 = arith.select %le3A_572, %add3A_549, %jit3A_575 : i32
      %max3A_577 = arith.maxsi %max3A_571, %select_n3A_576 : i32
      %le3A_578 = arith.cmpi sle, %add3A_550, %select_n3A_376 : i32
      %convert_element_type3A_579 = arith.extui %le3A_578 : i1 to i32
      %add3A_580 = arith.addi %add3A_574, %convert_element_type3A_579 : i32
      %jit3A_581 = arith.constant 0 : i32
      %select_n3A_582 = arith.select %le3A_578, %add3A_550, %jit3A_581 : i32
      %max3A_583 = arith.maxsi %max3A_577, %select_n3A_582 : i32
      %le3A_584 = arith.cmpi sle, %add3A_551, %select_n3A_376 : i32
      %convert_element_type3A_585 = arith.extui %le3A_584 : i1 to i32
      %add3A_586 = arith.addi %add3A_580, %convert_element_type3A_585 : i32
      %jit3A_587 = arith.constant 0 : i32
      %select_n3A_588 = arith.select %le3A_584, %add3A_551, %jit3A_587 : i32
      %max3A_589 = arith.maxsi %max3A_583, %select_n3A_588 : i32
      %le3A_590 = arith.cmpi sle, %add3A_552, %select_n3A_376 : i32
      %convert_element_type3A_591 = arith.extui %le3A_590 : i1 to i32
      %add3A_592 = arith.addi %add3A_586, %convert_element_type3A_591 : i32
      %jit3A_593 = arith.constant 0 : i32
      %select_n3A_594 = arith.select %le3A_590, %add3A_552, %jit3A_593 : i32
      %max3A_595 = arith.maxsi %max3A_589, %select_n3A_594 : i32
      %le3A_596 = arith.cmpi sle, %add3A_553, %select_n3A_376 : i32
      %convert_element_type3A_597 = arith.extui %le3A_596 : i1 to i32
      %add3A_598 = arith.addi %add3A_592, %convert_element_type3A_597 : i32
      %jit3A_599 = arith.constant 0 : i32
      %select_n3A_600 = arith.select %le3A_596, %add3A_553, %jit3A_599 : i32
      %max3A_601 = arith.maxsi %max3A_595, %select_n3A_600 : i32
      %le3A_602 = arith.cmpi sle, %add3A_554, %select_n3A_376 : i32
      %convert_element_type3A_603 = arith.extui %le3A_602 : i1 to i32
      %add3A_604 = arith.addi %add3A_598, %convert_element_type3A_603 : i32
      %jit3A_605 = arith.constant 0 : i32
      %select_n3A_606 = arith.select %le3A_602, %add3A_554, %jit3A_605 : i32
      %max3A_607 = arith.maxsi %max3A_601, %select_n3A_606 : i32
      %le3A_608 = arith.cmpi sle, %add3A_555, %select_n3A_376 : i32
      %convert_element_type3A_609 = arith.extui %le3A_608 : i1 to i32
      %add3A_610 = arith.addi %add3A_604, %convert_element_type3A_609 : i32
      %jit3A_611 = arith.constant 0 : i32
      %select_n3A_612 = arith.select %le3A_608, %add3A_555, %jit3A_611 : i32
      %max3A_613 = arith.maxsi %max3A_607, %select_n3A_612 : i32
      %le3A_614 = arith.cmpi sle, %add3A_556, %select_n3A_376 : i32
      %convert_element_type3A_615 = arith.extui %le3A_614 : i1 to i32
      %add3A_616 = arith.addi %add3A_610, %convert_element_type3A_615 : i32
      %jit3A_617 = arith.constant 0 : i32
      %select_n3A_618 = arith.select %le3A_614, %add3A_556, %jit3A_617 : i32
      %max3A_619 = arith.maxsi %max3A_613, %select_n3A_618 : i32
      %le3A_620 = arith.cmpi sle, %add3A_557, %select_n3A_376 : i32
      %convert_element_type3A_621 = arith.extui %le3A_620 : i1 to i32
      %add3A_622 = arith.addi %add3A_616, %convert_element_type3A_621 : i32
      %jit3A_623 = arith.constant 0 : i32
      %select_n3A_624 = arith.select %le3A_620, %add3A_557, %jit3A_623 : i32
      %max3A_625 = arith.maxsi %max3A_619, %select_n3A_624 : i32
      %le3A_626 = arith.cmpi sle, %add3A_558, %select_n3A_376 : i32
      %convert_element_type3A_627 = arith.extui %le3A_626 : i1 to i32
      %add3A_628 = arith.addi %add3A_622, %convert_element_type3A_627 : i32
      %jit3A_629 = arith.constant 0 : i32
      %select_n3A_630 = arith.select %le3A_626, %add3A_558, %jit3A_629 : i32
      %max3A_631 = arith.maxsi %max3A_625, %select_n3A_630 : i32
      %le3A_632 = arith.cmpi sle, %add3A_559, %select_n3A_376 : i32
      %convert_element_type3A_633 = arith.extui %le3A_632 : i1 to i32
      %add3A_634 = arith.addi %add3A_628, %convert_element_type3A_633 : i32
      %jit3A_635 = arith.constant 0 : i32
      %select_n3A_636 = arith.select %le3A_632, %add3A_559, %jit3A_635 : i32
      %max3A_637 = arith.maxsi %max3A_631, %select_n3A_636 : i32
      %le3A_638 = arith.cmpi sle, %add3A_560, %select_n3A_376 : i32
      %convert_element_type3A_639 = arith.extui %le3A_638 : i1 to i32
      %add3A_640 = arith.addi %add3A_634, %convert_element_type3A_639 : i32
      %jit3A_641 = arith.constant 0 : i32
      %select_n3A_642 = arith.select %le3A_638, %add3A_560, %jit3A_641 : i32
      %max3A_643 = arith.maxsi %max3A_637, %select_n3A_642 : i32
      %le3A_644 = arith.cmpi sle, %add3A_561, %select_n3A_376 : i32
      %convert_element_type3A_645 = arith.extui %le3A_644 : i1 to i32
      %add3A_646 = arith.addi %add3A_640, %convert_element_type3A_645 : i32
      %jit3A_647 = arith.constant 0 : i32
      %select_n3A_648 = arith.select %le3A_644, %add3A_561, %jit3A_647 : i32
      %max3A_649 = arith.maxsi %max3A_643, %select_n3A_648 : i32
      %le3A_650 = arith.cmpi sle, %add3A_562, %select_n3A_376 : i32
      %convert_element_type3A_651 = arith.extui %le3A_650 : i1 to i32
      %add3A_652 = arith.addi %add3A_646, %convert_element_type3A_651 : i32
      %jit3A_653 = arith.constant 0 : i32
      %select_n3A_654 = arith.select %le3A_650, %add3A_562, %jit3A_653 : i32
      %max3A_655 = arith.maxsi %max3A_649, %select_n3A_654 : i32
      %mul3A_656 = arith.constant 16 : i32
      %mul3A_657 = arith.muli %add3A_652, %mul3A_656 : i32
      %get3A_658 = arith.index_cast %mul3A_657 : i32 to index
      %get3A_659 = tpu.vector_load %arg5[%get3A_658] {strides = array<i32>} : memref<256xi32, #tpu.memory_space<vmem>>, vector<16xi32>,
      %broadcast_in_dim3A_660 = arith.constant true
      %broadcast_in_dim3A_661 = vector.broadcast %broadcast_in_dim3A_660 : i1 to vector<16xi1>
      %masked_cumsum3A_662 = tpu.scan <sum>, %get3A_659 masked %broadcast_in_dim3A_661 : vector<16xi32>, vector<16xi1> -> vector<16xi32>
      %add3A_663 = vector.broadcast %max3A_655 : i32 to vector<16xi32>
      %add3A_664 = arith.addi %masked_cumsum3A_662, %add3A_663 : vector<16xi32>
      %le3A_665 = vector.broadcast %select_n3A_376 : i32 to vector<16xi32>
      %le3A_666 = arith.cmpi sle, %add3A_664, %le3A_665 : vector<16xi32>
      %convert_element_type3A_667 = arith.extui %le3A_666 : vector<16xi1> to vector<16xi32>
      %reduce_sum3A_668 = arith.constant true
      %reduce_sum3A_669 = vector.broadcast %reduce_sum3A_668 : i1 to vector<16xi1>
      %reduce_sum3A_670 = tpu.scan <sum>, %convert_element_type3A_667 masked %reduce_sum3A_669 : vector<16xi32>, vector<16xi1> -> vector<16xi32>
      %reduce_sum3A_671 = vector.extract %reduce_sum3A_670[15] : i32 from vector<16xi32>
      %mul3A_672 = arith.constant 16 : i32
      %mul3A_673 = arith.muli %add3A_652, %mul3A_672 : i32
      %add3A_674 = arith.addi %mul3A_673, %reduce_sum3A_671 : i32
      %jit3A_675 = arith.constant 0 : i32
      %broadcast_in_dim3A_676 = vector.broadcast %jit3A_675 : i32 to vector<16xi32>
      %select_n3A_677 = arith.select %le3A_666, %add3A_664, %broadcast_in_dim3A_676 : vector<16xi1>, vector<16xi32>
      %reduce_max3A_678 = arith.constant true
      %reduce_max3A_679 = vector.broadcast %reduce_max3A_678 : i1 to vector<16xi1>
      %reduce_max3A_680 = arith.constant -2147483648 : i32
      %reduce_max3A_681 = vector.broadcast %reduce_max3A_680 : i32 to vector<16xi32>
      %reduce_max3A_682 = arith.xori %select_n3A_677, %reduce_max3A_681 : vector<16xi32>
      %reduce_max3A_683 = tpu.scan <max>, %reduce_max3A_682 masked %reduce_max3A_679 : vector<16xi32>, vector<16xi1> -> vector<16xi32>
      %reduce_max3A_684 = arith.xori %reduce_max3A_683, %reduce_max3A_681 : vector<16xi32>
      %reduce_max3A_685 = vector.extract %reduce_max3A_684[15] : i32 from vector<16xi32>
      %max3A_686 = arith.maxsi %reduce_max3A_685, %max3A_655 : i32
      %jit3A_687 = arith.constant 1073741824 : i32
      %broadcast_in_dim3A_688 = vector.broadcast %jit3A_687 : i32 to vector<16xi32>
      %select_n3A_689 = arith.select %le3A_666, %broadcast_in_dim3A_688, %add3A_664 : vector<16xi1>, vector<16xi32>
      %reduce_min3A_690 = arith.constant true
      %reduce_min3A_691 = vector.broadcast %reduce_min3A_690 : i1 to vector<16xi1>
      %reduce_min3A_692 = arith.constant -2147483648 : i32
      %reduce_min3A_693 = vector.broadcast %reduce_min3A_692 : i32 to vector<16xi32>
      %reduce_min3A_694 = arith.xori %select_n3A_689, %reduce_min3A_693 : vector<16xi32>
      %reduce_min3A_695 = tpu.scan <min>, %reduce_min3A_694 masked %reduce_min3A_691 : vector<16xi32>, vector<16xi1> -> vector<16xi32>
      %reduce_min3A_696 = arith.xori %reduce_min3A_695, %reduce_min3A_693 : vector<16xi32>
      %reduce_min3A_697 = vector.extract %reduce_min3A_696[15] : i32 from vector<16xi32>
      %shift_left3A_698 = arith.constant 8 : i32
      %shift_left3A_699 = arith.shli %select_n3A_371, %shift_left3A_698 : i32
      %or3A = arith.ori %shift_left3A_699, %add3A_674 : i32
      %sub3A_700 = arith.subi %select_n3A_376, %max3A_686 : i32
      %broadcast_in_dim3A_701 = arith.constant 0 : i32
      %broadcast_in_dim3A_702 = vector.broadcast %broadcast_in_dim3A_701 : i32 to vector<16xi32>
      %swap3A_703 = arith.constant 0 : index
      %swap3A_704 = tpu.vector_load %arg5[%swap3A_703] {strides = array<i32>} : memref<256xi32, #tpu.memory_space<vmem>>, vector<16xi32>,
      tpu.vector_store %arg5[%swap3A_703], %broadcast_in_dim3A_702 {strides = array<i32>} : memref<256xi32, #tpu.memory_space<vmem>>, vector<16xi32>,
      %broadcast_in_dim3A_705 = arith.constant 0 : i32
      %broadcast_in_dim3A_706 = vector.broadcast %broadcast_in_dim3A_705 : i32 to vector<16xi32>
      %swap3A_707 = arith.constant 16 : index
      %swap3A_708 = tpu.vector_load %arg5[%swap3A_707] {strides = array<i32>} : memref<256xi32, #tpu.memory_space<vmem>>, vector<16xi32>,
      tpu.vector_store %arg5[%swap3A_707], %broadcast_in_dim3A_706 {strides = array<i32>} : memref<256xi32, #tpu.memory_space<vmem>>, vector<16xi32>,
      %broadcast_in_dim3A_709 = arith.constant 0 : i32
      %broadcast_in_dim3A_710 = vector.broadcast %broadcast_in_dim3A_709 : i32 to vector<16xi32>
      %swap3A_711 = arith.constant 32 : index
      %swap3A_712 = tpu.vector_load %arg5[%swap3A_711] {strides = array<i32>} : memref<256xi32, #tpu.memory_space<vmem>>, vector<16xi32>,
      tpu.vector_store %arg5[%swap3A_711], %broadcast_in_dim3A_710 {strides = array<i32>} : memref<256xi32, #tpu.memory_space<vmem>>, vector<16xi32>,
      %broadcast_in_dim3A_713 = arith.constant 0 : i32
      %broadcast_in_dim3A_714 = vector.broadcast %broadcast_in_dim3A_713 : i32 to vector<16xi32>
      %swap3A_715 = arith.constant 48 : index
      %swap3A_716 = tpu.vector_load %arg5[%swap3A_715] {strides = array<i32>} : memref<256xi32, #tpu.memory_space<vmem>>, vector<16xi32>,
      tpu.vector_store %arg5[%swap3A_715], %broadcast_in_dim3A_714 {strides = array<i32>} : memref<256xi32, #tpu.memory_space<vmem>>, vector<16xi32>,
      %broadcast_in_dim3A_717 = arith.constant 0 : i32
      %broadcast_in_dim3A_718 = vector.broadcast %broadcast_in_dim3A_717 : i32 to vector<16xi32>
      %swap3A_719 = arith.constant 64 : index
      %swap3A_720 = tpu.vector_load %arg5[%swap3A_719] {strides = array<i32>} : memref<256xi32, #tpu.memory_space<vmem>>, vector<16xi32>,
      tpu.vector_store %arg5[%swap3A_719], %broadcast_in_dim3A_718 {strides = array<i32>} : memref<256xi32, #tpu.memory_space<vmem>>, vector<16xi32>,
      %broadcast_in_dim3A_721 = arith.constant 0 : i32
      %broadcast_in_dim3A_722 = vector.broadcast %broadcast_in_dim3A_721 : i32 to vector<16xi32>
      %swap3A_723 = arith.constant 80 : index
      %swap3A_724 = tpu.vector_load %arg5[%swap3A_723] {strides = array<i32>} : memref<256xi32, #tpu.memory_space<vmem>>, vector<16xi32>,
      tpu.vector_store %arg5[%swap3A_723], %broadcast_in_dim3A_722 {strides = array<i32>} : memref<256xi32, #tpu.memory_space<vmem>>, vector<16xi32>,
      %broadcast_in_dim3A_725 = arith.constant 0 : i32
      %broadcast_in_dim3A_726 = vector.broadcast %broadcast_in_dim3A_725 : i32 to vector<16xi32>
      %swap3A_727 = arith.constant 96 : index
      %swap3A_728 = tpu.vector_load %arg5[%swap3A_727] {strides = array<i32>} : memref<256xi32, #tpu.memory_space<vmem>>, vector<16xi32>,
      tpu.vector_store %arg5[%swap3A_727], %broadcast_in_dim3A_726 {strides = array<i32>} : memref<256xi32, #tpu.memory_space<vmem>>, vector<16xi32>,
      %broadcast_in_dim3A_729 = arith.constant 0 : i32
      %broadcast_in_dim3A_730 = vector.broadcast %broadcast_in_dim3A_729 : i32 to vector<16xi32>
      %swap3A_731 = arith.constant 112 : index
      %swap3A_732 = tpu.vector_load %arg5[%swap3A_731] {strides = array<i32>} : memref<256xi32, #tpu.memory_space<vmem>>, vector<16xi32>,
      tpu.vector_store %arg5[%swap3A_731], %broadcast_in_dim3A_730 {strides = array<i32>} : memref<256xi32, #tpu.memory_space<vmem>>, vector<16xi32>,
      %broadcast_in_dim3A_733 = arith.constant 0 : i32
      %broadcast_in_dim3A_734 = vector.broadcast %broadcast_in_dim3A_733 : i32 to vector<16xi32>
      %swap3A_735 = arith.constant 128 : index
      %swap3A_736 = tpu.vector_load %arg5[%swap3A_735] {strides = array<i32>} : memref<256xi32, #tpu.memory_space<vmem>>, vector<16xi32>,
      tpu.vector_store %arg5[%swap3A_735], %broadcast_in_dim3A_734 {strides = array<i32>} : memref<256xi32, #tpu.memory_space<vmem>>, vector<16xi32>,
      %broadcast_in_dim3A_737 = arith.constant 0 : i32
      %broadcast_in_dim3A_738 = vector.broadcast %broadcast_in_dim3A_737 : i32 to vector<16xi32>
      %swap3A_739 = arith.constant 144 : index
      %swap3A_740 = tpu.vector_load %arg5[%swap3A_739] {strides = array<i32>} : memref<256xi32, #tpu.memory_space<vmem>>, vector<16xi32>,
      tpu.vector_store %arg5[%swap3A_739], %broadcast_in_dim3A_738 {strides = array<i32>} : memref<256xi32, #tpu.memory_space<vmem>>, vector<16xi32>,
      %broadcast_in_dim3A_741 = arith.constant 0 : i32
      %broadcast_in_dim3A_742 = vector.broadcast %broadcast_in_dim3A_741 : i32 to vector<16xi32>
      %swap3A_743 = arith.constant 160 : index
      %swap3A_744 = tpu.vector_load %arg5[%swap3A_743] {strides = array<i32>} : memref<256xi32, #tpu.memory_space<vmem>>, vector<16xi32>,
      tpu.vector_store %arg5[%swap3A_743], %broadcast_in_dim3A_742 {strides = array<i32>} : memref<256xi32, #tpu.memory_space<vmem>>, vector<16xi32>,
      %broadcast_in_dim3A_745 = arith.constant 0 : i32
      %broadcast_in_dim3A_746 = vector.broadcast %broadcast_in_dim3A_745 : i32 to vector<16xi32>
      %swap3A_747 = arith.constant 176 : index
      %swap3A_748 = tpu.vector_load %arg5[%swap3A_747] {strides = array<i32>} : memref<256xi32, #tpu.memory_space<vmem>>, vector<16xi32>,
      tpu.vector_store %arg5[%swap3A_747], %broadcast_in_dim3A_746 {strides = array<i32>} : memref<256xi32, #tpu.memory_space<vmem>>, vector<16xi32>,
      %broadcast_in_dim3A_749 = arith.constant 0 : i32
      %broadcast_in_dim3A_750 = vector.broadcast %broadcast_in_dim3A_749 : i32 to vector<16xi32>
      %swap3A_751 = arith.constant 192 : index
      %swap3A_752 = tpu.vector_load %arg5[%swap3A_751] {strides = array<i32>} : memref<256xi32, #tpu.memory_space<vmem>>, vector<16xi32>,
      tpu.vector_store %arg5[%swap3A_751], %broadcast_in_dim3A_750 {strides = array<i32>} : memref<256xi32, #tpu.memory_space<vmem>>, vector<16xi32>,
      %broadcast_in_dim3A_753 = arith.constant 0 : i32
      %broadcast_in_dim3A_754 = vector.broadcast %broadcast_in_dim3A_753 : i32 to vector<16xi32>
      %swap3A_755 = arith.constant 208 : index
      %swap3A_756 = tpu.vector_load %arg5[%swap3A_755] {strides = array<i32>} : memref<256xi32, #tpu.memory_space<vmem>>, vector<16xi32>,
      tpu.vector_store %arg5[%swap3A_755], %broadcast_in_dim3A_754 {strides = array<i32>} : memref<256xi32, #tpu.memory_space<vmem>>, vector<16xi32>,
      %broadcast_in_dim3A_757 = arith.constant 0 : i32
      %broadcast_in_dim3A_758 = vector.broadcast %broadcast_in_dim3A_757 : i32 to vector<16xi32>
      %swap3A_759 = arith.constant 224 : index
      %swap3A_760 = tpu.vector_load %arg5[%swap3A_759] {strides = array<i32>} : memref<256xi32, #tpu.memory_space<vmem>>, vector<16xi32>,
      tpu.vector_store %arg5[%swap3A_759], %broadcast_in_dim3A_758 {strides = array<i32>} : memref<256xi32, #tpu.memory_space<vmem>>, vector<16xi32>,
      %broadcast_in_dim3A_761 = arith.constant 0 : i32
      %broadcast_in_dim3A_762 = vector.broadcast %broadcast_in_dim3A_761 : i32 to vector<16xi32>
      %swap3A_763 = arith.constant 240 : index
      %swap3A_764 = tpu.vector_load %arg5[%swap3A_763] {strides = array<i32>} : memref<256xi32, #tpu.memory_space<vmem>>, vector<16xi32>,
      tpu.vector_store %arg5[%swap3A_763], %broadcast_in_dim3A_762 {strides = array<i32>} : memref<256xi32, #tpu.memory_space<vmem>>, vector<16xi32>,
      %shift_left3A_765 = arith.constant 16 : i32
      %shift_left3A_766 = arith.shli %or3A, %shift_left3A_765 : i32
      %xor3A_767 = arith.constant -2147483648 : i32
      %xor3A_768 = arith.xori %shift_left3A_766, %xor3A_767 : i32
      %broadcast_in_dim3A_769 = vector.broadcast %xor3A_768 : i32 to vector<16xi32>
      %broadcast_in_dim3A_770 = arith.constant 8 : i32
      %broadcast_in_dim3A_771 = vector.broadcast %broadcast_in_dim3A_770 : i32 to vector<16xi32>
      %parallel_loop3A_772 = arith.constant 0 : i32
      %parallel_loop3A_773 = arith.constant 512 : i32
      %parallel_loop3A_774 = arith.constant 1 : i32
      %parallel_loop3A_775 = arith.constant -2147418112 : i32
      scf.for %parallel_loop3A_1356 = %parallel_loop3A_772 to %parallel_loop3A_773 step %parallel_loop3A_774  : i32 {
        %parallel_loop3A_1357 = arith.constant 16 : i32
        %parallel_loop3A_1358 = arith.muli %parallel_loop3A_1356, %parallel_loop3A_1357 : i32
        %parallel_loop3A_1359 = arith.addi %mul3A_31, %parallel_loop3A_1358 : i32
        %parallel_loop3A_1360 = arith.index_cast %parallel_loop3A_1359 : i32 to index
        %parallel_loop3A_1361 = tpu.vector_load %arg4[%parallel_loop3A_1360] {strides = array<i32>} : memref<16384xf32, #tpu.memory_space<vmem>>, vector<16xf32>,
        %parallel_loop3A_1362 = vector.bitcast %parallel_loop3A_1361 : vector<16xf32> to vector<16xi32>
        %parallel_loop3A_1363 = arith.xori %parallel_loop3A_1362, %broadcast_in_dim3A_769 : vector<16xi32>
        %parallel_loop3A_1364 = vector.broadcast %parallel_loop3A_775 : i32 to vector<16xi32>
        %parallel_loop3A_1365 = arith.cmpi slt, %parallel_loop3A_1363, %parallel_loop3A_1364 : vector<16xi32>
        %parallel_loop3A_1366 = arith.shrui %parallel_loop3A_1362, %broadcast_in_dim3A_771 : vector<16xi32>
        %parallel_loop3A_1367 = arith.andi %parallel_loop3A_1366, %broadcast_in_dim3A_9 : vector<16xi32>
        tpu.vector_store_idx %arg5[%parallel_loop3A_1367], %broadcast_in_dim3A_3 masked %parallel_loop3A_1365 {add = true} : memref<256xi32, #tpu.memory_space<vmem>>[vector<16xi32>], vector<16xi32>, vector<16xi1>
      } {sc.loop_unroll_factor = 16 : i64, sc.parallel_access}
      %get3A_776 = arith.constant 0 : index
      %get3A_777 = tpu.vector_load %arg5[%get3A_776] {strides = array<i32>} : memref<256xi32, #tpu.memory_space<vmem>>, vector<16xi32>,
      %reduce_sum3A_778 = arith.constant true
      %reduce_sum3A_779 = vector.broadcast %reduce_sum3A_778 : i1 to vector<16xi1>
      %reduce_sum3A_780 = tpu.scan <sum>, %get3A_777 masked %reduce_sum3A_779 : vector<16xi32>, vector<16xi1> -> vector<16xi32>
      %reduce_sum3A_781 = vector.extract %reduce_sum3A_780[15] : i32 from vector<16xi32>
      %get3A_782 = arith.constant 16 : index
      %get3A_783 = tpu.vector_load %arg5[%get3A_782] {strides = array<i32>} : memref<256xi32, #tpu.memory_space<vmem>>, vector<16xi32>,
      %reduce_sum3A_784 = arith.constant true
      %reduce_sum3A_785 = vector.broadcast %reduce_sum3A_784 : i1 to vector<16xi1>
      %reduce_sum3A_786 = tpu.scan <sum>, %get3A_783 masked %reduce_sum3A_785 : vector<16xi32>, vector<16xi1> -> vector<16xi32>
      %reduce_sum3A_787 = vector.extract %reduce_sum3A_786[15] : i32 from vector<16xi32>
      %get3A_788 = arith.constant 32 : index
      %get3A_789 = tpu.vector_load %arg5[%get3A_788] {strides = array<i32>} : memref<256xi32, #tpu.memory_space<vmem>>, vector<16xi32>,
      %reduce_sum3A_790 = arith.constant true
      %reduce_sum3A_791 = vector.broadcast %reduce_sum3A_790 : i1 to vector<16xi1>
      %reduce_sum3A_792 = tpu.scan <sum>, %get3A_789 masked %reduce_sum3A_791 : vector<16xi32>, vector<16xi1> -> vector<16xi32>
      %reduce_sum3A_793 = vector.extract %reduce_sum3A_792[15] : i32 from vector<16xi32>
      %get3A_794 = arith.constant 48 : index
      %get3A_795 = tpu.vector_load %arg5[%get3A_794] {strides = array<i32>} : memref<256xi32, #tpu.memory_space<vmem>>, vector<16xi32>,
      %reduce_sum3A_796 = arith.constant true
      %reduce_sum3A_797 = vector.broadcast %reduce_sum3A_796 : i1 to vector<16xi1>
      %reduce_sum3A_798 = tpu.scan <sum>, %get3A_795 masked %reduce_sum3A_797 : vector<16xi32>, vector<16xi1> -> vector<16xi32>
      %reduce_sum3A_799 = vector.extract %reduce_sum3A_798[15] : i32 from vector<16xi32>
      %get3A_800 = arith.constant 64 : index
      %get3A_801 = tpu.vector_load %arg5[%get3A_800] {strides = array<i32>} : memref<256xi32, #tpu.memory_space<vmem>>, vector<16xi32>,
      %reduce_sum3A_802 = arith.constant true
      %reduce_sum3A_803 = vector.broadcast %reduce_sum3A_802 : i1 to vector<16xi1>
      %reduce_sum3A_804 = tpu.scan <sum>, %get3A_801 masked %reduce_sum3A_803 : vector<16xi32>, vector<16xi1> -> vector<16xi32>
      %reduce_sum3A_805 = vector.extract %reduce_sum3A_804[15] : i32 from vector<16xi32>
      %get3A_806 = arith.constant 80 : index
      %get3A_807 = tpu.vector_load %arg5[%get3A_806] {strides = array<i32>} : memref<256xi32, #tpu.memory_space<vmem>>, vector<16xi32>,
      %reduce_sum3A_808 = arith.constant true
      %reduce_sum3A_809 = vector.broadcast %reduce_sum3A_808 : i1 to vector<16xi1>
      %reduce_sum3A_810 = tpu.scan <sum>, %get3A_807 masked %reduce_sum3A_809 : vector<16xi32>, vector<16xi1> -> vector<16xi32>
      %reduce_sum3A_811 = vector.extract %reduce_sum3A_810[15] : i32 from vector<16xi32>
      %get3A_812 = arith.constant 96 : index
      %get3A_813 = tpu.vector_load %arg5[%get3A_812] {strides = array<i32>} : memref<256xi32, #tpu.memory_space<vmem>>, vector<16xi32>,
      %reduce_sum3A_814 = arith.constant true
      %reduce_sum3A_815 = vector.broadcast %reduce_sum3A_814 : i1 to vector<16xi1>
      %reduce_sum3A_816 = tpu.scan <sum>, %get3A_813 masked %reduce_sum3A_815 : vector<16xi32>, vector<16xi1> -> vector<16xi32>
      %reduce_sum3A_817 = vector.extract %reduce_sum3A_816[15] : i32 from vector<16xi32>
      %get3A_818 = arith.constant 112 : index
      %get3A_819 = tpu.vector_load %arg5[%get3A_818] {strides = array<i32>} : memref<256xi32, #tpu.memory_space<vmem>>, vector<16xi32>,
      %reduce_sum3A_820 = arith.constant true
      %reduce_sum3A_821 = vector.broadcast %reduce_sum3A_820 : i1 to vector<16xi1>
      %reduce_sum3A_822 = tpu.scan <sum>, %get3A_819 masked %reduce_sum3A_821 : vector<16xi32>, vector<16xi1> -> vector<16xi32>
      %reduce_sum3A_823 = vector.extract %reduce_sum3A_822[15] : i32 from vector<16xi32>
      %get3A_824 = arith.constant 128 : index
      %get3A_825 = tpu.vector_load %arg5[%get3A_824] {strides = array<i32>} : memref<256xi32, #tpu.memory_space<vmem>>, vector<16xi32>,
      %reduce_sum3A_826 = arith.constant true
      %reduce_sum3A_827 = vector.broadcast %reduce_sum3A_826 : i1 to vector<16xi1>
      %reduce_sum3A_828 = tpu.scan <sum>, %get3A_825 masked %reduce_sum3A_827 : vector<16xi32>, vector<16xi1> -> vector<16xi32>
      %reduce_sum3A_829 = vector.extract %reduce_sum3A_828[15] : i32 from vector<16xi32>
      %get3A_830 = arith.constant 144 : index
      %get3A_831 = tpu.vector_load %arg5[%get3A_830] {strides = array<i32>} : memref<256xi32, #tpu.memory_space<vmem>>, vector<16xi32>,
      %reduce_sum3A_832 = arith.constant true
      %reduce_sum3A_833 = vector.broadcast %reduce_sum3A_832 : i1 to vector<16xi1>
      %reduce_sum3A_834 = tpu.scan <sum>, %get3A_831 masked %reduce_sum3A_833 : vector<16xi32>, vector<16xi1> -> vector<16xi32>
      %reduce_sum3A_835 = vector.extract %reduce_sum3A_834[15] : i32 from vector<16xi32>
      %get3A_836 = arith.constant 160 : index
      %get3A_837 = tpu.vector_load %arg5[%get3A_836] {strides = array<i32>} : memref<256xi32, #tpu.memory_space<vmem>>, vector<16xi32>,
      %reduce_sum3A_838 = arith.constant true
      %reduce_sum3A_839 = vector.broadcast %reduce_sum3A_838 : i1 to vector<16xi1>
      %reduce_sum3A_840 = tpu.scan <sum>, %get3A_837 masked %reduce_sum3A_839 : vector<16xi32>, vector<16xi1> -> vector<16xi32>
      %reduce_sum3A_841 = vector.extract %reduce_sum3A_840[15] : i32 from vector<16xi32>
      %get3A_842 = arith.constant 176 : index
      %get3A_843 = tpu.vector_load %arg5[%get3A_842] {strides = array<i32>} : memref<256xi32, #tpu.memory_space<vmem>>, vector<16xi32>,
      %reduce_sum3A_844 = arith.constant true
      %reduce_sum3A_845 = vector.broadcast %reduce_sum3A_844 : i1 to vector<16xi1>
      %reduce_sum3A_846 = tpu.scan <sum>, %get3A_843 masked %reduce_sum3A_845 : vector<16xi32>, vector<16xi1> -> vector<16xi32>
      %reduce_sum3A_847 = vector.extract %reduce_sum3A_846[15] : i32 from vector<16xi32>
      %get3A_848 = arith.constant 192 : index
      %get3A_849 = tpu.vector_load %arg5[%get3A_848] {strides = array<i32>} : memref<256xi32, #tpu.memory_space<vmem>>, vector<16xi32>,
      %reduce_sum3A_850 = arith.constant true
      %reduce_sum3A_851 = vector.broadcast %reduce_sum3A_850 : i1 to vector<16xi1>
      %reduce_sum3A_852 = tpu.scan <sum>, %get3A_849 masked %reduce_sum3A_851 : vector<16xi32>, vector<16xi1> -> vector<16xi32>
      %reduce_sum3A_853 = vector.extract %reduce_sum3A_852[15] : i32 from vector<16xi32>
      %get3A_854 = arith.constant 208 : index
      %get3A_855 = tpu.vector_load %arg5[%get3A_854] {strides = array<i32>} : memref<256xi32, #tpu.memory_space<vmem>>, vector<16xi32>,
      %reduce_sum3A_856 = arith.constant true
      %reduce_sum3A_857 = vector.broadcast %reduce_sum3A_856 : i1 to vector<16xi1>
      %reduce_sum3A_858 = tpu.scan <sum>, %get3A_855 masked %reduce_sum3A_857 : vector<16xi32>, vector<16xi1> -> vector<16xi32>
      %reduce_sum3A_859 = vector.extract %reduce_sum3A_858[15] : i32 from vector<16xi32>
      %get3A_860 = arith.constant 224 : index
      %get3A_861 = tpu.vector_load %arg5[%get3A_860] {strides = array<i32>} : memref<256xi32, #tpu.memory_space<vmem>>, vector<16xi32>,
      %reduce_sum3A_862 = arith.constant true
      %reduce_sum3A_863 = vector.broadcast %reduce_sum3A_862 : i1 to vector<16xi1>
      %reduce_sum3A_864 = tpu.scan <sum>, %get3A_861 masked %reduce_sum3A_863 : vector<16xi32>, vector<16xi1> -> vector<16xi32>
      %reduce_sum3A_865 = vector.extract %reduce_sum3A_864[15] : i32 from vector<16xi32>
      %get3A_866 = arith.constant 240 : index
      %get3A_867 = tpu.vector_load %arg5[%get3A_866] {strides = array<i32>} : memref<256xi32, #tpu.memory_space<vmem>>, vector<16xi32>,
      %reduce_sum3A_868 = arith.constant true
      %reduce_sum3A_869 = vector.broadcast %reduce_sum3A_868 : i1 to vector<16xi1>
      %reduce_sum3A_870 = tpu.scan <sum>, %get3A_867 masked %reduce_sum3A_869 : vector<16xi32>, vector<16xi1> -> vector<16xi32>
      %reduce_sum3A_871 = vector.extract %reduce_sum3A_870[15] : i32 from vector<16xi32>
      %add3A_872 = arith.constant 0 : i32
      %add3A_873 = arith.addi %add3A_872, %reduce_sum3A_781 : i32
      %add3A_874 = arith.addi %add3A_873, %reduce_sum3A_787 : i32
      %add3A_875 = arith.addi %add3A_874, %reduce_sum3A_793 : i32
      %add3A_876 = arith.addi %add3A_875, %reduce_sum3A_799 : i32
      %add3A_877 = arith.addi %add3A_876, %reduce_sum3A_805 : i32
      %add3A_878 = arith.addi %add3A_877, %reduce_sum3A_811 : i32
      %add3A_879 = arith.addi %add3A_878, %reduce_sum3A_817 : i32
      %add3A_880 = arith.addi %add3A_879, %reduce_sum3A_823 : i32
      %add3A_881 = arith.addi %add3A_880, %reduce_sum3A_829 : i32
      %add3A_882 = arith.addi %add3A_881, %reduce_sum3A_835 : i32
      %add3A_883 = arith.addi %add3A_882, %reduce_sum3A_841 : i32
      %add3A_884 = arith.addi %add3A_883, %reduce_sum3A_847 : i32
      %add3A_885 = arith.addi %add3A_884, %reduce_sum3A_853 : i32
      %add3A_886 = arith.addi %add3A_885, %reduce_sum3A_859 : i32
      %add3A_887 = arith.addi %add3A_886, %reduce_sum3A_865 : i32
      %add3A_888 = arith.addi %add3A_887, %reduce_sum3A_871 : i32
      %le3A_889 = arith.cmpi sle, %add3A_873, %sub3A_700 : i32
      %convert_element_type3A_890 = arith.extui %le3A_889 : i1 to i32
      %add3A_891 = arith.constant 0 : i32
      %add3A_892 = arith.addi %add3A_891, %convert_element_type3A_890 : i32
      %jit3A_893 = arith.constant 0 : i32
      %select_n3A_894 = arith.select %le3A_889, %add3A_873, %jit3A_893 : i32
      %max3A_895 = arith.constant 0 : i32
      %max3A_896 = arith.maxsi %max3A_895, %select_n3A_894 : i32
      %le3A_897 = arith.cmpi sle, %add3A_874, %sub3A_700 : i32
      %convert_element_type3A_898 = arith.extui %le3A_897 : i1 to i32
      %add3A_899 = arith.addi %add3A_892, %convert_element_type3A_898 : i32
      %jit3A_900 = arith.constant 0 : i32
      %select_n3A_901 = arith.select %le3A_897, %add3A_874, %jit3A_900 : i32
      %max3A_902 = arith.maxsi %max3A_896, %select_n3A_901 : i32
      %le3A_903 = arith.cmpi sle, %add3A_875, %sub3A_700 : i32
      %convert_element_type3A_904 = arith.extui %le3A_903 : i1 to i32
      %add3A_905 = arith.addi %add3A_899, %convert_element_type3A_904 : i32
      %jit3A_906 = arith.constant 0 : i32
      %select_n3A_907 = arith.select %le3A_903, %add3A_875, %jit3A_906 : i32
      %max3A_908 = arith.maxsi %max3A_902, %select_n3A_907 : i32
      %le3A_909 = arith.cmpi sle, %add3A_876, %sub3A_700 : i32
      %convert_element_type3A_910 = arith.extui %le3A_909 : i1 to i32
      %add3A_911 = arith.addi %add3A_905, %convert_element_type3A_910 : i32
      %jit3A_912 = arith.constant 0 : i32
      %select_n3A_913 = arith.select %le3A_909, %add3A_876, %jit3A_912 : i32
      %max3A_914 = arith.maxsi %max3A_908, %select_n3A_913 : i32
      %le3A_915 = arith.cmpi sle, %add3A_877, %sub3A_700 : i32
      %convert_element_type3A_916 = arith.extui %le3A_915 : i1 to i32
      %add3A_917 = arith.addi %add3A_911, %convert_element_type3A_916 : i32
      %jit3A_918 = arith.constant 0 : i32
      %select_n3A_919 = arith.select %le3A_915, %add3A_877, %jit3A_918 : i32
      %max3A_920 = arith.maxsi %max3A_914, %select_n3A_919 : i32
      %le3A_921 = arith.cmpi sle, %add3A_878, %sub3A_700 : i32
      %convert_element_type3A_922 = arith.extui %le3A_921 : i1 to i32
      %add3A_923 = arith.addi %add3A_917, %convert_element_type3A_922 : i32
      %jit3A_924 = arith.constant 0 : i32
      %select_n3A_925 = arith.select %le3A_921, %add3A_878, %jit3A_924 : i32
      %max3A_926 = arith.maxsi %max3A_920, %select_n3A_925 : i32
      %le3A_927 = arith.cmpi sle, %add3A_879, %sub3A_700 : i32
      %convert_element_type3A_928 = arith.extui %le3A_927 : i1 to i32
      %add3A_929 = arith.addi %add3A_923, %convert_element_type3A_928 : i32
      %jit3A_930 = arith.constant 0 : i32
      %select_n3A_931 = arith.select %le3A_927, %add3A_879, %jit3A_930 : i32
      %max3A_932 = arith.maxsi %max3A_926, %select_n3A_931 : i32
      %le3A_933 = arith.cmpi sle, %add3A_880, %sub3A_700 : i32
      %convert_element_type3A_934 = arith.extui %le3A_933 : i1 to i32
      %add3A_935 = arith.addi %add3A_929, %convert_element_type3A_934 : i32
      %jit3A_936 = arith.constant 0 : i32
      %select_n3A_937 = arith.select %le3A_933, %add3A_880, %jit3A_936 : i32
      %max3A_938 = arith.maxsi %max3A_932, %select_n3A_937 : i32
      %le3A_939 = arith.cmpi sle, %add3A_881, %sub3A_700 : i32
      %convert_element_type3A_940 = arith.extui %le3A_939 : i1 to i32
      %add3A_941 = arith.addi %add3A_935, %convert_element_type3A_940 : i32
      %jit3A_942 = arith.constant 0 : i32
      %select_n3A_943 = arith.select %le3A_939, %add3A_881, %jit3A_942 : i32
      %max3A_944 = arith.maxsi %max3A_938, %select_n3A_943 : i32
      %le3A_945 = arith.cmpi sle, %add3A_882, %sub3A_700 : i32
      %convert_element_type3A_946 = arith.extui %le3A_945 : i1 to i32
      %add3A_947 = arith.addi %add3A_941, %convert_element_type3A_946 : i32
      %jit3A_948 = arith.constant 0 : i32
      %select_n3A_949 = arith.select %le3A_945, %add3A_882, %jit3A_948 : i32
      %max3A_950 = arith.maxsi %max3A_944, %select_n3A_949 : i32
      %le3A_951 = arith.cmpi sle, %add3A_883, %sub3A_700 : i32
      %convert_element_type3A_952 = arith.extui %le3A_951 : i1 to i32
      %add3A_953 = arith.addi %add3A_947, %convert_element_type3A_952 : i32
      %jit3A_954 = arith.constant 0 : i32
      %select_n3A_955 = arith.select %le3A_951, %add3A_883, %jit3A_954 : i32
      %max3A_956 = arith.maxsi %max3A_950, %select_n3A_955 : i32
      %le3A_957 = arith.cmpi sle, %add3A_884, %sub3A_700 : i32
      %convert_element_type3A_958 = arith.extui %le3A_957 : i1 to i32
      %add3A_959 = arith.addi %add3A_953, %convert_element_type3A_958 : i32
      %jit3A_960 = arith.constant 0 : i32
      %select_n3A_961 = arith.select %le3A_957, %add3A_884, %jit3A_960 : i32
      %max3A_962 = arith.maxsi %max3A_956, %select_n3A_961 : i32
      %le3A_963 = arith.cmpi sle, %add3A_885, %sub3A_700 : i32
      %convert_element_type3A_964 = arith.extui %le3A_963 : i1 to i32
      %add3A_965 = arith.addi %add3A_959, %convert_element_type3A_964 : i32
      %jit3A_966 = arith.constant 0 : i32
      %select_n3A_967 = arith.select %le3A_963, %add3A_885, %jit3A_966 : i32
      %max3A_968 = arith.maxsi %max3A_962, %select_n3A_967 : i32
      %le3A_969 = arith.cmpi sle, %add3A_886, %sub3A_700 : i32
      %convert_element_type3A_970 = arith.extui %le3A_969 : i1 to i32
      %add3A_971 = arith.addi %add3A_965, %convert_element_type3A_970 : i32
      %jit3A_972 = arith.constant 0 : i32
      %select_n3A_973 = arith.select %le3A_969, %add3A_886, %jit3A_972 : i32
      %max3A_974 = arith.maxsi %max3A_968, %select_n3A_973 : i32
      %le3A_975 = arith.cmpi sle, %add3A_887, %sub3A_700 : i32
      %convert_element_type3A_976 = arith.extui %le3A_975 : i1 to i32
      %add3A_977 = arith.addi %add3A_971, %convert_element_type3A_976 : i32
      %jit3A_978 = arith.constant 0 : i32
      %select_n3A_979 = arith.select %le3A_975, %add3A_887, %jit3A_978 : i32
      %max3A_980 = arith.maxsi %max3A_974, %select_n3A_979 : i32
      %mul3A_981 = arith.constant 16 : i32
      %mul3A_982 = arith.muli %add3A_977, %mul3A_981 : i32
      %get3A_983 = arith.index_cast %mul3A_982 : i32 to index
      %get3A_984 = tpu.vector_load %arg5[%get3A_983] {strides = array<i32>} : memref<256xi32, #tpu.memory_space<vmem>>, vector<16xi32>,
      %broadcast_in_dim3A_985 = arith.constant true
      %broadcast_in_dim3A_986 = vector.broadcast %broadcast_in_dim3A_985 : i1 to vector<16xi1>
      %masked_cumsum3A_987 = tpu.scan <sum>, %get3A_984 masked %broadcast_in_dim3A_986 : vector<16xi32>, vector<16xi1> -> vector<16xi32>
      %add3A_988 = vector.broadcast %max3A_980 : i32 to vector<16xi32>
      %add3A_989 = arith.addi %masked_cumsum3A_987, %add3A_988 : vector<16xi32>
      %le3A_990 = vector.broadcast %sub3A_700 : i32 to vector<16xi32>
      %le3A_991 = arith.cmpi sle, %add3A_989, %le3A_990 : vector<16xi32>
      %convert_element_type3A_992 = arith.extui %le3A_991 : vector<16xi1> to vector<16xi32>
      %reduce_sum3A_993 = arith.constant true
      %reduce_sum3A_994 = vector.broadcast %reduce_sum3A_993 : i1 to vector<16xi1>
      %reduce_sum3A_995 = tpu.scan <sum>, %convert_element_type3A_992 masked %reduce_sum3A_994 : vector<16xi32>, vector<16xi1> -> vector<16xi32>
      %reduce_sum3A_996 = vector.extract %reduce_sum3A_995[15] : i32 from vector<16xi32>
      %mul3A_997 = arith.constant 16 : i32
      %mul3A_998 = arith.muli %add3A_977, %mul3A_997 : i32
      %add3A_999 = arith.addi %mul3A_998, %reduce_sum3A_996 : i32
      %jit3A_1000 = arith.constant 0 : i32
      %broadcast_in_dim3A_1001 = vector.broadcast %jit3A_1000 : i32 to vector<16xi32>
      %select_n3A_1002 = arith.select %le3A_991, %add3A_989, %broadcast_in_dim3A_1001 : vector<16xi1>, vector<16xi32>
      %reduce_max3A_1003 = arith.constant true
      %reduce_max3A_1004 = vector.broadcast %reduce_max3A_1003 : i1 to vector<16xi1>
      %reduce_max3A_1005 = arith.constant -2147483648 : i32
      %reduce_max3A_1006 = vector.broadcast %reduce_max3A_1005 : i32 to vector<16xi32>
      %reduce_max3A_1007 = arith.xori %select_n3A_1002, %reduce_max3A_1006 : vector<16xi32>
      %reduce_max3A_1008 = tpu.scan <max>, %reduce_max3A_1007 masked %reduce_max3A_1004 : vector<16xi32>, vector<16xi1> -> vector<16xi32>
      %reduce_max3A_1009 = arith.xori %reduce_max3A_1008, %reduce_max3A_1006 : vector<16xi32>
      %reduce_max3A_1010 = vector.extract %reduce_max3A_1009[15] : i32 from vector<16xi32>
      %max3A_1011 = arith.maxsi %reduce_max3A_1010, %max3A_980 : i32
      %jit3A_1012 = arith.constant 1073741824 : i32
      %broadcast_in_dim3A_1013 = vector.broadcast %jit3A_1012 : i32 to vector<16xi32>
      %select_n3A_1014 = arith.select %le3A_991, %broadcast_in_dim3A_1013, %add3A_989 : vector<16xi1>, vector<16xi32>
      %reduce_min3A_1015 = arith.constant true
      %reduce_min3A_1016 = vector.broadcast %reduce_min3A_1015 : i1 to vector<16xi1>
      %reduce_min3A_1017 = arith.constant -2147483648 : i32
      %reduce_min3A_1018 = vector.broadcast %reduce_min3A_1017 : i32 to vector<16xi32>
      %reduce_min3A_1019 = arith.xori %select_n3A_1014, %reduce_min3A_1018 : vector<16xi32>
      %reduce_min3A_1020 = tpu.scan <min>, %reduce_min3A_1019 masked %reduce_min3A_1016 : vector<16xi32>, vector<16xi1> -> vector<16xi32>
      %reduce_min3A_1021 = arith.xori %reduce_min3A_1020, %reduce_min3A_1018 : vector<16xi32>
      %reduce_min3A_1022 = vector.extract %reduce_min3A_1021[15] : i32 from vector<16xi32>
      %shift_left3A_1023 = arith.constant 8 : i32
      %shift_left3A_1024 = arith.shli %or3A, %shift_left3A_1023 : i32
      %or3A_1025 = arith.ori %shift_left3A_1024, %add3A_999 : i32
      %sub3A_1026 = arith.subi %sub3A_700, %max3A_1011 : i32
      %broadcast_in_dim3A_1027 = arith.constant 0 : i32
      %broadcast_in_dim3A_1028 = vector.broadcast %broadcast_in_dim3A_1027 : i32 to vector<16xi32>
      %swap3A_1029 = arith.constant 0 : index
      %swap3A_1030 = tpu.vector_load %arg5[%swap3A_1029] {strides = array<i32>} : memref<256xi32, #tpu.memory_space<vmem>>, vector<16xi32>,
      tpu.vector_store %arg5[%swap3A_1029], %broadcast_in_dim3A_1028 {strides = array<i32>} : memref<256xi32, #tpu.memory_space<vmem>>, vector<16xi32>,
      %broadcast_in_dim3A_1031 = arith.constant 0 : i32
      %broadcast_in_dim3A_1032 = vector.broadcast %broadcast_in_dim3A_1031 : i32 to vector<16xi32>
      %swap3A_1033 = arith.constant 16 : index
      %swap3A_1034 = tpu.vector_load %arg5[%swap3A_1033] {strides = array<i32>} : memref<256xi32, #tpu.memory_space<vmem>>, vector<16xi32>,
      tpu.vector_store %arg5[%swap3A_1033], %broadcast_in_dim3A_1032 {strides = array<i32>} : memref<256xi32, #tpu.memory_space<vmem>>, vector<16xi32>,
      %broadcast_in_dim3A_1035 = arith.constant 0 : i32
      %broadcast_in_dim3A_1036 = vector.broadcast %broadcast_in_dim3A_1035 : i32 to vector<16xi32>
      %swap3A_1037 = arith.constant 32 : index
      %swap3A_1038 = tpu.vector_load %arg5[%swap3A_1037] {strides = array<i32>} : memref<256xi32, #tpu.memory_space<vmem>>, vector<16xi32>,
      tpu.vector_store %arg5[%swap3A_1037], %broadcast_in_dim3A_1036 {strides = array<i32>} : memref<256xi32, #tpu.memory_space<vmem>>, vector<16xi32>,
      %broadcast_in_dim3A_1039 = arith.constant 0 : i32
      %broadcast_in_dim3A_1040 = vector.broadcast %broadcast_in_dim3A_1039 : i32 to vector<16xi32>
      %swap3A_1041 = arith.constant 48 : index
      %swap3A_1042 = tpu.vector_load %arg5[%swap3A_1041] {strides = array<i32>} : memref<256xi32, #tpu.memory_space<vmem>>, vector<16xi32>,
      tpu.vector_store %arg5[%swap3A_1041], %broadcast_in_dim3A_1040 {strides = array<i32>} : memref<256xi32, #tpu.memory_space<vmem>>, vector<16xi32>,
      %broadcast_in_dim3A_1043 = arith.constant 0 : i32
      %broadcast_in_dim3A_1044 = vector.broadcast %broadcast_in_dim3A_1043 : i32 to vector<16xi32>
      %swap3A_1045 = arith.constant 64 : index
      %swap3A_1046 = tpu.vector_load %arg5[%swap3A_1045] {strides = array<i32>} : memref<256xi32, #tpu.memory_space<vmem>>, vector<16xi32>,
      tpu.vector_store %arg5[%swap3A_1045], %broadcast_in_dim3A_1044 {strides = array<i32>} : memref<256xi32, #tpu.memory_space<vmem>>, vector<16xi32>,
      %broadcast_in_dim3A_1047 = arith.constant 0 : i32
      %broadcast_in_dim3A_1048 = vector.broadcast %broadcast_in_dim3A_1047 : i32 to vector<16xi32>
      %swap3A_1049 = arith.constant 80 : index
      %swap3A_1050 = tpu.vector_load %arg5[%swap3A_1049] {strides = array<i32>} : memref<256xi32, #tpu.memory_space<vmem>>, vector<16xi32>,
      tpu.vector_store %arg5[%swap3A_1049], %broadcast_in_dim3A_1048 {strides = array<i32>} : memref<256xi32, #tpu.memory_space<vmem>>, vector<16xi32>,
      %broadcast_in_dim3A_1051 = arith.constant 0 : i32
      %broadcast_in_dim3A_1052 = vector.broadcast %broadcast_in_dim3A_1051 : i32 to vector<16xi32>
      %swap3A_1053 = arith.constant 96 : index
      %swap3A_1054 = tpu.vector_load %arg5[%swap3A_1053] {strides = array<i32>} : memref<256xi32, #tpu.memory_space<vmem>>, vector<16xi32>,
      tpu.vector_store %arg5[%swap3A_1053], %broadcast_in_dim3A_1052 {strides = array<i32>} : memref<256xi32, #tpu.memory_space<vmem>>, vector<16xi32>,
      %broadcast_in_dim3A_1055 = arith.constant 0 : i32
      %broadcast_in_dim3A_1056 = vector.broadcast %broadcast_in_dim3A_1055 : i32 to vector<16xi32>
      %swap3A_1057 = arith.constant 112 : index
      %swap3A_1058 = tpu.vector_load %arg5[%swap3A_1057] {strides = array<i32>} : memref<256xi32, #tpu.memory_space<vmem>>, vector<16xi32>,
      tpu.vector_store %arg5[%swap3A_1057], %broadcast_in_dim3A_1056 {strides = array<i32>} : memref<256xi32, #tpu.memory_space<vmem>>, vector<16xi32>,
      %broadcast_in_dim3A_1059 = arith.constant 0 : i32
      %broadcast_in_dim3A_1060 = vector.broadcast %broadcast_in_dim3A_1059 : i32 to vector<16xi32>
      %swap3A_1061 = arith.constant 128 : index
      %swap3A_1062 = tpu.vector_load %arg5[%swap3A_1061] {strides = array<i32>} : memref<256xi32, #tpu.memory_space<vmem>>, vector<16xi32>,
      tpu.vector_store %arg5[%swap3A_1061], %broadcast_in_dim3A_1060 {strides = array<i32>} : memref<256xi32, #tpu.memory_space<vmem>>, vector<16xi32>,
      %broadcast_in_dim3A_1063 = arith.constant 0 : i32
      %broadcast_in_dim3A_1064 = vector.broadcast %broadcast_in_dim3A_1063 : i32 to vector<16xi32>
      %swap3A_1065 = arith.constant 144 : index
      %swap3A_1066 = tpu.vector_load %arg5[%swap3A_1065] {strides = array<i32>} : memref<256xi32, #tpu.memory_space<vmem>>, vector<16xi32>,
      tpu.vector_store %arg5[%swap3A_1065], %broadcast_in_dim3A_1064 {strides = array<i32>} : memref<256xi32, #tpu.memory_space<vmem>>, vector<16xi32>,
      %broadcast_in_dim3A_1067 = arith.constant 0 : i32
      %broadcast_in_dim3A_1068 = vector.broadcast %broadcast_in_dim3A_1067 : i32 to vector<16xi32>
      %swap3A_1069 = arith.constant 160 : index
      %swap3A_1070 = tpu.vector_load %arg5[%swap3A_1069] {strides = array<i32>} : memref<256xi32, #tpu.memory_space<vmem>>, vector<16xi32>,
      tpu.vector_store %arg5[%swap3A_1069], %broadcast_in_dim3A_1068 {strides = array<i32>} : memref<256xi32, #tpu.memory_space<vmem>>, vector<16xi32>,
      %broadcast_in_dim3A_1071 = arith.constant 0 : i32
      %broadcast_in_dim3A_1072 = vector.broadcast %broadcast_in_dim3A_1071 : i32 to vector<16xi32>
      %swap3A_1073 = arith.constant 176 : index
      %swap3A_1074 = tpu.vector_load %arg5[%swap3A_1073] {strides = array<i32>} : memref<256xi32, #tpu.memory_space<vmem>>, vector<16xi32>,
      tpu.vector_store %arg5[%swap3A_1073], %broadcast_in_dim3A_1072 {strides = array<i32>} : memref<256xi32, #tpu.memory_space<vmem>>, vector<16xi32>,
      %broadcast_in_dim3A_1075 = arith.constant 0 : i32
      %broadcast_in_dim3A_1076 = vector.broadcast %broadcast_in_dim3A_1075 : i32 to vector<16xi32>
      %swap3A_1077 = arith.constant 192 : index
      %swap3A_1078 = tpu.vector_load %arg5[%swap3A_1077] {strides = array<i32>} : memref<256xi32, #tpu.memory_space<vmem>>, vector<16xi32>,
      tpu.vector_store %arg5[%swap3A_1077], %broadcast_in_dim3A_1076 {strides = array<i32>} : memref<256xi32, #tpu.memory_space<vmem>>, vector<16xi32>,
      %broadcast_in_dim3A_1079 = arith.constant 0 : i32
      %broadcast_in_dim3A_1080 = vector.broadcast %broadcast_in_dim3A_1079 : i32 to vector<16xi32>
      %swap3A_1081 = arith.constant 208 : index
      %swap3A_1082 = tpu.vector_load %arg5[%swap3A_1081] {strides = array<i32>} : memref<256xi32, #tpu.memory_space<vmem>>, vector<16xi32>,
      tpu.vector_store %arg5[%swap3A_1081], %broadcast_in_dim3A_1080 {strides = array<i32>} : memref<256xi32, #tpu.memory_space<vmem>>, vector<16xi32>,
      %broadcast_in_dim3A_1083 = arith.constant 0 : i32
      %broadcast_in_dim3A_1084 = vector.broadcast %broadcast_in_dim3A_1083 : i32 to vector<16xi32>
      %swap3A_1085 = arith.constant 224 : index
      %swap3A_1086 = tpu.vector_load %arg5[%swap3A_1085] {strides = array<i32>} : memref<256xi32, #tpu.memory_space<vmem>>, vector<16xi32>,
      tpu.vector_store %arg5[%swap3A_1085], %broadcast_in_dim3A_1084 {strides = array<i32>} : memref<256xi32, #tpu.memory_space<vmem>>, vector<16xi32>,
      %broadcast_in_dim3A_1087 = arith.constant 0 : i32
      %broadcast_in_dim3A_1088 = vector.broadcast %broadcast_in_dim3A_1087 : i32 to vector<16xi32>
      %swap3A_1089 = arith.constant 240 : index
      %swap3A_1090 = tpu.vector_load %arg5[%swap3A_1089] {strides = array<i32>} : memref<256xi32, #tpu.memory_space<vmem>>, vector<16xi32>,
      tpu.vector_store %arg5[%swap3A_1089], %broadcast_in_dim3A_1088 {strides = array<i32>} : memref<256xi32, #tpu.memory_space<vmem>>, vector<16xi32>,
      %shift_left3A_1091 = arith.constant 8 : i32
      %shift_left3A_1092 = arith.shli %or3A_1025, %shift_left3A_1091 : i32
      %xor3A_1093 = arith.constant -2147483648 : i32
      %xor3A_1094 = arith.xori %shift_left3A_1092, %xor3A_1093 : i32
      %broadcast_in_dim3A_1095 = vector.broadcast %xor3A_1094 : i32 to vector<16xi32>
      %broadcast_in_dim3A_1096 = arith.constant 0 : i32
      %broadcast_in_dim3A_1097 = vector.broadcast %broadcast_in_dim3A_1096 : i32 to vector<16xi32>
      %parallel_loop3A_1098 = arith.constant 0 : i32
      %parallel_loop3A_1099 = arith.constant 512 : i32
      %parallel_loop3A_1100 = arith.constant 1 : i32
      %parallel_loop3A_1101 = arith.constant -2147483392 : i32
      scf.for %parallel_loop3A_1356 = %parallel_loop3A_1098 to %parallel_loop3A_1099 step %parallel_loop3A_1100  : i32 {
        %parallel_loop3A_1357 = arith.constant 16 : i32
        %parallel_loop3A_1358 = arith.muli %parallel_loop3A_1356, %parallel_loop3A_1357 : i32
        %parallel_loop3A_1359 = arith.addi %mul3A_31, %parallel_loop3A_1358 : i32
        %parallel_loop3A_1360 = arith.index_cast %parallel_loop3A_1359 : i32 to index
        %parallel_loop3A_1361 = tpu.vector_load %arg4[%parallel_loop3A_1360] {strides = array<i32>} : memref<16384xf32, #tpu.memory_space<vmem>>, vector<16xf32>,
        %parallel_loop3A_1362 = vector.bitcast %parallel_loop3A_1361 : vector<16xf32> to vector<16xi32>
        %parallel_loop3A_1363 = arith.xori %parallel_loop3A_1362, %broadcast_in_dim3A_1095 : vector<16xi32>
        %parallel_loop3A_1364 = vector.broadcast %parallel_loop3A_1101 : i32 to vector<16xi32>
        %parallel_loop3A_1365 = arith.cmpi slt, %parallel_loop3A_1363, %parallel_loop3A_1364 : vector<16xi32>
        %parallel_loop3A_1366 = arith.shrui %parallel_loop3A_1362, %broadcast_in_dim3A_1097 : vector<16xi32>
        %parallel_loop3A_1367 = arith.andi %parallel_loop3A_1366, %broadcast_in_dim3A_9 : vector<16xi32>
        tpu.vector_store_idx %arg5[%parallel_loop3A_1367], %broadcast_in_dim3A_3 masked %parallel_loop3A_1365 {add = true} : memref<256xi32, #tpu.memory_space<vmem>>[vector<16xi32>], vector<16xi32>, vector<16xi1>
      } {sc.loop_unroll_factor = 16 : i64, sc.parallel_access}
      %get3A_1102 = arith.constant 0 : index
      %get3A_1103 = tpu.vector_load %arg5[%get3A_1102] {strides = array<i32>} : memref<256xi32, #tpu.memory_space<vmem>>, vector<16xi32>,
      %reduce_sum3A_1104 = arith.constant true
      %reduce_sum3A_1105 = vector.broadcast %reduce_sum3A_1104 : i1 to vector<16xi1>
      %reduce_sum3A_1106 = tpu.scan <sum>, %get3A_1103 masked %reduce_sum3A_1105 : vector<16xi32>, vector<16xi1> -> vector<16xi32>
      %reduce_sum3A_1107 = vector.extract %reduce_sum3A_1106[15] : i32 from vector<16xi32>
      %get3A_1108 = arith.constant 16 : index
      %get3A_1109 = tpu.vector_load %arg5[%get3A_1108] {strides = array<i32>} : memref<256xi32, #tpu.memory_space<vmem>>, vector<16xi32>,
      %reduce_sum3A_1110 = arith.constant true
      %reduce_sum3A_1111 = vector.broadcast %reduce_sum3A_1110 : i1 to vector<16xi1>
      %reduce_sum3A_1112 = tpu.scan <sum>, %get3A_1109 masked %reduce_sum3A_1111 : vector<16xi32>, vector<16xi1> -> vector<16xi32>
      %reduce_sum3A_1113 = vector.extract %reduce_sum3A_1112[15] : i32 from vector<16xi32>
      %get3A_1114 = arith.constant 32 : index
      %get3A_1115 = tpu.vector_load %arg5[%get3A_1114] {strides = array<i32>} : memref<256xi32, #tpu.memory_space<vmem>>, vector<16xi32>,
      %reduce_sum3A_1116 = arith.constant true
      %reduce_sum3A_1117 = vector.broadcast %reduce_sum3A_1116 : i1 to vector<16xi1>
      %reduce_sum3A_1118 = tpu.scan <sum>, %get3A_1115 masked %reduce_sum3A_1117 : vector<16xi32>, vector<16xi1> -> vector<16xi32>
      %reduce_sum3A_1119 = vector.extract %reduce_sum3A_1118[15] : i32 from vector<16xi32>
      %get3A_1120 = arith.constant 48 : index
      %get3A_1121 = tpu.vector_load %arg5[%get3A_1120] {strides = array<i32>} : memref<256xi32, #tpu.memory_space<vmem>>, vector<16xi32>,
      %reduce_sum3A_1122 = arith.constant true
      %reduce_sum3A_1123 = vector.broadcast %reduce_sum3A_1122 : i1 to vector<16xi1>
      %reduce_sum3A_1124 = tpu.scan <sum>, %get3A_1121 masked %reduce_sum3A_1123 : vector<16xi32>, vector<16xi1> -> vector<16xi32>
      %reduce_sum3A_1125 = vector.extract %reduce_sum3A_1124[15] : i32 from vector<16xi32>
      %get3A_1126 = arith.constant 64 : index
      %get3A_1127 = tpu.vector_load %arg5[%get3A_1126] {strides = array<i32>} : memref<256xi32, #tpu.memory_space<vmem>>, vector<16xi32>,
      %reduce_sum3A_1128 = arith.constant true
      %reduce_sum3A_1129 = vector.broadcast %reduce_sum3A_1128 : i1 to vector<16xi1>
      %reduce_sum3A_1130 = tpu.scan <sum>, %get3A_1127 masked %reduce_sum3A_1129 : vector<16xi32>, vector<16xi1> -> vector<16xi32>
      %reduce_sum3A_1131 = vector.extract %reduce_sum3A_1130[15] : i32 from vector<16xi32>
      %get3A_1132 = arith.constant 80 : index
      %get3A_1133 = tpu.vector_load %arg5[%get3A_1132] {strides = array<i32>} : memref<256xi32, #tpu.memory_space<vmem>>, vector<16xi32>,
      %reduce_sum3A_1134 = arith.constant true
      %reduce_sum3A_1135 = vector.broadcast %reduce_sum3A_1134 : i1 to vector<16xi1>
      %reduce_sum3A_1136 = tpu.scan <sum>, %get3A_1133 masked %reduce_sum3A_1135 : vector<16xi32>, vector<16xi1> -> vector<16xi32>
      %reduce_sum3A_1137 = vector.extract %reduce_sum3A_1136[15] : i32 from vector<16xi32>
      %get3A_1138 = arith.constant 96 : index
      %get3A_1139 = tpu.vector_load %arg5[%get3A_1138] {strides = array<i32>} : memref<256xi32, #tpu.memory_space<vmem>>, vector<16xi32>,
      %reduce_sum3A_1140 = arith.constant true
      %reduce_sum3A_1141 = vector.broadcast %reduce_sum3A_1140 : i1 to vector<16xi1>
      %reduce_sum3A_1142 = tpu.scan <sum>, %get3A_1139 masked %reduce_sum3A_1141 : vector<16xi32>, vector<16xi1> -> vector<16xi32>
      %reduce_sum3A_1143 = vector.extract %reduce_sum3A_1142[15] : i32 from vector<16xi32>
      %get3A_1144 = arith.constant 112 : index
      %get3A_1145 = tpu.vector_load %arg5[%get3A_1144] {strides = array<i32>} : memref<256xi32, #tpu.memory_space<vmem>>, vector<16xi32>,
      %reduce_sum3A_1146 = arith.constant true
      %reduce_sum3A_1147 = vector.broadcast %reduce_sum3A_1146 : i1 to vector<16xi1>
      %reduce_sum3A_1148 = tpu.scan <sum>, %get3A_1145 masked %reduce_sum3A_1147 : vector<16xi32>, vector<16xi1> -> vector<16xi32>
      %reduce_sum3A_1149 = vector.extract %reduce_sum3A_1148[15] : i32 from vector<16xi32>
      %get3A_1150 = arith.constant 128 : index
      %get3A_1151 = tpu.vector_load %arg5[%get3A_1150] {strides = array<i32>} : memref<256xi32, #tpu.memory_space<vmem>>, vector<16xi32>,
      %reduce_sum3A_1152 = arith.constant true
      %reduce_sum3A_1153 = vector.broadcast %reduce_sum3A_1152 : i1 to vector<16xi1>
      %reduce_sum3A_1154 = tpu.scan <sum>, %get3A_1151 masked %reduce_sum3A_1153 : vector<16xi32>, vector<16xi1> -> vector<16xi32>
      %reduce_sum3A_1155 = vector.extract %reduce_sum3A_1154[15] : i32 from vector<16xi32>
      %get3A_1156 = arith.constant 144 : index
      %get3A_1157 = tpu.vector_load %arg5[%get3A_1156] {strides = array<i32>} : memref<256xi32, #tpu.memory_space<vmem>>, vector<16xi32>,
      %reduce_sum3A_1158 = arith.constant true
      %reduce_sum3A_1159 = vector.broadcast %reduce_sum3A_1158 : i1 to vector<16xi1>
      %reduce_sum3A_1160 = tpu.scan <sum>, %get3A_1157 masked %reduce_sum3A_1159 : vector<16xi32>, vector<16xi1> -> vector<16xi32>
      %reduce_sum3A_1161 = vector.extract %reduce_sum3A_1160[15] : i32 from vector<16xi32>
      %get3A_1162 = arith.constant 160 : index
      %get3A_1163 = tpu.vector_load %arg5[%get3A_1162] {strides = array<i32>} : memref<256xi32, #tpu.memory_space<vmem>>, vector<16xi32>,
      %reduce_sum3A_1164 = arith.constant true
      %reduce_sum3A_1165 = vector.broadcast %reduce_sum3A_1164 : i1 to vector<16xi1>
      %reduce_sum3A_1166 = tpu.scan <sum>, %get3A_1163 masked %reduce_sum3A_1165 : vector<16xi32>, vector<16xi1> -> vector<16xi32>
      %reduce_sum3A_1167 = vector.extract %reduce_sum3A_1166[15] : i32 from vector<16xi32>
      %get3A_1168 = arith.constant 176 : index
      %get3A_1169 = tpu.vector_load %arg5[%get3A_1168] {strides = array<i32>} : memref<256xi32, #tpu.memory_space<vmem>>, vector<16xi32>,
      %reduce_sum3A_1170 = arith.constant true
      %reduce_sum3A_1171 = vector.broadcast %reduce_sum3A_1170 : i1 to vector<16xi1>
      %reduce_sum3A_1172 = tpu.scan <sum>, %get3A_1169 masked %reduce_sum3A_1171 : vector<16xi32>, vector<16xi1> -> vector<16xi32>
      %reduce_sum3A_1173 = vector.extract %reduce_sum3A_1172[15] : i32 from vector<16xi32>
      %get3A_1174 = arith.constant 192 : index
      %get3A_1175 = tpu.vector_load %arg5[%get3A_1174] {strides = array<i32>} : memref<256xi32, #tpu.memory_space<vmem>>, vector<16xi32>,
      %reduce_sum3A_1176 = arith.constant true
      %reduce_sum3A_1177 = vector.broadcast %reduce_sum3A_1176 : i1 to vector<16xi1>
      %reduce_sum3A_1178 = tpu.scan <sum>, %get3A_1175 masked %reduce_sum3A_1177 : vector<16xi32>, vector<16xi1> -> vector<16xi32>
      %reduce_sum3A_1179 = vector.extract %reduce_sum3A_1178[15] : i32 from vector<16xi32>
      %get3A_1180 = arith.constant 208 : index
      %get3A_1181 = tpu.vector_load %arg5[%get3A_1180] {strides = array<i32>} : memref<256xi32, #tpu.memory_space<vmem>>, vector<16xi32>,
      %reduce_sum3A_1182 = arith.constant true
      %reduce_sum3A_1183 = vector.broadcast %reduce_sum3A_1182 : i1 to vector<16xi1>
      %reduce_sum3A_1184 = tpu.scan <sum>, %get3A_1181 masked %reduce_sum3A_1183 : vector<16xi32>, vector<16xi1> -> vector<16xi32>
      %reduce_sum3A_1185 = vector.extract %reduce_sum3A_1184[15] : i32 from vector<16xi32>
      %get3A_1186 = arith.constant 224 : index
      %get3A_1187 = tpu.vector_load %arg5[%get3A_1186] {strides = array<i32>} : memref<256xi32, #tpu.memory_space<vmem>>, vector<16xi32>,
      %reduce_sum3A_1188 = arith.constant true
      %reduce_sum3A_1189 = vector.broadcast %reduce_sum3A_1188 : i1 to vector<16xi1>
      %reduce_sum3A_1190 = tpu.scan <sum>, %get3A_1187 masked %reduce_sum3A_1189 : vector<16xi32>, vector<16xi1> -> vector<16xi32>
      %reduce_sum3A_1191 = vector.extract %reduce_sum3A_1190[15] : i32 from vector<16xi32>
      %get3A_1192 = arith.constant 240 : index
      %get3A_1193 = tpu.vector_load %arg5[%get3A_1192] {strides = array<i32>} : memref<256xi32, #tpu.memory_space<vmem>>, vector<16xi32>,
      %reduce_sum3A_1194 = arith.constant true
      %reduce_sum3A_1195 = vector.broadcast %reduce_sum3A_1194 : i1 to vector<16xi1>
      %reduce_sum3A_1196 = tpu.scan <sum>, %get3A_1193 masked %reduce_sum3A_1195 : vector<16xi32>, vector<16xi1> -> vector<16xi32>
      %reduce_sum3A_1197 = vector.extract %reduce_sum3A_1196[15] : i32 from vector<16xi32>
      %add3A_1198 = arith.constant 0 : i32
      %add3A_1199 = arith.addi %add3A_1198, %reduce_sum3A_1107 : i32
      %add3A_1200 = arith.addi %add3A_1199, %reduce_sum3A_1113 : i32
      %add3A_1201 = arith.addi %add3A_1200, %reduce_sum3A_1119 : i32
      %add3A_1202 = arith.addi %add3A_1201, %reduce_sum3A_1125 : i32
      %add3A_1203 = arith.addi %add3A_1202, %reduce_sum3A_1131 : i32
      %add3A_1204 = arith.addi %add3A_1203, %reduce_sum3A_1137 : i32
      %add3A_1205 = arith.addi %add3A_1204, %reduce_sum3A_1143 : i32
      %add3A_1206 = arith.addi %add3A_1205, %reduce_sum3A_1149 : i32
      %add3A_1207 = arith.addi %add3A_1206, %reduce_sum3A_1155 : i32
      %add3A_1208 = arith.addi %add3A_1207, %reduce_sum3A_1161 : i32
      %add3A_1209 = arith.addi %add3A_1208, %reduce_sum3A_1167 : i32
      %add3A_1210 = arith.addi %add3A_1209, %reduce_sum3A_1173 : i32
      %add3A_1211 = arith.addi %add3A_1210, %reduce_sum3A_1179 : i32
      %add3A_1212 = arith.addi %add3A_1211, %reduce_sum3A_1185 : i32
      %add3A_1213 = arith.addi %add3A_1212, %reduce_sum3A_1191 : i32
      %add3A_1214 = arith.addi %add3A_1213, %reduce_sum3A_1197 : i32
      %le3A_1215 = arith.cmpi sle, %add3A_1199, %sub3A_1026 : i32
      %convert_element_type3A_1216 = arith.extui %le3A_1215 : i1 to i32
      %add3A_1217 = arith.constant 0 : i32
      %add3A_1218 = arith.addi %add3A_1217, %convert_element_type3A_1216 : i32
      %jit3A_1219 = arith.constant 0 : i32
      %select_n3A_1220 = arith.select %le3A_1215, %add3A_1199, %jit3A_1219 : i32
      %max3A_1221 = arith.constant 0 : i32
      %max3A_1222 = arith.maxsi %max3A_1221, %select_n3A_1220 : i32
      %le3A_1223 = arith.cmpi sle, %add3A_1200, %sub3A_1026 : i32
      %convert_element_type3A_1224 = arith.extui %le3A_1223 : i1 to i32
      %add3A_1225 = arith.addi %add3A_1218, %convert_element_type3A_1224 : i32
      %jit3A_1226 = arith.constant 0 : i32
      %select_n3A_1227 = arith.select %le3A_1223, %add3A_1200, %jit3A_1226 : i32
      %max3A_1228 = arith.maxsi %max3A_1222, %select_n3A_1227 : i32
      %le3A_1229 = arith.cmpi sle, %add3A_1201, %sub3A_1026 : i32
      %convert_element_type3A_1230 = arith.extui %le3A_1229 : i1 to i32
      %add3A_1231 = arith.addi %add3A_1225, %convert_element_type3A_1230 : i32
      %jit3A_1232 = arith.constant 0 : i32
      %select_n3A_1233 = arith.select %le3A_1229, %add3A_1201, %jit3A_1232 : i32
      %max3A_1234 = arith.maxsi %max3A_1228, %select_n3A_1233 : i32
      %le3A_1235 = arith.cmpi sle, %add3A_1202, %sub3A_1026 : i32
      %convert_element_type3A_1236 = arith.extui %le3A_1235 : i1 to i32
      %add3A_1237 = arith.addi %add3A_1231, %convert_element_type3A_1236 : i32
      %jit3A_1238 = arith.constant 0 : i32
      %select_n3A_1239 = arith.select %le3A_1235, %add3A_1202, %jit3A_1238 : i32
      %max3A_1240 = arith.maxsi %max3A_1234, %select_n3A_1239 : i32
      %le3A_1241 = arith.cmpi sle, %add3A_1203, %sub3A_1026 : i32
      %convert_element_type3A_1242 = arith.extui %le3A_1241 : i1 to i32
      %add3A_1243 = arith.addi %add3A_1237, %convert_element_type3A_1242 : i32
      %jit3A_1244 = arith.constant 0 : i32
      %select_n3A_1245 = arith.select %le3A_1241, %add3A_1203, %jit3A_1244 : i32
      %max3A_1246 = arith.maxsi %max3A_1240, %select_n3A_1245 : i32
      %le3A_1247 = arith.cmpi sle, %add3A_1204, %sub3A_1026 : i32
      %convert_element_type3A_1248 = arith.extui %le3A_1247 : i1 to i32
      %add3A_1249 = arith.addi %add3A_1243, %convert_element_type3A_1248 : i32
      %jit3A_1250 = arith.constant 0 : i32
      %select_n3A_1251 = arith.select %le3A_1247, %add3A_1204, %jit3A_1250 : i32
      %max3A_1252 = arith.maxsi %max3A_1246, %select_n3A_1251 : i32
      %le3A_1253 = arith.cmpi sle, %add3A_1205, %sub3A_1026 : i32
      %convert_element_type3A_1254 = arith.extui %le3A_1253 : i1 to i32
      %add3A_1255 = arith.addi %add3A_1249, %convert_element_type3A_1254 : i32
      %jit3A_1256 = arith.constant 0 : i32
      %select_n3A_1257 = arith.select %le3A_1253, %add3A_1205, %jit3A_1256 : i32
      %max3A_1258 = arith.maxsi %max3A_1252, %select_n3A_1257 : i32
      %le3A_1259 = arith.cmpi sle, %add3A_1206, %sub3A_1026 : i32
      %convert_element_type3A_1260 = arith.extui %le3A_1259 : i1 to i32
      %add3A_1261 = arith.addi %add3A_1255, %convert_element_type3A_1260 : i32
      %jit3A_1262 = arith.constant 0 : i32
      %select_n3A_1263 = arith.select %le3A_1259, %add3A_1206, %jit3A_1262 : i32
      %max3A_1264 = arith.maxsi %max3A_1258, %select_n3A_1263 : i32
      %le3A_1265 = arith.cmpi sle, %add3A_1207, %sub3A_1026 : i32
      %convert_element_type3A_1266 = arith.extui %le3A_1265 : i1 to i32
      %add3A_1267 = arith.addi %add3A_1261, %convert_element_type3A_1266 : i32
      %jit3A_1268 = arith.constant 0 : i32
      %select_n3A_1269 = arith.select %le3A_1265, %add3A_1207, %jit3A_1268 : i32
      %max3A_1270 = arith.maxsi %max3A_1264, %select_n3A_1269 : i32
      %le3A_1271 = arith.cmpi sle, %add3A_1208, %sub3A_1026 : i32
      %convert_element_type3A_1272 = arith.extui %le3A_1271 : i1 to i32
      %add3A_1273 = arith.addi %add3A_1267, %convert_element_type3A_1272 : i32
      %jit3A_1274 = arith.constant 0 : i32
      %select_n3A_1275 = arith.select %le3A_1271, %add3A_1208, %jit3A_1274 : i32
      %max3A_1276 = arith.maxsi %max3A_1270, %select_n3A_1275 : i32
      %le3A_1277 = arith.cmpi sle, %add3A_1209, %sub3A_1026 : i32
      %convert_element_type3A_1278 = arith.extui %le3A_1277 : i1 to i32
      %add3A_1279 = arith.addi %add3A_1273, %convert_element_type3A_1278 : i32
      %jit3A_1280 = arith.constant 0 : i32
      %select_n3A_1281 = arith.select %le3A_1277, %add3A_1209, %jit3A_1280 : i32
      %max3A_1282 = arith.maxsi %max3A_1276, %select_n3A_1281 : i32
      %le3A_1283 = arith.cmpi sle, %add3A_1210, %sub3A_1026 : i32
      %convert_element_type3A_1284 = arith.extui %le3A_1283 : i1 to i32
      %add3A_1285 = arith.addi %add3A_1279, %convert_element_type3A_1284 : i32
      %jit3A_1286 = arith.constant 0 : i32
      %select_n3A_1287 = arith.select %le3A_1283, %add3A_1210, %jit3A_1286 : i32
      %max3A_1288 = arith.maxsi %max3A_1282, %select_n3A_1287 : i32
      %le3A_1289 = arith.cmpi sle, %add3A_1211, %sub3A_1026 : i32
      %convert_element_type3A_1290 = arith.extui %le3A_1289 : i1 to i32
      %add3A_1291 = arith.addi %add3A_1285, %convert_element_type3A_1290 : i32
      %jit3A_1292 = arith.constant 0 : i32
      %select_n3A_1293 = arith.select %le3A_1289, %add3A_1211, %jit3A_1292 : i32
      %max3A_1294 = arith.maxsi %max3A_1288, %select_n3A_1293 : i32
      %le3A_1295 = arith.cmpi sle, %add3A_1212, %sub3A_1026 : i32
      %convert_element_type3A_1296 = arith.extui %le3A_1295 : i1 to i32
      %add3A_1297 = arith.addi %add3A_1291, %convert_element_type3A_1296 : i32
      %jit3A_1298 = arith.constant 0 : i32
      %select_n3A_1299 = arith.select %le3A_1295, %add3A_1212, %jit3A_1298 : i32
      %max3A_1300 = arith.maxsi %max3A_1294, %select_n3A_1299 : i32
      %le3A_1301 = arith.cmpi sle, %add3A_1213, %sub3A_1026 : i32
      %convert_element_type3A_1302 = arith.extui %le3A_1301 : i1 to i32
      %add3A_1303 = arith.addi %add3A_1297, %convert_element_type3A_1302 : i32
      %jit3A_1304 = arith.constant 0 : i32
      %select_n3A_1305 = arith.select %le3A_1301, %add3A_1213, %jit3A_1304 : i32
      %max3A_1306 = arith.maxsi %max3A_1300, %select_n3A_1305 : i32
      %mul3A_1307 = arith.constant 16 : i32
      %mul3A_1308 = arith.muli %add3A_1303, %mul3A_1307 : i32
      %get3A_1309 = arith.index_cast %mul3A_1308 : i32 to index
      %get3A_1310 = tpu.vector_load %arg5[%get3A_1309] {strides = array<i32>} : memref<256xi32, #tpu.memory_space<vmem>>, vector<16xi32>,
      %broadcast_in_dim3A_1311 = arith.constant true
      %broadcast_in_dim3A_1312 = vector.broadcast %broadcast_in_dim3A_1311 : i1 to vector<16xi1>
      %masked_cumsum3A_1313 = tpu.scan <sum>, %get3A_1310 masked %broadcast_in_dim3A_1312 : vector<16xi32>, vector<16xi1> -> vector<16xi32>
      %add3A_1314 = vector.broadcast %max3A_1306 : i32 to vector<16xi32>
      %add3A_1315 = arith.addi %masked_cumsum3A_1313, %add3A_1314 : vector<16xi32>
      %le3A_1316 = vector.broadcast %sub3A_1026 : i32 to vector<16xi32>
      %le3A_1317 = arith.cmpi sle, %add3A_1315, %le3A_1316 : vector<16xi32>
      %convert_element_type3A_1318 = arith.extui %le3A_1317 : vector<16xi1> to vector<16xi32>
      %reduce_sum3A_1319 = arith.constant true
      %reduce_sum3A_1320 = vector.broadcast %reduce_sum3A_1319 : i1 to vector<16xi1>
      %reduce_sum3A_1321 = tpu.scan <sum>, %convert_element_type3A_1318 masked %reduce_sum3A_1320 : vector<16xi32>, vector<16xi1> -> vector<16xi32>
      %reduce_sum3A_1322 = vector.extract %reduce_sum3A_1321[15] : i32 from vector<16xi32>
      %mul3A_1323 = arith.constant 16 : i32
      %mul3A_1324 = arith.muli %add3A_1303, %mul3A_1323 : i32
      %add3A_1325 = arith.addi %mul3A_1324, %reduce_sum3A_1322 : i32
      %jit3A_1326 = arith.constant 0 : i32
      %broadcast_in_dim3A_1327 = vector.broadcast %jit3A_1326 : i32 to vector<16xi32>
      %select_n3A_1328 = arith.select %le3A_1317, %add3A_1315, %broadcast_in_dim3A_1327 : vector<16xi1>, vector<16xi32>
      %reduce_max3A_1329 = arith.constant true
      %reduce_max3A_1330 = vector.broadcast %reduce_max3A_1329 : i1 to vector<16xi1>
      %reduce_max3A_1331 = arith.constant -2147483648 : i32
      %reduce_max3A_1332 = vector.broadcast %reduce_max3A_1331 : i32 to vector<16xi32>
      %reduce_max3A_1333 = arith.xori %select_n3A_1328, %reduce_max3A_1332 : vector<16xi32>
      %reduce_max3A_1334 = tpu.scan <max>, %reduce_max3A_1333 masked %reduce_max3A_1330 : vector<16xi32>, vector<16xi1> -> vector<16xi32>
      %reduce_max3A_1335 = arith.xori %reduce_max3A_1334, %reduce_max3A_1332 : vector<16xi32>
      %reduce_max3A_1336 = vector.extract %reduce_max3A_1335[15] : i32 from vector<16xi32>
      %max3A_1337 = arith.maxsi %reduce_max3A_1336, %max3A_1306 : i32
      %jit3A_1338 = arith.constant 1073741824 : i32
      %broadcast_in_dim3A_1339 = vector.broadcast %jit3A_1338 : i32 to vector<16xi32>
      %select_n3A_1340 = arith.select %le3A_1317, %broadcast_in_dim3A_1339, %add3A_1315 : vector<16xi1>, vector<16xi32>
      %reduce_min3A_1341 = arith.constant true
      %reduce_min3A_1342 = vector.broadcast %reduce_min3A_1341 : i1 to vector<16xi1>
      %reduce_min3A_1343 = arith.constant -2147483648 : i32
      %reduce_min3A_1344 = vector.broadcast %reduce_min3A_1343 : i32 to vector<16xi32>
      %reduce_min3A_1345 = arith.xori %select_n3A_1340, %reduce_min3A_1344 : vector<16xi32>
      %reduce_min3A_1346 = tpu.scan <min>, %reduce_min3A_1345 masked %reduce_min3A_1342 : vector<16xi32>, vector<16xi1> -> vector<16xi32>
      %reduce_min3A_1347 = arith.xori %reduce_min3A_1346, %reduce_min3A_1344 : vector<16xi32>
      %reduce_min3A_1348 = vector.extract %reduce_min3A_1347[15] : i32 from vector<16xi32>
      %shift_left3A_1349 = arith.constant 8 : i32
      %shift_left3A_1350 = arith.shli %or3A_1025, %shift_left3A_1349 : i32
      %or3A_1351 = arith.ori %shift_left3A_1350, %add3A_1325 : i32
      %sub3A_1352 = arith.subi %sub3A_1026, %max3A_1337 : i32
      %broadcast_in_dim3A_1353 = vector.broadcast %or3A_1351 : i32 to vector<16xi32>
      %bitcast3A = vector.bitcast %broadcast_in_dim3A_1353 : vector<16xi32> to vector<16xf32>
      %broadcast_in_dim3A_1354 = vector.broadcast %scan3A_27 : i32 to vector<16xi32>
      tpu.vector_store_idx %arg6[%broadcast_in_dim3A_1354], %bitcast3A masked %eq3A_2 : memref<24xf32, #tpu.memory_space<vmem>>[vector<16xi32>], vector<16xf32>, vector<16xi1>
      %scan3A_1355 = arith.constant 0 : i32
      scf.yield %scan3A_1355 : i32
    }
    %scan3A_26 = arith.constant 24 : i32
    "tpu.region"() ({
      %run_scoped3A = tpu.sem_alloc : memref<!tpu.dma_semaphore, #tpu.memory_space<semaphore_mem>>
      %dma_start3A_27 = tpu.memref_slice %arg3[%mul3A_11] : memref<768xf32, #tpu.memory_space<hbm>> -> memref<24xf32, #tpu.memory_space<hbm>>
      %dma_start3A_28 = tpu.memref_slice %arg3[%mul3A_11] : memref<768xf32, #tpu.memory_space<hbm>> -> memref<24xf32, #tpu.memory_space<hbm>>
      tpu.enqueue_dma source(%arg6 : memref<24xf32, #tpu.memory_space<vmem>>) target(%dma_start3A_28 : memref<24xf32, #tpu.memory_space<hbm>>) target_semaphore(%run_scoped3A : memref<!tpu.dma_semaphore, #tpu.memory_space<semaphore_mem>>)
      %dma_wait3A = tpu.memref_slice %arg3[%mul3A_11] : memref<768xf32, #tpu.memory_space<hbm>> -> memref<24xf32, #tpu.memory_space<hbm>>
      %dma_wait3A_29 = tpu.memref_slice %arg3[%mul3A_11] : memref<768xf32, #tpu.memory_space<hbm>> -> memref<24xf32, #tpu.memory_space<hbm>>
      tpu.wait_dma2 semaphore(%run_scoped3A : memref<!tpu.dma_semaphore, #tpu.memory_space<semaphore_mem>>) src(%arg6 : memref<24xf32, #tpu.memory_space<vmem>>) dst(%dma_wait3A_29 : memref<24xf32, #tpu.memory_space<hbm>>)
      tpu.yield
    }) : () -> ()
    return
  }
}

module attributes {stable_mosaic.version = 14 : i64} {
  func.func @_tc_body(%arg0: i32, %arg1: memref<128x8192xf32, #tpu.memory_space<vmem>>, %arg2: memref<128x1xf32, #tpu.memory_space<vmem>>) attributes {dimension_semantics = [#tpu.dimension_semantics<arbitrary>], iteration_bounds = array<i64: 10>, scalar_prefetch = 0 : i64, scratch_operands = 0 : i64, tpu.core_type = #tpu.core_type<tc>, window_params = [{transform_indices = @transform_0, window_bounds = array<i64: 128, 8192>}, {transform_indices = @transform_1, window_bounds = array<i64: 128, 1>}]} {
    %get3A = arith.constant 0 : index
    %get3A_0 = arith.constant 0 : index
    %get3A_1 = vector.load %arg1[%get3A, %get3A_0] : memref<128x8192xf32, #tpu.memory_space<vmem>>, vector<128x8192xf32>
    %bitcast_convert_type3A = tpu.bitcast %get3A_1 : vector<128x8192xf32> -> vector<128x8192xi32>
    %ge3A = arith.constant 0 : i32
    %ge3A_2 = vector.broadcast %ge3A : i32 to vector<128x8192xi32>
    %ge3A_3 = arith.cmpi sge, %bitcast_convert_type3A, %ge3A_2 : vector<128x8192xi32>
    %sub3A = arith.constant -2147483648 : i32
    %sub3A_4 = vector.broadcast %sub3A : i32 to vector<128x8192xi32>
    %sub3A_5 = arith.subi %sub3A_4, %bitcast_convert_type3A : vector<128x8192xi32>
    %select_n3A = arith.select %ge3A_3, %bitcast_convert_type3A, %sub3A_5 : vector<128x8192xi1>, vector<128x8192xi32>
    %broadcast_in_dim3A = arith.constant 0 : i32
    %broadcast_in_dim3A_6 = vector.broadcast %broadcast_in_dim3A : i32 to vector<128x1xi32>
    %or3A = arith.constant -2147483648 : i32
    %or3A_7 = vector.broadcast %or3A : i32 to vector<128x1xi32>
    %or3A_8 = arith.ori %broadcast_in_dim3A_6, %or3A_7 : vector<128x1xi32>
    %xor3A = arith.constant -2147483648 : i32
    %xor3A_9 = vector.broadcast %xor3A : i32 to vector<128x1xi32>
    %xor3A_10 = arith.xori %or3A_8, %xor3A_9 : vector<128x1xi32>
    %lt3A = vector.broadcast %xor3A_10 : vector<128x1xi32> to vector<128x8192xi32>
    %lt3A_11 = arith.cmpi slt, %select_n3A, %lt3A : vector<128x8192xi32>
    %convert_element_type3A = arith.extui %lt3A_11 : vector<128x8192xi1> to vector<128x8192xi32>
    %reduce_sum3A = arith.constant dense<0> : vector<128xi32>
    %reduce_sum3A_12 = vector.multi_reduction <add>, %convert_element_type3A, %reduce_sum3A [1] : vector<128x8192xi32> to vector<128xi32>
    %broadcast_in_dim3A_13 = vector.shape_cast %reduce_sum3A_12 : vector<128xi32> to vector<128x1xi32>
    %le3A = arith.constant 4095 : i32
    %le3A_14 = vector.broadcast %le3A : i32 to vector<128x1xi32>
    %le3A_15 = arith.cmpi sle, %broadcast_in_dim3A_13, %le3A_14 : vector<128x1xi32>
    %select_n3A_16 = arith.select %le3A_15, %or3A_8, %broadcast_in_dim3A_6 : vector<128x1xi1>, vector<128x1xi32>
    %or3A_17 = arith.constant 1073741824 : i32
    %or3A_18 = vector.broadcast %or3A_17 : i32 to vector<128x1xi32>
    %or3A_19 = arith.ori %select_n3A_16, %or3A_18 : vector<128x1xi32>
    %xor3A_20 = arith.constant -2147483648 : i32
    %xor3A_21 = vector.broadcast %xor3A_20 : i32 to vector<128x1xi32>
    %xor3A_22 = arith.xori %or3A_19, %xor3A_21 : vector<128x1xi32>
    %lt3A_23 = vector.broadcast %xor3A_22 : vector<128x1xi32> to vector<128x8192xi32>
    %lt3A_24 = arith.cmpi slt, %select_n3A, %lt3A_23 : vector<128x8192xi32>
    %convert_element_type3A_25 = arith.extui %lt3A_24 : vector<128x8192xi1> to vector<128x8192xi32>
    %reduce_sum3A_26 = arith.constant dense<0> : vector<128xi32>
    %reduce_sum3A_27 = vector.multi_reduction <add>, %convert_element_type3A_25, %reduce_sum3A_26 [1] : vector<128x8192xi32> to vector<128xi32>
    %broadcast_in_dim3A_28 = vector.shape_cast %reduce_sum3A_27 : vector<128xi32> to vector<128x1xi32>
    %le3A_29 = arith.constant 4095 : i32
    %le3A_30 = vector.broadcast %le3A_29 : i32 to vector<128x1xi32>
    %le3A_31 = arith.cmpi sle, %broadcast_in_dim3A_28, %le3A_30 : vector<128x1xi32>
    %select_n3A_32 = arith.select %le3A_31, %or3A_19, %select_n3A_16 : vector<128x1xi1>, vector<128x1xi32>
    %or3A_33 = arith.constant 536870912 : i32
    %or3A_34 = vector.broadcast %or3A_33 : i32 to vector<128x1xi32>
    %or3A_35 = arith.ori %select_n3A_32, %or3A_34 : vector<128x1xi32>
    %xor3A_36 = arith.constant -2147483648 : i32
    %xor3A_37 = vector.broadcast %xor3A_36 : i32 to vector<128x1xi32>
    %xor3A_38 = arith.xori %or3A_35, %xor3A_37 : vector<128x1xi32>
    %lt3A_39 = vector.broadcast %xor3A_38 : vector<128x1xi32> to vector<128x8192xi32>
    %lt3A_40 = arith.cmpi slt, %select_n3A, %lt3A_39 : vector<128x8192xi32>
    %convert_element_type3A_41 = arith.extui %lt3A_40 : vector<128x8192xi1> to vector<128x8192xi32>
    %reduce_sum3A_42 = arith.constant dense<0> : vector<128xi32>
    %reduce_sum3A_43 = vector.multi_reduction <add>, %convert_element_type3A_41, %reduce_sum3A_42 [1] : vector<128x8192xi32> to vector<128xi32>
    %broadcast_in_dim3A_44 = vector.shape_cast %reduce_sum3A_43 : vector<128xi32> to vector<128x1xi32>
    %le3A_45 = arith.constant 4095 : i32
    %le3A_46 = vector.broadcast %le3A_45 : i32 to vector<128x1xi32>
    %le3A_47 = arith.cmpi sle, %broadcast_in_dim3A_44, %le3A_46 : vector<128x1xi32>
    %select_n3A_48 = arith.select %le3A_47, %or3A_35, %select_n3A_32 : vector<128x1xi1>, vector<128x1xi32>
    %or3A_49 = arith.constant 268435456 : i32
    %or3A_50 = vector.broadcast %or3A_49 : i32 to vector<128x1xi32>
    %or3A_51 = arith.ori %select_n3A_48, %or3A_50 : vector<128x1xi32>
    %xor3A_52 = arith.constant -2147483648 : i32
    %xor3A_53 = vector.broadcast %xor3A_52 : i32 to vector<128x1xi32>
    %xor3A_54 = arith.xori %or3A_51, %xor3A_53 : vector<128x1xi32>
    %lt3A_55 = vector.broadcast %xor3A_54 : vector<128x1xi32> to vector<128x8192xi32>
    %lt3A_56 = arith.cmpi slt, %select_n3A, %lt3A_55 : vector<128x8192xi32>
    %convert_element_type3A_57 = arith.extui %lt3A_56 : vector<128x8192xi1> to vector<128x8192xi32>
    %reduce_sum3A_58 = arith.constant dense<0> : vector<128xi32>
    %reduce_sum3A_59 = vector.multi_reduction <add>, %convert_element_type3A_57, %reduce_sum3A_58 [1] : vector<128x8192xi32> to vector<128xi32>
    %broadcast_in_dim3A_60 = vector.shape_cast %reduce_sum3A_59 : vector<128xi32> to vector<128x1xi32>
    %le3A_61 = arith.constant 4095 : i32
    %le3A_62 = vector.broadcast %le3A_61 : i32 to vector<128x1xi32>
    %le3A_63 = arith.cmpi sle, %broadcast_in_dim3A_60, %le3A_62 : vector<128x1xi32>
    %select_n3A_64 = arith.select %le3A_63, %or3A_51, %select_n3A_48 : vector<128x1xi1>, vector<128x1xi32>
    %or3A_65 = arith.constant 134217728 : i32
    %or3A_66 = vector.broadcast %or3A_65 : i32 to vector<128x1xi32>
    %or3A_67 = arith.ori %select_n3A_64, %or3A_66 : vector<128x1xi32>
    %xor3A_68 = arith.constant -2147483648 : i32
    %xor3A_69 = vector.broadcast %xor3A_68 : i32 to vector<128x1xi32>
    %xor3A_70 = arith.xori %or3A_67, %xor3A_69 : vector<128x1xi32>
    %lt3A_71 = vector.broadcast %xor3A_70 : vector<128x1xi32> to vector<128x8192xi32>
    %lt3A_72 = arith.cmpi slt, %select_n3A, %lt3A_71 : vector<128x8192xi32>
    %convert_element_type3A_73 = arith.extui %lt3A_72 : vector<128x8192xi1> to vector<128x8192xi32>
    %reduce_sum3A_74 = arith.constant dense<0> : vector<128xi32>
    %reduce_sum3A_75 = vector.multi_reduction <add>, %convert_element_type3A_73, %reduce_sum3A_74 [1] : vector<128x8192xi32> to vector<128xi32>
    %broadcast_in_dim3A_76 = vector.shape_cast %reduce_sum3A_75 : vector<128xi32> to vector<128x1xi32>
    %le3A_77 = arith.constant 4095 : i32
    %le3A_78 = vector.broadcast %le3A_77 : i32 to vector<128x1xi32>
    %le3A_79 = arith.cmpi sle, %broadcast_in_dim3A_76, %le3A_78 : vector<128x1xi32>
    %select_n3A_80 = arith.select %le3A_79, %or3A_67, %select_n3A_64 : vector<128x1xi1>, vector<128x1xi32>
    %or3A_81 = arith.constant 67108864 : i32
    %or3A_82 = vector.broadcast %or3A_81 : i32 to vector<128x1xi32>
    %or3A_83 = arith.ori %select_n3A_80, %or3A_82 : vector<128x1xi32>
    %xor3A_84 = arith.constant -2147483648 : i32
    %xor3A_85 = vector.broadcast %xor3A_84 : i32 to vector<128x1xi32>
    %xor3A_86 = arith.xori %or3A_83, %xor3A_85 : vector<128x1xi32>
    %lt3A_87 = vector.broadcast %xor3A_86 : vector<128x1xi32> to vector<128x8192xi32>
    %lt3A_88 = arith.cmpi slt, %select_n3A, %lt3A_87 : vector<128x8192xi32>
    %convert_element_type3A_89 = arith.extui %lt3A_88 : vector<128x8192xi1> to vector<128x8192xi32>
    %reduce_sum3A_90 = arith.constant dense<0> : vector<128xi32>
    %reduce_sum3A_91 = vector.multi_reduction <add>, %convert_element_type3A_89, %reduce_sum3A_90 [1] : vector<128x8192xi32> to vector<128xi32>
    %broadcast_in_dim3A_92 = vector.shape_cast %reduce_sum3A_91 : vector<128xi32> to vector<128x1xi32>
    %le3A_93 = arith.constant 4095 : i32
    %le3A_94 = vector.broadcast %le3A_93 : i32 to vector<128x1xi32>
    %le3A_95 = arith.cmpi sle, %broadcast_in_dim3A_92, %le3A_94 : vector<128x1xi32>
    %select_n3A_96 = arith.select %le3A_95, %or3A_83, %select_n3A_80 : vector<128x1xi1>, vector<128x1xi32>
    %or3A_97 = arith.constant 33554432 : i32
    %or3A_98 = vector.broadcast %or3A_97 : i32 to vector<128x1xi32>
    %or3A_99 = arith.ori %select_n3A_96, %or3A_98 : vector<128x1xi32>
    %xor3A_100 = arith.constant -2147483648 : i32
    %xor3A_101 = vector.broadcast %xor3A_100 : i32 to vector<128x1xi32>
    %xor3A_102 = arith.xori %or3A_99, %xor3A_101 : vector<128x1xi32>
    %lt3A_103 = vector.broadcast %xor3A_102 : vector<128x1xi32> to vector<128x8192xi32>
    %lt3A_104 = arith.cmpi slt, %select_n3A, %lt3A_103 : vector<128x8192xi32>
    %convert_element_type3A_105 = arith.extui %lt3A_104 : vector<128x8192xi1> to vector<128x8192xi32>
    %reduce_sum3A_106 = arith.constant dense<0> : vector<128xi32>
    %reduce_sum3A_107 = vector.multi_reduction <add>, %convert_element_type3A_105, %reduce_sum3A_106 [1] : vector<128x8192xi32> to vector<128xi32>
    %broadcast_in_dim3A_108 = vector.shape_cast %reduce_sum3A_107 : vector<128xi32> to vector<128x1xi32>
    %le3A_109 = arith.constant 4095 : i32
    %le3A_110 = vector.broadcast %le3A_109 : i32 to vector<128x1xi32>
    %le3A_111 = arith.cmpi sle, %broadcast_in_dim3A_108, %le3A_110 : vector<128x1xi32>
    %select_n3A_112 = arith.select %le3A_111, %or3A_99, %select_n3A_96 : vector<128x1xi1>, vector<128x1xi32>
    %or3A_113 = arith.constant 16777216 : i32
    %or3A_114 = vector.broadcast %or3A_113 : i32 to vector<128x1xi32>
    %or3A_115 = arith.ori %select_n3A_112, %or3A_114 : vector<128x1xi32>
    %xor3A_116 = arith.constant -2147483648 : i32
    %xor3A_117 = vector.broadcast %xor3A_116 : i32 to vector<128x1xi32>
    %xor3A_118 = arith.xori %or3A_115, %xor3A_117 : vector<128x1xi32>
    %lt3A_119 = vector.broadcast %xor3A_118 : vector<128x1xi32> to vector<128x8192xi32>
    %lt3A_120 = arith.cmpi slt, %select_n3A, %lt3A_119 : vector<128x8192xi32>
    %convert_element_type3A_121 = arith.extui %lt3A_120 : vector<128x8192xi1> to vector<128x8192xi32>
    %reduce_sum3A_122 = arith.constant dense<0> : vector<128xi32>
    %reduce_sum3A_123 = vector.multi_reduction <add>, %convert_element_type3A_121, %reduce_sum3A_122 [1] : vector<128x8192xi32> to vector<128xi32>
    %broadcast_in_dim3A_124 = vector.shape_cast %reduce_sum3A_123 : vector<128xi32> to vector<128x1xi32>
    %le3A_125 = arith.constant 4095 : i32
    %le3A_126 = vector.broadcast %le3A_125 : i32 to vector<128x1xi32>
    %le3A_127 = arith.cmpi sle, %broadcast_in_dim3A_124, %le3A_126 : vector<128x1xi32>
    %select_n3A_128 = arith.select %le3A_127, %or3A_115, %select_n3A_112 : vector<128x1xi1>, vector<128x1xi32>
    %or3A_129 = arith.constant 8388608 : i32
    %or3A_130 = vector.broadcast %or3A_129 : i32 to vector<128x1xi32>
    %or3A_131 = arith.ori %select_n3A_128, %or3A_130 : vector<128x1xi32>
    %xor3A_132 = arith.constant -2147483648 : i32
    %xor3A_133 = vector.broadcast %xor3A_132 : i32 to vector<128x1xi32>
    %xor3A_134 = arith.xori %or3A_131, %xor3A_133 : vector<128x1xi32>
    %lt3A_135 = vector.broadcast %xor3A_134 : vector<128x1xi32> to vector<128x8192xi32>
    %lt3A_136 = arith.cmpi slt, %select_n3A, %lt3A_135 : vector<128x8192xi32>
    %convert_element_type3A_137 = arith.extui %lt3A_136 : vector<128x8192xi1> to vector<128x8192xi32>
    %reduce_sum3A_138 = arith.constant dense<0> : vector<128xi32>
    %reduce_sum3A_139 = vector.multi_reduction <add>, %convert_element_type3A_137, %reduce_sum3A_138 [1] : vector<128x8192xi32> to vector<128xi32>
    %broadcast_in_dim3A_140 = vector.shape_cast %reduce_sum3A_139 : vector<128xi32> to vector<128x1xi32>
    %le3A_141 = arith.constant 4095 : i32
    %le3A_142 = vector.broadcast %le3A_141 : i32 to vector<128x1xi32>
    %le3A_143 = arith.cmpi sle, %broadcast_in_dim3A_140, %le3A_142 : vector<128x1xi32>
    %select_n3A_144 = arith.select %le3A_143, %or3A_131, %select_n3A_128 : vector<128x1xi1>, vector<128x1xi32>
    %or3A_145 = arith.constant 4194304 : i32
    %or3A_146 = vector.broadcast %or3A_145 : i32 to vector<128x1xi32>
    %or3A_147 = arith.ori %select_n3A_144, %or3A_146 : vector<128x1xi32>
    %xor3A_148 = arith.constant -2147483648 : i32
    %xor3A_149 = vector.broadcast %xor3A_148 : i32 to vector<128x1xi32>
    %xor3A_150 = arith.xori %or3A_147, %xor3A_149 : vector<128x1xi32>
    %lt3A_151 = vector.broadcast %xor3A_150 : vector<128x1xi32> to vector<128x8192xi32>
    %lt3A_152 = arith.cmpi slt, %select_n3A, %lt3A_151 : vector<128x8192xi32>
    %convert_element_type3A_153 = arith.extui %lt3A_152 : vector<128x8192xi1> to vector<128x8192xi32>
    %reduce_sum3A_154 = arith.constant dense<0> : vector<128xi32>
    %reduce_sum3A_155 = vector.multi_reduction <add>, %convert_element_type3A_153, %reduce_sum3A_154 [1] : vector<128x8192xi32> to vector<128xi32>
    %broadcast_in_dim3A_156 = vector.shape_cast %reduce_sum3A_155 : vector<128xi32> to vector<128x1xi32>
    %le3A_157 = arith.constant 4095 : i32
    %le3A_158 = vector.broadcast %le3A_157 : i32 to vector<128x1xi32>
    %le3A_159 = arith.cmpi sle, %broadcast_in_dim3A_156, %le3A_158 : vector<128x1xi32>
    %select_n3A_160 = arith.select %le3A_159, %or3A_147, %select_n3A_144 : vector<128x1xi1>, vector<128x1xi32>
    %or3A_161 = arith.constant 2097152 : i32
    %or3A_162 = vector.broadcast %or3A_161 : i32 to vector<128x1xi32>
    %or3A_163 = arith.ori %select_n3A_160, %or3A_162 : vector<128x1xi32>
    %xor3A_164 = arith.constant -2147483648 : i32
    %xor3A_165 = vector.broadcast %xor3A_164 : i32 to vector<128x1xi32>
    %xor3A_166 = arith.xori %or3A_163, %xor3A_165 : vector<128x1xi32>
    %lt3A_167 = vector.broadcast %xor3A_166 : vector<128x1xi32> to vector<128x8192xi32>
    %lt3A_168 = arith.cmpi slt, %select_n3A, %lt3A_167 : vector<128x8192xi32>
    %convert_element_type3A_169 = arith.extui %lt3A_168 : vector<128x8192xi1> to vector<128x8192xi32>
    %reduce_sum3A_170 = arith.constant dense<0> : vector<128xi32>
    %reduce_sum3A_171 = vector.multi_reduction <add>, %convert_element_type3A_169, %reduce_sum3A_170 [1] : vector<128x8192xi32> to vector<128xi32>
    %broadcast_in_dim3A_172 = vector.shape_cast %reduce_sum3A_171 : vector<128xi32> to vector<128x1xi32>
    %le3A_173 = arith.constant 4095 : i32
    %le3A_174 = vector.broadcast %le3A_173 : i32 to vector<128x1xi32>
    %le3A_175 = arith.cmpi sle, %broadcast_in_dim3A_172, %le3A_174 : vector<128x1xi32>
    %select_n3A_176 = arith.select %le3A_175, %or3A_163, %select_n3A_160 : vector<128x1xi1>, vector<128x1xi32>
    %or3A_177 = arith.constant 1048576 : i32
    %or3A_178 = vector.broadcast %or3A_177 : i32 to vector<128x1xi32>
    %or3A_179 = arith.ori %select_n3A_176, %or3A_178 : vector<128x1xi32>
    %xor3A_180 = arith.constant -2147483648 : i32
    %xor3A_181 = vector.broadcast %xor3A_180 : i32 to vector<128x1xi32>
    %xor3A_182 = arith.xori %or3A_179, %xor3A_181 : vector<128x1xi32>
    %lt3A_183 = vector.broadcast %xor3A_182 : vector<128x1xi32> to vector<128x8192xi32>
    %lt3A_184 = arith.cmpi slt, %select_n3A, %lt3A_183 : vector<128x8192xi32>
    %convert_element_type3A_185 = arith.extui %lt3A_184 : vector<128x8192xi1> to vector<128x8192xi32>
    %reduce_sum3A_186 = arith.constant dense<0> : vector<128xi32>
    %reduce_sum3A_187 = vector.multi_reduction <add>, %convert_element_type3A_185, %reduce_sum3A_186 [1] : vector<128x8192xi32> to vector<128xi32>
    %broadcast_in_dim3A_188 = vector.shape_cast %reduce_sum3A_187 : vector<128xi32> to vector<128x1xi32>
    %le3A_189 = arith.constant 4095 : i32
    %le3A_190 = vector.broadcast %le3A_189 : i32 to vector<128x1xi32>
    %le3A_191 = arith.cmpi sle, %broadcast_in_dim3A_188, %le3A_190 : vector<128x1xi32>
    %select_n3A_192 = arith.select %le3A_191, %or3A_179, %select_n3A_176 : vector<128x1xi1>, vector<128x1xi32>
    %or3A_193 = arith.constant 524288 : i32
    %or3A_194 = vector.broadcast %or3A_193 : i32 to vector<128x1xi32>
    %or3A_195 = arith.ori %select_n3A_192, %or3A_194 : vector<128x1xi32>
    %xor3A_196 = arith.constant -2147483648 : i32
    %xor3A_197 = vector.broadcast %xor3A_196 : i32 to vector<128x1xi32>
    %xor3A_198 = arith.xori %or3A_195, %xor3A_197 : vector<128x1xi32>
    %lt3A_199 = vector.broadcast %xor3A_198 : vector<128x1xi32> to vector<128x8192xi32>
    %lt3A_200 = arith.cmpi slt, %select_n3A, %lt3A_199 : vector<128x8192xi32>
    %convert_element_type3A_201 = arith.extui %lt3A_200 : vector<128x8192xi1> to vector<128x8192xi32>
    %reduce_sum3A_202 = arith.constant dense<0> : vector<128xi32>
    %reduce_sum3A_203 = vector.multi_reduction <add>, %convert_element_type3A_201, %reduce_sum3A_202 [1] : vector<128x8192xi32> to vector<128xi32>
    %broadcast_in_dim3A_204 = vector.shape_cast %reduce_sum3A_203 : vector<128xi32> to vector<128x1xi32>
    %le3A_205 = arith.constant 4095 : i32
    %le3A_206 = vector.broadcast %le3A_205 : i32 to vector<128x1xi32>
    %le3A_207 = arith.cmpi sle, %broadcast_in_dim3A_204, %le3A_206 : vector<128x1xi32>
    %select_n3A_208 = arith.select %le3A_207, %or3A_195, %select_n3A_192 : vector<128x1xi1>, vector<128x1xi32>
    %or3A_209 = arith.constant 262144 : i32
    %or3A_210 = vector.broadcast %or3A_209 : i32 to vector<128x1xi32>
    %or3A_211 = arith.ori %select_n3A_208, %or3A_210 : vector<128x1xi32>
    %xor3A_212 = arith.constant -2147483648 : i32
    %xor3A_213 = vector.broadcast %xor3A_212 : i32 to vector<128x1xi32>
    %xor3A_214 = arith.xori %or3A_211, %xor3A_213 : vector<128x1xi32>
    %lt3A_215 = vector.broadcast %xor3A_214 : vector<128x1xi32> to vector<128x8192xi32>
    %lt3A_216 = arith.cmpi slt, %select_n3A, %lt3A_215 : vector<128x8192xi32>
    %convert_element_type3A_217 = arith.extui %lt3A_216 : vector<128x8192xi1> to vector<128x8192xi32>
    %reduce_sum3A_218 = arith.constant dense<0> : vector<128xi32>
    %reduce_sum3A_219 = vector.multi_reduction <add>, %convert_element_type3A_217, %reduce_sum3A_218 [1] : vector<128x8192xi32> to vector<128xi32>
    %broadcast_in_dim3A_220 = vector.shape_cast %reduce_sum3A_219 : vector<128xi32> to vector<128x1xi32>
    %le3A_221 = arith.constant 4095 : i32
    %le3A_222 = vector.broadcast %le3A_221 : i32 to vector<128x1xi32>
    %le3A_223 = arith.cmpi sle, %broadcast_in_dim3A_220, %le3A_222 : vector<128x1xi32>
    %select_n3A_224 = arith.select %le3A_223, %or3A_211, %select_n3A_208 : vector<128x1xi1>, vector<128x1xi32>
    %or3A_225 = arith.constant 131072 : i32
    %or3A_226 = vector.broadcast %or3A_225 : i32 to vector<128x1xi32>
    %or3A_227 = arith.ori %select_n3A_224, %or3A_226 : vector<128x1xi32>
    %xor3A_228 = arith.constant -2147483648 : i32
    %xor3A_229 = vector.broadcast %xor3A_228 : i32 to vector<128x1xi32>
    %xor3A_230 = arith.xori %or3A_227, %xor3A_229 : vector<128x1xi32>
    %lt3A_231 = vector.broadcast %xor3A_230 : vector<128x1xi32> to vector<128x8192xi32>
    %lt3A_232 = arith.cmpi slt, %select_n3A, %lt3A_231 : vector<128x8192xi32>
    %convert_element_type3A_233 = arith.extui %lt3A_232 : vector<128x8192xi1> to vector<128x8192xi32>
    %reduce_sum3A_234 = arith.constant dense<0> : vector<128xi32>
    %reduce_sum3A_235 = vector.multi_reduction <add>, %convert_element_type3A_233, %reduce_sum3A_234 [1] : vector<128x8192xi32> to vector<128xi32>
    %broadcast_in_dim3A_236 = vector.shape_cast %reduce_sum3A_235 : vector<128xi32> to vector<128x1xi32>
    %le3A_237 = arith.constant 4095 : i32
    %le3A_238 = vector.broadcast %le3A_237 : i32 to vector<128x1xi32>
    %le3A_239 = arith.cmpi sle, %broadcast_in_dim3A_236, %le3A_238 : vector<128x1xi32>
    %select_n3A_240 = arith.select %le3A_239, %or3A_227, %select_n3A_224 : vector<128x1xi1>, vector<128x1xi32>
    %or3A_241 = arith.constant 65536 : i32
    %or3A_242 = vector.broadcast %or3A_241 : i32 to vector<128x1xi32>
    %or3A_243 = arith.ori %select_n3A_240, %or3A_242 : vector<128x1xi32>
    %xor3A_244 = arith.constant -2147483648 : i32
    %xor3A_245 = vector.broadcast %xor3A_244 : i32 to vector<128x1xi32>
    %xor3A_246 = arith.xori %or3A_243, %xor3A_245 : vector<128x1xi32>
    %lt3A_247 = vector.broadcast %xor3A_246 : vector<128x1xi32> to vector<128x8192xi32>
    %lt3A_248 = arith.cmpi slt, %select_n3A, %lt3A_247 : vector<128x8192xi32>
    %convert_element_type3A_249 = arith.extui %lt3A_248 : vector<128x8192xi1> to vector<128x8192xi32>
    %reduce_sum3A_250 = arith.constant dense<0> : vector<128xi32>
    %reduce_sum3A_251 = vector.multi_reduction <add>, %convert_element_type3A_249, %reduce_sum3A_250 [1] : vector<128x8192xi32> to vector<128xi32>
    %broadcast_in_dim3A_252 = vector.shape_cast %reduce_sum3A_251 : vector<128xi32> to vector<128x1xi32>
    %le3A_253 = arith.constant 4095 : i32
    %le3A_254 = vector.broadcast %le3A_253 : i32 to vector<128x1xi32>
    %le3A_255 = arith.cmpi sle, %broadcast_in_dim3A_252, %le3A_254 : vector<128x1xi32>
    %select_n3A_256 = arith.select %le3A_255, %or3A_243, %select_n3A_240 : vector<128x1xi1>, vector<128x1xi32>
    %or3A_257 = arith.constant 32768 : i32
    %or3A_258 = vector.broadcast %or3A_257 : i32 to vector<128x1xi32>
    %or3A_259 = arith.ori %select_n3A_256, %or3A_258 : vector<128x1xi32>
    %xor3A_260 = arith.constant -2147483648 : i32
    %xor3A_261 = vector.broadcast %xor3A_260 : i32 to vector<128x1xi32>
    %xor3A_262 = arith.xori %or3A_259, %xor3A_261 : vector<128x1xi32>
    %lt3A_263 = vector.broadcast %xor3A_262 : vector<128x1xi32> to vector<128x8192xi32>
    %lt3A_264 = arith.cmpi slt, %select_n3A, %lt3A_263 : vector<128x8192xi32>
    %convert_element_type3A_265 = arith.extui %lt3A_264 : vector<128x8192xi1> to vector<128x8192xi32>
    %reduce_sum3A_266 = arith.constant dense<0> : vector<128xi32>
    %reduce_sum3A_267 = vector.multi_reduction <add>, %convert_element_type3A_265, %reduce_sum3A_266 [1] : vector<128x8192xi32> to vector<128xi32>
    %broadcast_in_dim3A_268 = vector.shape_cast %reduce_sum3A_267 : vector<128xi32> to vector<128x1xi32>
    %le3A_269 = arith.constant 4095 : i32
    %le3A_270 = vector.broadcast %le3A_269 : i32 to vector<128x1xi32>
    %le3A_271 = arith.cmpi sle, %broadcast_in_dim3A_268, %le3A_270 : vector<128x1xi32>
    %select_n3A_272 = arith.select %le3A_271, %or3A_259, %select_n3A_256 : vector<128x1xi1>, vector<128x1xi32>
    %or3A_273 = arith.constant 16384 : i32
    %or3A_274 = vector.broadcast %or3A_273 : i32 to vector<128x1xi32>
    %or3A_275 = arith.ori %select_n3A_272, %or3A_274 : vector<128x1xi32>
    %xor3A_276 = arith.constant -2147483648 : i32
    %xor3A_277 = vector.broadcast %xor3A_276 : i32 to vector<128x1xi32>
    %xor3A_278 = arith.xori %or3A_275, %xor3A_277 : vector<128x1xi32>
    %lt3A_279 = vector.broadcast %xor3A_278 : vector<128x1xi32> to vector<128x8192xi32>
    %lt3A_280 = arith.cmpi slt, %select_n3A, %lt3A_279 : vector<128x8192xi32>
    %convert_element_type3A_281 = arith.extui %lt3A_280 : vector<128x8192xi1> to vector<128x8192xi32>
    %reduce_sum3A_282 = arith.constant dense<0> : vector<128xi32>
    %reduce_sum3A_283 = vector.multi_reduction <add>, %convert_element_type3A_281, %reduce_sum3A_282 [1] : vector<128x8192xi32> to vector<128xi32>
    %broadcast_in_dim3A_284 = vector.shape_cast %reduce_sum3A_283 : vector<128xi32> to vector<128x1xi32>
    %le3A_285 = arith.constant 4095 : i32
    %le3A_286 = vector.broadcast %le3A_285 : i32 to vector<128x1xi32>
    %le3A_287 = arith.cmpi sle, %broadcast_in_dim3A_284, %le3A_286 : vector<128x1xi32>
    %select_n3A_288 = arith.select %le3A_287, %or3A_275, %select_n3A_272 : vector<128x1xi1>, vector<128x1xi32>
    %or3A_289 = arith.constant 8192 : i32
    %or3A_290 = vector.broadcast %or3A_289 : i32 to vector<128x1xi32>
    %or3A_291 = arith.ori %select_n3A_288, %or3A_290 : vector<128x1xi32>
    %xor3A_292 = arith.constant -2147483648 : i32
    %xor3A_293 = vector.broadcast %xor3A_292 : i32 to vector<128x1xi32>
    %xor3A_294 = arith.xori %or3A_291, %xor3A_293 : vector<128x1xi32>
    %lt3A_295 = vector.broadcast %xor3A_294 : vector<128x1xi32> to vector<128x8192xi32>
    %lt3A_296 = arith.cmpi slt, %select_n3A, %lt3A_295 : vector<128x8192xi32>
    %convert_element_type3A_297 = arith.extui %lt3A_296 : vector<128x8192xi1> to vector<128x8192xi32>
    %reduce_sum3A_298 = arith.constant dense<0> : vector<128xi32>
    %reduce_sum3A_299 = vector.multi_reduction <add>, %convert_element_type3A_297, %reduce_sum3A_298 [1] : vector<128x8192xi32> to vector<128xi32>
    %broadcast_in_dim3A_300 = vector.shape_cast %reduce_sum3A_299 : vector<128xi32> to vector<128x1xi32>
    %le3A_301 = arith.constant 4095 : i32
    %le3A_302 = vector.broadcast %le3A_301 : i32 to vector<128x1xi32>
    %le3A_303 = arith.cmpi sle, %broadcast_in_dim3A_300, %le3A_302 : vector<128x1xi32>
    %select_n3A_304 = arith.select %le3A_303, %or3A_291, %select_n3A_288 : vector<128x1xi1>, vector<128x1xi32>
    %or3A_305 = arith.constant 4096 : i32
    %or3A_306 = vector.broadcast %or3A_305 : i32 to vector<128x1xi32>
    %or3A_307 = arith.ori %select_n3A_304, %or3A_306 : vector<128x1xi32>
    %xor3A_308 = arith.constant -2147483648 : i32
    %xor3A_309 = vector.broadcast %xor3A_308 : i32 to vector<128x1xi32>
    %xor3A_310 = arith.xori %or3A_307, %xor3A_309 : vector<128x1xi32>
    %lt3A_311 = vector.broadcast %xor3A_310 : vector<128x1xi32> to vector<128x8192xi32>
    %lt3A_312 = arith.cmpi slt, %select_n3A, %lt3A_311 : vector<128x8192xi32>
    %convert_element_type3A_313 = arith.extui %lt3A_312 : vector<128x8192xi1> to vector<128x8192xi32>
    %reduce_sum3A_314 = arith.constant dense<0> : vector<128xi32>
    %reduce_sum3A_315 = vector.multi_reduction <add>, %convert_element_type3A_313, %reduce_sum3A_314 [1] : vector<128x8192xi32> to vector<128xi32>
    %broadcast_in_dim3A_316 = vector.shape_cast %reduce_sum3A_315 : vector<128xi32> to vector<128x1xi32>
    %le3A_317 = arith.constant 4095 : i32
    %le3A_318 = vector.broadcast %le3A_317 : i32 to vector<128x1xi32>
    %le3A_319 = arith.cmpi sle, %broadcast_in_dim3A_316, %le3A_318 : vector<128x1xi32>
    %select_n3A_320 = arith.select %le3A_319, %or3A_307, %select_n3A_304 : vector<128x1xi1>, vector<128x1xi32>
    %or3A_321 = arith.constant 2048 : i32
    %or3A_322 = vector.broadcast %or3A_321 : i32 to vector<128x1xi32>
    %or3A_323 = arith.ori %select_n3A_320, %or3A_322 : vector<128x1xi32>
    %xor3A_324 = arith.constant -2147483648 : i32
    %xor3A_325 = vector.broadcast %xor3A_324 : i32 to vector<128x1xi32>
    %xor3A_326 = arith.xori %or3A_323, %xor3A_325 : vector<128x1xi32>
    %lt3A_327 = vector.broadcast %xor3A_326 : vector<128x1xi32> to vector<128x8192xi32>
    %lt3A_328 = arith.cmpi slt, %select_n3A, %lt3A_327 : vector<128x8192xi32>
    %convert_element_type3A_329 = arith.extui %lt3A_328 : vector<128x8192xi1> to vector<128x8192xi32>
    %reduce_sum3A_330 = arith.constant dense<0> : vector<128xi32>
    %reduce_sum3A_331 = vector.multi_reduction <add>, %convert_element_type3A_329, %reduce_sum3A_330 [1] : vector<128x8192xi32> to vector<128xi32>
    %broadcast_in_dim3A_332 = vector.shape_cast %reduce_sum3A_331 : vector<128xi32> to vector<128x1xi32>
    %le3A_333 = arith.constant 4095 : i32
    %le3A_334 = vector.broadcast %le3A_333 : i32 to vector<128x1xi32>
    %le3A_335 = arith.cmpi sle, %broadcast_in_dim3A_332, %le3A_334 : vector<128x1xi32>
    %select_n3A_336 = arith.select %le3A_335, %or3A_323, %select_n3A_320 : vector<128x1xi1>, vector<128x1xi32>
    %or3A_337 = arith.constant 1024 : i32
    %or3A_338 = vector.broadcast %or3A_337 : i32 to vector<128x1xi32>
    %or3A_339 = arith.ori %select_n3A_336, %or3A_338 : vector<128x1xi32>
    %xor3A_340 = arith.constant -2147483648 : i32
    %xor3A_341 = vector.broadcast %xor3A_340 : i32 to vector<128x1xi32>
    %xor3A_342 = arith.xori %or3A_339, %xor3A_341 : vector<128x1xi32>
    %lt3A_343 = vector.broadcast %xor3A_342 : vector<128x1xi32> to vector<128x8192xi32>
    %lt3A_344 = arith.cmpi slt, %select_n3A, %lt3A_343 : vector<128x8192xi32>
    %convert_element_type3A_345 = arith.extui %lt3A_344 : vector<128x8192xi1> to vector<128x8192xi32>
    %reduce_sum3A_346 = arith.constant dense<0> : vector<128xi32>
    %reduce_sum3A_347 = vector.multi_reduction <add>, %convert_element_type3A_345, %reduce_sum3A_346 [1] : vector<128x8192xi32> to vector<128xi32>
    %broadcast_in_dim3A_348 = vector.shape_cast %reduce_sum3A_347 : vector<128xi32> to vector<128x1xi32>
    %le3A_349 = arith.constant 4095 : i32
    %le3A_350 = vector.broadcast %le3A_349 : i32 to vector<128x1xi32>
    %le3A_351 = arith.cmpi sle, %broadcast_in_dim3A_348, %le3A_350 : vector<128x1xi32>
    %select_n3A_352 = arith.select %le3A_351, %or3A_339, %select_n3A_336 : vector<128x1xi1>, vector<128x1xi32>
    %or3A_353 = arith.constant 512 : i32
    %or3A_354 = vector.broadcast %or3A_353 : i32 to vector<128x1xi32>
    %or3A_355 = arith.ori %select_n3A_352, %or3A_354 : vector<128x1xi32>
    %xor3A_356 = arith.constant -2147483648 : i32
    %xor3A_357 = vector.broadcast %xor3A_356 : i32 to vector<128x1xi32>
    %xor3A_358 = arith.xori %or3A_355, %xor3A_357 : vector<128x1xi32>
    %lt3A_359 = vector.broadcast %xor3A_358 : vector<128x1xi32> to vector<128x8192xi32>
    %lt3A_360 = arith.cmpi slt, %select_n3A, %lt3A_359 : vector<128x8192xi32>
    %convert_element_type3A_361 = arith.extui %lt3A_360 : vector<128x8192xi1> to vector<128x8192xi32>
    %reduce_sum3A_362 = arith.constant dense<0> : vector<128xi32>
    %reduce_sum3A_363 = vector.multi_reduction <add>, %convert_element_type3A_361, %reduce_sum3A_362 [1] : vector<128x8192xi32> to vector<128xi32>
    %broadcast_in_dim3A_364 = vector.shape_cast %reduce_sum3A_363 : vector<128xi32> to vector<128x1xi32>
    %le3A_365 = arith.constant 4095 : i32
    %le3A_366 = vector.broadcast %le3A_365 : i32 to vector<128x1xi32>
    %le3A_367 = arith.cmpi sle, %broadcast_in_dim3A_364, %le3A_366 : vector<128x1xi32>
    %select_n3A_368 = arith.select %le3A_367, %or3A_355, %select_n3A_352 : vector<128x1xi1>, vector<128x1xi32>
    %or3A_369 = arith.constant 256 : i32
    %or3A_370 = vector.broadcast %or3A_369 : i32 to vector<128x1xi32>
    %or3A_371 = arith.ori %select_n3A_368, %or3A_370 : vector<128x1xi32>
    %xor3A_372 = arith.constant -2147483648 : i32
    %xor3A_373 = vector.broadcast %xor3A_372 : i32 to vector<128x1xi32>
    %xor3A_374 = arith.xori %or3A_371, %xor3A_373 : vector<128x1xi32>
    %lt3A_375 = vector.broadcast %xor3A_374 : vector<128x1xi32> to vector<128x8192xi32>
    %lt3A_376 = arith.cmpi slt, %select_n3A, %lt3A_375 : vector<128x8192xi32>
    %convert_element_type3A_377 = arith.extui %lt3A_376 : vector<128x8192xi1> to vector<128x8192xi32>
    %reduce_sum3A_378 = arith.constant dense<0> : vector<128xi32>
    %reduce_sum3A_379 = vector.multi_reduction <add>, %convert_element_type3A_377, %reduce_sum3A_378 [1] : vector<128x8192xi32> to vector<128xi32>
    %broadcast_in_dim3A_380 = vector.shape_cast %reduce_sum3A_379 : vector<128xi32> to vector<128x1xi32>
    %le3A_381 = arith.constant 4095 : i32
    %le3A_382 = vector.broadcast %le3A_381 : i32 to vector<128x1xi32>
    %le3A_383 = arith.cmpi sle, %broadcast_in_dim3A_380, %le3A_382 : vector<128x1xi32>
    %select_n3A_384 = arith.select %le3A_383, %or3A_371, %select_n3A_368 : vector<128x1xi1>, vector<128x1xi32>
    %or3A_385 = arith.constant 128 : i32
    %or3A_386 = vector.broadcast %or3A_385 : i32 to vector<128x1xi32>
    %or3A_387 = arith.ori %select_n3A_384, %or3A_386 : vector<128x1xi32>
    %xor3A_388 = arith.constant -2147483648 : i32
    %xor3A_389 = vector.broadcast %xor3A_388 : i32 to vector<128x1xi32>
    %xor3A_390 = arith.xori %or3A_387, %xor3A_389 : vector<128x1xi32>
    %lt3A_391 = vector.broadcast %xor3A_390 : vector<128x1xi32> to vector<128x8192xi32>
    %lt3A_392 = arith.cmpi slt, %select_n3A, %lt3A_391 : vector<128x8192xi32>
    %convert_element_type3A_393 = arith.extui %lt3A_392 : vector<128x8192xi1> to vector<128x8192xi32>
    %reduce_sum3A_394 = arith.constant dense<0> : vector<128xi32>
    %reduce_sum3A_395 = vector.multi_reduction <add>, %convert_element_type3A_393, %reduce_sum3A_394 [1] : vector<128x8192xi32> to vector<128xi32>
    %broadcast_in_dim3A_396 = vector.shape_cast %reduce_sum3A_395 : vector<128xi32> to vector<128x1xi32>
    %le3A_397 = arith.constant 4095 : i32
    %le3A_398 = vector.broadcast %le3A_397 : i32 to vector<128x1xi32>
    %le3A_399 = arith.cmpi sle, %broadcast_in_dim3A_396, %le3A_398 : vector<128x1xi32>
    %select_n3A_400 = arith.select %le3A_399, %or3A_387, %select_n3A_384 : vector<128x1xi1>, vector<128x1xi32>
    %or3A_401 = arith.constant 64 : i32
    %or3A_402 = vector.broadcast %or3A_401 : i32 to vector<128x1xi32>
    %or3A_403 = arith.ori %select_n3A_400, %or3A_402 : vector<128x1xi32>
    %xor3A_404 = arith.constant -2147483648 : i32
    %xor3A_405 = vector.broadcast %xor3A_404 : i32 to vector<128x1xi32>
    %xor3A_406 = arith.xori %or3A_403, %xor3A_405 : vector<128x1xi32>
    %lt3A_407 = vector.broadcast %xor3A_406 : vector<128x1xi32> to vector<128x8192xi32>
    %lt3A_408 = arith.cmpi slt, %select_n3A, %lt3A_407 : vector<128x8192xi32>
    %convert_element_type3A_409 = arith.extui %lt3A_408 : vector<128x8192xi1> to vector<128x8192xi32>
    %reduce_sum3A_410 = arith.constant dense<0> : vector<128xi32>
    %reduce_sum3A_411 = vector.multi_reduction <add>, %convert_element_type3A_409, %reduce_sum3A_410 [1] : vector<128x8192xi32> to vector<128xi32>
    %broadcast_in_dim3A_412 = vector.shape_cast %reduce_sum3A_411 : vector<128xi32> to vector<128x1xi32>
    %le3A_413 = arith.constant 4095 : i32
    %le3A_414 = vector.broadcast %le3A_413 : i32 to vector<128x1xi32>
    %le3A_415 = arith.cmpi sle, %broadcast_in_dim3A_412, %le3A_414 : vector<128x1xi32>
    %select_n3A_416 = arith.select %le3A_415, %or3A_403, %select_n3A_400 : vector<128x1xi1>, vector<128x1xi32>
    %or3A_417 = arith.constant 32 : i32
    %or3A_418 = vector.broadcast %or3A_417 : i32 to vector<128x1xi32>
    %or3A_419 = arith.ori %select_n3A_416, %or3A_418 : vector<128x1xi32>
    %xor3A_420 = arith.constant -2147483648 : i32
    %xor3A_421 = vector.broadcast %xor3A_420 : i32 to vector<128x1xi32>
    %xor3A_422 = arith.xori %or3A_419, %xor3A_421 : vector<128x1xi32>
    %lt3A_423 = vector.broadcast %xor3A_422 : vector<128x1xi32> to vector<128x8192xi32>
    %lt3A_424 = arith.cmpi slt, %select_n3A, %lt3A_423 : vector<128x8192xi32>
    %convert_element_type3A_425 = arith.extui %lt3A_424 : vector<128x8192xi1> to vector<128x8192xi32>
    %reduce_sum3A_426 = arith.constant dense<0> : vector<128xi32>
    %reduce_sum3A_427 = vector.multi_reduction <add>, %convert_element_type3A_425, %reduce_sum3A_426 [1] : vector<128x8192xi32> to vector<128xi32>
    %broadcast_in_dim3A_428 = vector.shape_cast %reduce_sum3A_427 : vector<128xi32> to vector<128x1xi32>
    %le3A_429 = arith.constant 4095 : i32
    %le3A_430 = vector.broadcast %le3A_429 : i32 to vector<128x1xi32>
    %le3A_431 = arith.cmpi sle, %broadcast_in_dim3A_428, %le3A_430 : vector<128x1xi32>
    %select_n3A_432 = arith.select %le3A_431, %or3A_419, %select_n3A_416 : vector<128x1xi1>, vector<128x1xi32>
    %or3A_433 = arith.constant 16 : i32
    %or3A_434 = vector.broadcast %or3A_433 : i32 to vector<128x1xi32>
    %or3A_435 = arith.ori %select_n3A_432, %or3A_434 : vector<128x1xi32>
    %xor3A_436 = arith.constant -2147483648 : i32
    %xor3A_437 = vector.broadcast %xor3A_436 : i32 to vector<128x1xi32>
    %xor3A_438 = arith.xori %or3A_435, %xor3A_437 : vector<128x1xi32>
    %lt3A_439 = vector.broadcast %xor3A_438 : vector<128x1xi32> to vector<128x8192xi32>
    %lt3A_440 = arith.cmpi slt, %select_n3A, %lt3A_439 : vector<128x8192xi32>
    %convert_element_type3A_441 = arith.extui %lt3A_440 : vector<128x8192xi1> to vector<128x8192xi32>
    %reduce_sum3A_442 = arith.constant dense<0> : vector<128xi32>
    %reduce_sum3A_443 = vector.multi_reduction <add>, %convert_element_type3A_441, %reduce_sum3A_442 [1] : vector<128x8192xi32> to vector<128xi32>
    %broadcast_in_dim3A_444 = vector.shape_cast %reduce_sum3A_443 : vector<128xi32> to vector<128x1xi32>
    %le3A_445 = arith.constant 4095 : i32
    %le3A_446 = vector.broadcast %le3A_445 : i32 to vector<128x1xi32>
    %le3A_447 = arith.cmpi sle, %broadcast_in_dim3A_444, %le3A_446 : vector<128x1xi32>
    %select_n3A_448 = arith.select %le3A_447, %or3A_435, %select_n3A_432 : vector<128x1xi1>, vector<128x1xi32>
    %or3A_449 = arith.constant 8 : i32
    %or3A_450 = vector.broadcast %or3A_449 : i32 to vector<128x1xi32>
    %or3A_451 = arith.ori %select_n3A_448, %or3A_450 : vector<128x1xi32>
    %xor3A_452 = arith.constant -2147483648 : i32
    %xor3A_453 = vector.broadcast %xor3A_452 : i32 to vector<128x1xi32>
    %xor3A_454 = arith.xori %or3A_451, %xor3A_453 : vector<128x1xi32>
    %lt3A_455 = vector.broadcast %xor3A_454 : vector<128x1xi32> to vector<128x8192xi32>
    %lt3A_456 = arith.cmpi slt, %select_n3A, %lt3A_455 : vector<128x8192xi32>
    %convert_element_type3A_457 = arith.extui %lt3A_456 : vector<128x8192xi1> to vector<128x8192xi32>
    %reduce_sum3A_458 = arith.constant dense<0> : vector<128xi32>
    %reduce_sum3A_459 = vector.multi_reduction <add>, %convert_element_type3A_457, %reduce_sum3A_458 [1] : vector<128x8192xi32> to vector<128xi32>
    %broadcast_in_dim3A_460 = vector.shape_cast %reduce_sum3A_459 : vector<128xi32> to vector<128x1xi32>
    %le3A_461 = arith.constant 4095 : i32
    %le3A_462 = vector.broadcast %le3A_461 : i32 to vector<128x1xi32>
    %le3A_463 = arith.cmpi sle, %broadcast_in_dim3A_460, %le3A_462 : vector<128x1xi32>
    %select_n3A_464 = arith.select %le3A_463, %or3A_451, %select_n3A_448 : vector<128x1xi1>, vector<128x1xi32>
    %or3A_465 = arith.constant 4 : i32
    %or3A_466 = vector.broadcast %or3A_465 : i32 to vector<128x1xi32>
    %or3A_467 = arith.ori %select_n3A_464, %or3A_466 : vector<128x1xi32>
    %xor3A_468 = arith.constant -2147483648 : i32
    %xor3A_469 = vector.broadcast %xor3A_468 : i32 to vector<128x1xi32>
    %xor3A_470 = arith.xori %or3A_467, %xor3A_469 : vector<128x1xi32>
    %lt3A_471 = vector.broadcast %xor3A_470 : vector<128x1xi32> to vector<128x8192xi32>
    %lt3A_472 = arith.cmpi slt, %select_n3A, %lt3A_471 : vector<128x8192xi32>
    %convert_element_type3A_473 = arith.extui %lt3A_472 : vector<128x8192xi1> to vector<128x8192xi32>
    %reduce_sum3A_474 = arith.constant dense<0> : vector<128xi32>
    %reduce_sum3A_475 = vector.multi_reduction <add>, %convert_element_type3A_473, %reduce_sum3A_474 [1] : vector<128x8192xi32> to vector<128xi32>
    %broadcast_in_dim3A_476 = vector.shape_cast %reduce_sum3A_475 : vector<128xi32> to vector<128x1xi32>
    %le3A_477 = arith.constant 4095 : i32
    %le3A_478 = vector.broadcast %le3A_477 : i32 to vector<128x1xi32>
    %le3A_479 = arith.cmpi sle, %broadcast_in_dim3A_476, %le3A_478 : vector<128x1xi32>
    %select_n3A_480 = arith.select %le3A_479, %or3A_467, %select_n3A_464 : vector<128x1xi1>, vector<128x1xi32>
    %or3A_481 = arith.constant 2 : i32
    %or3A_482 = vector.broadcast %or3A_481 : i32 to vector<128x1xi32>
    %or3A_483 = arith.ori %select_n3A_480, %or3A_482 : vector<128x1xi32>
    %xor3A_484 = arith.constant -2147483648 : i32
    %xor3A_485 = vector.broadcast %xor3A_484 : i32 to vector<128x1xi32>
    %xor3A_486 = arith.xori %or3A_483, %xor3A_485 : vector<128x1xi32>
    %lt3A_487 = vector.broadcast %xor3A_486 : vector<128x1xi32> to vector<128x8192xi32>
    %lt3A_488 = arith.cmpi slt, %select_n3A, %lt3A_487 : vector<128x8192xi32>
    %convert_element_type3A_489 = arith.extui %lt3A_488 : vector<128x8192xi1> to vector<128x8192xi32>
    %reduce_sum3A_490 = arith.constant dense<0> : vector<128xi32>
    %reduce_sum3A_491 = vector.multi_reduction <add>, %convert_element_type3A_489, %reduce_sum3A_490 [1] : vector<128x8192xi32> to vector<128xi32>
    %broadcast_in_dim3A_492 = vector.shape_cast %reduce_sum3A_491 : vector<128xi32> to vector<128x1xi32>
    %le3A_493 = arith.constant 4095 : i32
    %le3A_494 = vector.broadcast %le3A_493 : i32 to vector<128x1xi32>
    %le3A_495 = arith.cmpi sle, %broadcast_in_dim3A_492, %le3A_494 : vector<128x1xi32>
    %select_n3A_496 = arith.select %le3A_495, %or3A_483, %select_n3A_480 : vector<128x1xi1>, vector<128x1xi32>
    %or3A_497 = arith.constant 1 : i32
    %or3A_498 = vector.broadcast %or3A_497 : i32 to vector<128x1xi32>
    %or3A_499 = arith.ori %select_n3A_496, %or3A_498 : vector<128x1xi32>
    %xor3A_500 = arith.constant -2147483648 : i32
    %xor3A_501 = vector.broadcast %xor3A_500 : i32 to vector<128x1xi32>
    %xor3A_502 = arith.xori %or3A_499, %xor3A_501 : vector<128x1xi32>
    %lt3A_503 = vector.broadcast %xor3A_502 : vector<128x1xi32> to vector<128x8192xi32>
    %lt3A_504 = arith.cmpi slt, %select_n3A, %lt3A_503 : vector<128x8192xi32>
    %convert_element_type3A_505 = arith.extui %lt3A_504 : vector<128x8192xi1> to vector<128x8192xi32>
    %reduce_sum3A_506 = arith.constant dense<0> : vector<128xi32>
    %reduce_sum3A_507 = vector.multi_reduction <add>, %convert_element_type3A_505, %reduce_sum3A_506 [1] : vector<128x8192xi32> to vector<128xi32>
    %broadcast_in_dim3A_508 = vector.shape_cast %reduce_sum3A_507 : vector<128xi32> to vector<128x1xi32>
    %le3A_509 = arith.constant 4095 : i32
    %le3A_510 = vector.broadcast %le3A_509 : i32 to vector<128x1xi32>
    %le3A_511 = arith.cmpi sle, %broadcast_in_dim3A_508, %le3A_510 : vector<128x1xi32>
    %select_n3A_512 = arith.select %le3A_511, %or3A_499, %select_n3A_496 : vector<128x1xi1>, vector<128x1xi32>
    %xor3A_513 = arith.constant -2147483648 : i32
    %xor3A_514 = vector.broadcast %xor3A_513 : i32 to vector<128x1xi32>
    %xor3A_515 = arith.xori %select_n3A_512, %xor3A_514 : vector<128x1xi32>
    %ge3A_516 = arith.constant 0 : i32
    %ge3A_517 = vector.broadcast %ge3A_516 : i32 to vector<128x1xi32>
    %ge3A_518 = arith.cmpi sge, %xor3A_515, %ge3A_517 : vector<128x1xi32>
    %sub3A_519 = arith.constant -2147483648 : i32
    %sub3A_520 = vector.broadcast %sub3A_519 : i32 to vector<128x1xi32>
    %sub3A_521 = arith.subi %sub3A_520, %xor3A_515 : vector<128x1xi32>
    %select_n3A_522 = arith.select %ge3A_518, %xor3A_515, %sub3A_521 : vector<128x1xi1>, vector<128x1xi32>
    %bitcast_convert_type3A_523 = tpu.bitcast %select_n3A_522 : vector<128x1xi32> -> vector<128x1xf32>
    %swap3A = arith.constant 0 : index
    %swap3A_524 = arith.constant 0 : index
    %swap3A_525 = vector.load %arg2[%swap3A, %swap3A_524] : memref<128x1xf32, #tpu.memory_space<vmem>>, vector<128x1xf32>
    tpu.vector_store %arg2[%swap3A, %swap3A_524], %bitcast_convert_type3A_523 {strides = array<i32>} : memref<128x1xf32, #tpu.memory_space<vmem>>, vector<128x1xf32>,
    return
  }
  func.func @transform_0(%arg0: i32) -> (i32, i32) {
    %c0_i32 = arith.constant 0 : i32
    %c0_i32_0 = arith.constant 0 : i32
    return %arg0, %c0_i32 : i32, i32
  }
  func.func @transform_1(%arg0: i32) -> (i32, i32) {
    %c0_i32 = arith.constant 0 : i32
    %c0_i32_0 = arith.constant 0 : i32
    return %arg0, %c0_i32 : i32, i32
  }
}

</mosaic_0001>

<sc_bundles>
// kernel: kernel.4.cloned.1.call-start
scs
__scs_entry_jumppad:
0x0: {  	(pc) =	sbr.rel $0x88, $3  }
0x1: {  	(tag) =	ssettag $0x0;
	lr =	simm.s32 $0x1  }
0x2: {  	[smem:$0x3FA0] =	sst lr;
	_ =	strace $0xD0000000  }
0x3: {  	_ = 	snop  }
0x4: {  	_ = 	snop  }
0x5: {  	_ = 	snop  }
0x6: {  	_ = 	snop  }
0x7: {  	_ = 	snop  }
__scs_overlays_trampoline_lowered:
0x8: {  	[smem:$0x3FAF] =	sst s0  }
0x9: {  	[smem:$0x3FB0] =	sst s1  }
0xa: {  	[smem:$0x3FB1] =	sst s2  }
0xb: {  	[smem:$0x3FB2] =	sst s3  }
0xc: {  	[smem:$0x3FB3] =	sst s4  }
0xd: {  	[smem:$0x3FB4] =	sst s5  }
0xe: {  	[smem:$0x3FB5] =	sst s6  }
0xf: {  	[smem:$0x3FB6] =	sst s7  }
0x10: {  	[smem:$0x3FB7] =	sst s8  }
0x11: {  	[smem:$0x3FB8] =	sst s9;
	s0 =	simm.s32 @!p0 $0x0  }
0x12: {  	s1 =	sld [smem:$0x3F9E];
	s0 =	simm.s32 @p0 $0x1  }
0x13: {  	[smem:$0x3FB9] =	sst s0;
	s0 =	simm.s32 @!p1 $0x0  }
0x14: {  	s2 =	sld [smem:$0x3F9D];
	s0 =	simm.s32 @p1 $0x1  }
0x15: {  	[smem:$0x3FBA] =	sst s0;
	s0 =	simm.s32 @!p2 $0x0  }
0x16: {  	s3 =	sld [smem:$0x3FDB];
	s0 =	simm.s32 @p2 $0x1  }
0x17: {  	s4 =	simm.s32 $0x1BF5;
	[smem:$0x3FBC] =	sst s0  }
0x18: {  	s0 =	sld [smem:$0x3F9F];
	_ =	swait.ge [sflag:s4], $0x0  }
0x19: {  	s7 =	sld [smem:$0x3FA0]  }
0x1a: {  	s8 =	sadd.s32 $0xFFFFE003, lr  }
0x1b: {  	s9 =	sadd.s32 $0xFFFFFEF7, lr;
	s5 =	simm.s32 $0xFFFFFFFF;
	p2 =	slt.u32 s8, $0xFFFFF086  }
0x1c: {  	p1 =	slt.u32 s9, $0xF7A;
	s5 =	simm.s32 @!p2 $0x0  }
0x1d: {  	s5 =	simm.s32 @p1 $0x1;
	p0 =	seq.s32 s7, s2  }
0x1e: {  	s7 =	smul.u32 @!p0 $0xF7A, s2;
	p2 =	seq.s32 @!p0 s5, $0x0  }
0x1f: {  	s9 =	smul.u32 $0xF7A, s1;
	s8 =	simm.s32 @!p0 $0x1BF5;
	p2 =	por !p2, p0  }
0x20: {  	[sflag:s8] =	ssyncset.s32 @!p0 $0xFFFFF086;
	s6 =	sadd.s32 @!p0 s3, s7;
	s7 =	simm.s32 @!p0 $0x108  }
0x21: {  	s3 =	sadd.s32 s3, s9;
	s6 =	sadd.s32 @!p0 $0x88, s6;
	s7 =	simm.s32 @p2 $0x1082  }
0x22: {  	[simem:s7], [sflag:s8] =	dma.local @!p0 [hbm:s6], $0xF7A  }
0x23: {  	s9 =	sor.u32 $0xD0000000, s2;
	s6 =	simm.s32 $0x108;
	_ =	swait.ge @!p0 [sflag:s8], $0x0  }
0x24: {  	s3 =	sadd.s32 $0x88, s3;
	s6 =	simm.s32 @!p1 $0x1082;
	[sflag:s4] =	ssyncset.s32 $0xFFFFF086  }
0x25: {  	[simem:s6], [sflag:s4] =	dma.local [hbm:s3], $0xF7A  }
0x26: {  	[smem:$0x3FA0] =	sst s1;
	(tag) =	ssettag s2;
	_ =	strace s9  }
0x27: {  	s1 =	sld [smem:$0x3FB0]  }
0x28: {  	s2 =	sld [smem:$0x3FB1]  }
0x29: {  	s4 =	sld [smem:$0x3FB3]  }
0x2a: {  	p0 =	seq.s32 s5, $0x0;
	s5 =	sld [smem:$0x3FB4]  }
0x2b: {  	s6 =	sld [smem:$0x3FB5]  }
0x2c: {  	s7 =	sld [smem:$0x3FB6]  }
0x2d: {  	s3 =	simm.s32 $0x108;
	s8 =	sld [smem:$0x3FB7]  }
0x2e: {  	s3 =	simm.s32 @!p0 $0x1082;
	s9 =	sld [smem:$0x3FB8]  }
0x2f: {  	lr =	sadd.s32 s0, s3;
	s0 =	sld [smem:$0x3FAF]  }
0x30: {  	s3 =	sld [smem:$0x3FB2]  }
0x31: {  	[smem:$0x3FBB] =	sst s10  }
0x32: {  	s10 =	sld [smem:$0x3FB9];
	_ =	sdelay $0x3  }
0x33: {  	p0 =	seq.s32 s10, $0x1;
	s10 =	sld [smem:$0x3FBB];
	_ =	sdelay $0x3  }
0x34: {  	[smem:$0x3FBB] =	sst s10  }
0x35: {  	s10 =	sld [smem:$0x3FBA];
	_ =	sdelay $0x3  }
0x36: {  	p1 =	seq.s32 s10, $0x1;
	s10 =	sld [smem:$0x3FBB];
	_ =	sdelay $0x3  }
0x37: {  	[smem:$0x3FBB] =	sst s10  }
0x38: {  	s10 =	sld [smem:$0x3FBC]  }
0x39: {  	_ = 	snop;
	(pc) =	sbr.ind lr, $3  }
0x3a: {  	_ = 	snop  }
0x3b: {  	_ = 	snop  }
0x3c: {  	p2 =	seq.s32 s10, $0x1;
	s10 =	sld [smem:$0x3FBB]  }
0x3d: {  	_ =	shalt  }
0x3e: {  	_ =	shalt  }
0x3f: {  	_ =	shalt  }
0x40: {  	_ =	shalt  }
0x41: {  	_ =	shalt  }
0x42: {  	_ =	shalt  }
0x43: {  	_ =	shalt  }
0x44: {  	_ =	shalt  }
0x45: {  	_ =	shalt  }
0x46: {  	_ =	shalt  }
0x47: {  	_ =	shalt  }
0x48: {  	_ =	shalt  }
0x49: {  	_ =	shalt  }
0x4a: {  	_ =	shalt  }
0x4b: {  	_ =	shalt  }
0x4c: {  	_ =	shalt  }
0x4d: {  	_ =	shalt  }
0x4e: {  	_ =	shalt  }
0x4f: {  	_ =	shalt  }
0x50: {  	_ =	shalt  }
0x51: {  	_ =	shalt  }
0x52: {  	_ =	shalt  }
0x53: {  	_ =	shalt  }
0x54: {  	_ =	shalt  }
0x55: {  	_ =	shalt  }
0x56: {  	_ =	shalt  }
0x57: {  	_ =	shalt  }
0x58: {  	_ =	shalt  }
0x59: {  	_ =	shalt  }
0x5a: {  	_ =	shalt  }
0x5b: {  	_ =	shalt  }
0x5c: {  	_ =	shalt  }
0x5d: {  	_ =	shalt  }
0x5e: {  	_ =	shalt  }
0x5f: {  	_ =	shalt  }
0x60: {  	_ =	shalt  }
0x61: {  	_ =	shalt  }
0x62: {  	_ =	shalt  }
0x63: {  	_ =	shalt  }
0x64: {  	_ =	shalt  }
0x65: {  	_ =	shalt  }
0x66: {  	_ =	shalt  }
0x67: {  	_ =	shalt  }
0x68: {  	_ =	shalt  }
0x69: {  	_ =	shalt  }
0x6a: {  	_ =	shalt  }
0x6b: {  	_ =	shalt  }
0x6c: {  	_ =	shalt  }
0x6d: {  	_ =	shalt  }
0x6e: {  	_ =	shalt  }
0x6f: {  	_ =	shalt  }
0x70: {  	_ =	shalt  }
0x71: {  	_ =	shalt  }
0x72: {  	_ =	shalt  }
0x73: {  	_ =	shalt  }
0x74: {  	_ =	shalt  }
0x75: {  	_ =	shalt  }
0x76: {  	_ =	shalt  }
0x77: {  	_ =	shalt  }
0x78: {  	_ =	shalt  }
0x79: {  	_ =	shalt  }
0x7a: {  	_ =	shalt  }
0x7b: {  	_ =	shalt  }
0x7c: {  	_ =	shalt  }
0x7d: {  	_ =	shalt  }
0x7e: {  	_ =	shalt  }
0x7f: {  	_ =	shalt  }
0x80: {  	_ =	shalt  }
0x81: {  	_ =	shalt  }
0x82: {  	_ =	shalt  }
0x83: {  	_ =	shalt  }
0x84: {  	_ =	shalt  }
0x85: {  	_ =	shalt  }
0x86: {  	_ =	shalt  }
0x87: {  	_ =	shalt  }
.Lfunc_end0:
.L_simem_size_0:
called_computation_lowered:
.L_overlay_start_0:
0x88: {  	s2 =	sld [smem:$0x3FD9]  }
0x89: {  	s3 =	sld [smem:$0x3FFE];
	_ =	sdelay $0x1  }
0x8a: {  	s1 =	srdreg.scid  }
0x8b: {  	s0 =	sand.u32 $0x1, s1  }
0x8c: {  	s17 =	sshll.u32 s0, $0xA;
	s2 =	sadd.s32 s3, s2  }
0x8d: {  	s2 =	sadd.s32 s2, s17  }
0x8e: {  	[smem:$0x3FC7] =	sst s2  }
0x8f: {  	_ = 	snop  }
0x90: {  	s2 =	sld [smem:$0x3FD0];
	(tm) =	ssettm $0x1  }
0x91: {  	s18 =	sld [smem:$0x3FFB];
	_ =	sdelay $0x3  }
0x92: {  	_ =	strace s18  }
0x93: {  	s3 =	sld [smem:$0x3FFC];
	_ =	sdelay $0x3  }
0x94: {  	_ =	strace s3  }
0x95: {  	s3 =	sld [smem:$0x3FFD];
	_ =	sdelay $0x3  }
0x96: {  	_ =	strace s3  }
0x97: {  	_ =	strace $0x8FFFFFFF  }
0x98: {  	s19 =	sld [smem:$0x3FDB];
	_ =	sdelay $0x1  }
0x99: {  	s4 =	simm.s32 $_scs_section_size  }
0x9a: {  	s5 =	simm.s32 $_size__tile_overlayer_lowered;
	s6 =	simm.s32 $_tile_overlayer_lowered  }
0x9b: {  	s22 =	simm.s32 $0x1BFF;
	s21 =	sshll.u32 s6, $0x1;
	s3 =	sadd.s32 s4, s19  }
0x9c: {  	s7 =	simm.s32 $0x0;
	s20 =	sshll.u32 s5, $0x1;
	s5 =	sadd.s32 s21, s3  }
0x9d: {  	[timem:s7], [sflag:s22] =	dma.local [hbm:s5], s20  }
0x9e: {  	_ =	swait.ge [sflag:s22], s20  }
0x9f: {  	s4 =	ssub.s32 $0x0, s20;
	[sflag:s22] =	ssyncset.done $0x0  }
0xa0: {  	[sflag:s22] =	ssyncadd.s32 s4;
	_ =	sdelay $0x1  }
0xa1: {  	s23 =	simm.s32 $0x1B8B  }
0xa2: {  	_ =	swait.ge [sflag:s23], $0x1  }
0xa3: {  	[sflag:s23] =	ssyncset.done $0x0  }
0xa4: {  	s25 =	simm.s32 $0x1B8E;
	s24 =	sld [smem:$0x3FFE];
	[sflag:s23] =	ssyncadd.s32 $0xFFFFFFFF  }
0xa5: {  	s26 =	simm.s32 $execute0_lowered;
	[smem:$0x3FD2] =	sst s25  }
0xa6: {  	s5 =	sshll.u32 s26, $0x1;
	_ =	strace $0x80000046;
	[dreg:$0x1] =	wrdreg $0xFFFFFFFF  }
0xa7: {  	s28 =	simm.s32 $_size_execute0_lowered;
	s3 =	sadd.s32 s3, s5;
	[dreg:$0x0] =	wrdreg $0x0  }
0xa8: {  	s5 =	sshll.u32 s28, $0x1;
	[dreg:$0x2] =	wrdreg s3  }
0xa9: {  	[dreg:$0x3] =	wrdreg s5  }
0xaa: {  	[dreg:$0x4] =	wrdreg $0xC0  }
0xab: {  	_ =	task [dreg:s7], $0x5FFFF  }
0xac: {  	[dreg:$0x1] =	wrdreg $0xFFFFFFFF  }
0xad: {  	[dreg:$0x0] =	wrdreg $0x60  }
0xae: {  	[dreg:$0x2] =	wrdreg s24  }
0xaf: {  	[dreg:$0x3] =	wrdreg s2  }
0xb0: {  	[dreg:$0x4] =	wrdreg $0x9  }
0xb1: {  	_ =	task.clear_ibuf [dreg:s7], $0x5FFFF;
	_ =	strace $0x90000046  }
0xb2: {  	s29 =	simm.s32 $0x9;
	_ =	strace $0x80000048  }
0xb3: {  	_ =	swait.ge [sflag:s29], $0x1  }
0xb4: {  	[sflag:s29] =	ssyncadd.s32 $0xFFFFFFFF  }
0xb5: {  	_ =	strace $0x90000048  }
0xb6: {  	_ =	sfence  }
0xb7: {  	s30 =	sld [smem:$0x0];
	_ =	sdelay $0x2  }
0xb8: {  	s31 =	sshll.u32 s1, $0xD;
	s1 =	sshrl.u32 s1, $0x2  }
0xb9: {  	s3 =	sand.u32 $0x4000, s31;
	s1 =	sadd.s32 s1, s30  }
0xba: {  	s0 =	sor.u32 s3, s0;
	s1 =	sshll.u32 s1, $0x11  }
0xbb: {  	s0 =	sor.u32 s1, s0  }
0xbc: {  	s0 =	sadd.s32 $0x8F2B, s0  }
0xbd: {  	[sflag:s0] =	ssyncadd.remote.s32 $0x1  }
0xbe: {  	_ =	sfence.sel $0xFFFF  }
0xbf: {  	[dreg:$0x0] =	wrdreg $0xFFFFFFFF;
	(pc) =	sbr.abs _section_cstart, $3  }
0xc0: {  	[dreg:$0x1] =	wrdreg $0xFFFFFFFF  }
0xc1: {  	_ =	task.clear_ibuf [dreg:s7], $0x2FFFF;
	_ =	strace $0x9FFFFFFF  }
0xc2: {  	(tm) =	ssettm $0x7FFFFFFF  }
0xc3: {  	_ =	shalt  }
tec
execute0_lowered:
.L_overlay_start_1:
0x0: {  	(tag) =	ssettag $0x1  }
0x1: {  	s4 =	rddreg [dreg:$0x0]  }
0x2: {  	s1 =	srdreg.scid;
	s0 =	stileid.u32  }
0x3: {  	s6 =	rddreg [dreg:$0x1];
	s5 =	sand.u32 $0x1, s1;
	s3 =	sshll.u32 s0, $0x1  }
0x4: {  	s10 =	simm.s32 $0x4100;
	s11 =	simm.s32 $0x2;
	s7 =	sor.u32 s5, s3  }
0x5: {  	s12 =	simm.s32 $0x0;
	s0 =	simm.s32 $0x0;
	s3 =	smul.u32 $0x18, s7  }
0x6: {  	[smem:$0x7FF] =	sst s0;
	s5 =	ssub.s32 $0x2, s5;
	s7 =	smul.u32 $0x6000, s7  }
0x7: {  	s4 =	sadd.s32 $0x400, s4;
	_ =	strace $0x80000047;
	s8 =	sshrl.u32 s5, $0x1  }
0x8: {  	s8 =	ssub.s32 s5, s8;
	s9 =	sshrl.u32 s3, $0x3;
	s30 =	sadd.s32 s4, s7  }
0x9: {  	s7 =	smax.u32 s8, $0x1;
	[dreg:$0x3] =	wrdreg s30;
	s31 =	sadd.s32 s6, s9  }
0xa: {  	v0 =	vimm.s32 $0x0;
	v1 =	vimm.s32 $0x80;
	v2 =	vimm.s32 $0x1;
	s8 =	simm.s32 $0x1;
	s9 =	simm.s32 $0x4000;
	[dreg:$0x4] =	wrdreg s31  }
.LBB2_1:
0xb: {  	s1 =	rddreg [dreg:$0x3];
	p1 =	por $0x0, $0x0;
	s14 =	simm.s32 $0x0  }
0xc: {  	[tilespmem:s0], [sflag:$0x1] =	stream.linear.gather [hbm4b:s1+s0], $0x2000, $0x38;
	[tilespmem:$0x4180] =	vst v63  }
.LBB2_2:
0xd: {  	s13 =	sadd.s32 $0x1, s14;
	p0 =	seq.s32 s14, $0x17  }
0xe: {  	_ =	swait.ge [sflag:s8], $0x2000;
	s15 =	sadd.s32 @!p0 s3, s13  }
0xf: {  	[sflag:s8] =	ssyncset.done $0x0;
	s15 =	sshll.u32 @!p0 s15, $0xA  }
0x10: {  	s16 =	sshll.u32 @!p0 s13, $0xD;
	s17 =	simm.s32 @!p0 $0x0;
	s15 =	sand.u32 @!p0 $0x1FFFFC00, s15  }
0x11: {  	[sflag:s8] =	ssyncadd.s32 $0xFFFFE000;
	s16 =	sand.u32 @!p0 $0x2000, s16;
	s15 =	sadd.s32 @!p0 s4, s15  }
0x12: {  	[tilespmem:s16], [sflag:$0x1] =	stream.linear.gather @!p0 [hbm4b:s15+s17], $0x2000, $0x38;
	[tilespmem:$0x4180] =	vst v63  }
0x13: {  	[tilespmem:$0x4000] =	vst v0  }
0x14: {  	[tilespmem:$0x4010] =	vst v0  }
0x15: {  	[tilespmem:$0x4020] =	vst v0  }
0x16: {  	[tilespmem:$0x4030] =	vst v0  }
0x17: {  	[tilespmem:$0x4040] =	vst v0  }
0x18: {  	[tilespmem:$0x4050] =	vst v0  }
0x19: {  	[tilespmem:$0x4060] =	vst v0  }
0x1a: {  	[tilespmem:$0x4070] =	vst v0  }
0x1b: {  	[tilespmem:$0x4080] =	vst v0  }
0x1c: {  	[tilespmem:$0x4090] =	vst v0  }
0x1d: {  	[tilespmem:$0x40A0] =	vst v0  }
0x1e: {  	[tilespmem:$0x40B0] =	vst v0  }
0x1f: {  	s15 =	simm.s32 $0x1;
	[tilespmem:$0x40C0] =	vst v0  }
0x20: {  	s0 =	simm.s32 @!p1 $0x0;
	s15 =	simm.s32 @!p1 $0x0;
	[tilespmem:$0x40D0] =	vst v0  }
0x21: {  	s0 =	simm.s32 @p1 $0x1;
	[tilespmem:$0x40E0] =	vst v0;
	s15 =	sshll.u32 s15, $0xD  }
0x22: {  	[smem:$0x7FD] =	sst s0;
	[tilespmem:$0x40F0] =	vst v0;
	s15 =	sor.u32 $0x80, s15  }
0x23: {  	v3 =	vld [tilespmem:s15+$0x20]  }
0x24: {  	v5 =	vld [tilespmem:s15+$0x60]  }
0x25: {  	v6 =	vld [tilespmem:s15+$0xFFFFFFC0]  }
0x26: {  	v10 =	vld [tilespmem:s15+$0xFFFFFFE0]  }
0x27: {  	v14 =	vld [tilespmem:s15+$0xFFFFFFD0]  }
0x28: {  	v7 =	vld [tilespmem:s15+$0x10]  }
0x29: {  	v9 =	vld [tilespmem:s15+$0xFFFFFFB0]  }
0x2a: {  	v11 =	vld [tilespmem:s15+$0x70]  }
0x2b: {  	v13 =	vld [tilespmem:s15+$0xFFFFFFA0];
	_ =	sdelay $0x1  }
0x2c: {  	vm0 =	vlt.s32 v3, $0x0;
	v3 =	vshrl.u32 v3, $0x18;
	vm1 =	vlt.s32 v5, $0x0  }
0x2d: {  	vm2 =	vlt.s32 v10, $0x0;
	v5 =	vshrl.u32 v5, $0x18;
	vm3 =	vlt.s32 v14, $0x0  }
0x2e: {  	v4 =	vld [tilespmem:s15+$0x0];
	v17 =	vshrl.u32 v6, $0x18;
	vm4 =	vlt.s32 v9, $0x0;
	v19 =	vshrl.u32 v7, $0x18  }
0x2f: {  	v15 =	vld [tilespmem:s15+$0xFFFFFF90];
	vm15 =	vlt.s32 v13, $0x0;
	vm5 =	vlt.s32 v11, $0x0;
	v8 =	vsel vm0, $0xFF, v1  }
0x30: {  	v16 =	vsel vm2, $0xFF, v1;
	vm2 =	vlt.s32 v7, $0x0;
	v12 =	vxor.u32 v3, v8  }
0x31: {  	v7 =	vshrl.u32 v9, $0x18;
	v8 =	vsel vm1, $0xFF, v1;
	vm1 =	vlt.s32 v6, $0x0;
	v3 =	vld [tilespmem:s15+$0xFFFFFFF0]  }
0x32: {  	v9 =	vsel vm4, $0xFF, v1;
	v6 =	vld [tilespmem:s15+$0xFFFFFF80];
	v18 =	vsel vm1, $0xFF, v1;
	v5 =	vxor.u32 v5, v8  }
0x33: {  	v20 =	vxor.u32 v7, v9;
	v7 =	vshrl.u32 v11, $0x18;
	v11 =	vld [tilespmem:s15+$0x40];
	v17 =	vxor.u32 v17, v18  }
0x34: {  	v63 =	vshrl.u32 v13, $0x18;
	vm0 =	vlt.s32 v4, $0x0;
	v8 =	vld [tilespmem:s15+$0x50];
	vm1 =	vlt.s32 v15, $0x0  }
0x35: {  	v4 =	vshrl.u32 v4, $0x18;
	v9 =	vshrl.u32 v15, $0x18;
	[tilespmem:v12+s9+$0x0] =	vst.idx.add.s32.msk $0xffff, v2;
	v12 =	vsel vm1, $0xFF, v1  }
0x36: {  	v13 =	vsel vm3, $0xFF, v1;
	v15 =	vsel vm5, $0xFF, v1;
	v9 =	vxor.u32 v9, v12;
	v12 =	vld [tilespmem:s15+$0x30]  }
0x37: {  	v21 =	vsel vm2, $0xFF, v1;
	v7 =	vxor.u32 v7, v15;
	v15 =	vsel vm15, $0xFF, v1;
	[tilespmem:v5+s9+$0x0] =	vst.idx.add.s32.msk $0xffff, v2  }
0x38: {  	vm1 =	vlt.s32 v6, $0x0;
	v5 =	vxor.u32 v63, v15;
	[tilespmem:v17+s9+$0x0] =	vst.idx.add.s32.msk $0xffff, v2;
	v17 =	vshrl.u32 v10, $0x18  }
0x39: {  	s16 =	simm.s32 $0x0;
	s17 =	sadd.s32 $0x100, s15;
	[tilespmem:v20+s9+$0x0] =	vst.idx.add.s32.msk $0xffff, v2;
	v15 =	vshrl.u32 v14, $0x18;
	v10 =	vxor.u32 v19, v21;
	v14 =	vxor.u32 v17, v16  }
.LBB2_3:
0x3a: {  	v16 =	vld [tilespmem:s17+$0x20];
	s16 =	sadd.s32 $0x10, s16;
	v13 =	vxor.u32 v15, v13;
	vm2 =	vlt.s32 v11, $0x0;
	vm3 =	vlt.s32 v8, $0x0  }
0x3b: {  	v11 =	vshrl.u32 v11, $0x18;
	v8 =	vshrl.u32 v8, $0x18;
	v15 =	vld [tilespmem:s17+$0x60];
	p1 =	slt.u32 s16, $0x1F0;
	v17 =	vsel vm3, $0xFF, v1  }
0x3c: {  	v19 =	vshrl.u32 v12, $0x18;
	v20 =	vsel vm2, $0xFF, v1;
	v18 =	vld [tilespmem:s17+$0x70];
	v8 =	vxor.u32 v8, v17  }
0x3d: {  	v11 =	vxor.u32 v11, v20;
	[tilespmem:v9+s9+$0x0] =	vst.idx.add.s32.msk $0xffff, v2;
	v9 =	vsel vm0, $0xFF, v1;
	vm0 =	vlt.s32 v12, $0x0  }
0x3e: {  	vm2 =	vlt.s32 v3, $0x0;
	[tilespmem:v14+s9+$0x0] =	vst.idx.add.s32.msk $0xffff, v2;
	v9 =	vxor.u32 v4, v9;
	v4 =	vsel vm0, $0xFF, v1  }
0x3f: {  	v12 =	vsel vm2, $0xFF, v1;
	vm0 =	vlt.s32 v16, $0x0;
	[tilespmem:v10+s9+$0x0] =	vst.idx.add.s32.msk $0xffff, v2;
	v4 =	vxor.u32 v19, v4  }
0x40: {  	v10 =	vsel vm0, $0xFF, v1;
	vm2 =	vlt.s32 v15, $0x0;
	[tilespmem:v7+s9+$0x0] =	vst.idx.add.s32.msk $0xffff, v2  }
0x41: {  	v6 =	vshrl.u32 v6, $0x18;
	v14 =	vsel vm1, $0xFF, v1;
	v7 =	vld [tilespmem:s17+$0xFFFFFFA0]  }
0x42: {  	v6 =	vxor.u32 v6, v14;
	v17 =	vld [tilespmem:s17+$0x0]  }
0x43: {  	v14 =	vld [tilespmem:s17+$0xFFFFFF90]  }
0x44: {  	v19 =	vld [tilespmem:s17+$0xFFFFFFB0]  }
0x45: {  	v20 =	vld [tilespmem:s17+$0xFFFFFFC0]  }
0x46: {  	v21 =	vld [tilespmem:s17+$0xFFFFFFD0]  }
0x47: {  	[tilespmem:v4+s9+$0x0] =	vst.idx.add.s32.msk $0xffff, v2  }
0x48: {  	v22 =	vld [tilespmem:s17+$0xFFFFFFE0]  }
0x49: {  	v4 =	vshrl.u32 v3, $0x18;
	v3 =	vld [tilespmem:s17+$0xFFFFFFF0]  }
0x4a: {  	v12 =	vxor.u32 v4, v12;
	[tilespmem:v11+s9+$0x0] =	vst.idx.add.s32.msk $0xffff, v2  }
0x4b: {  	v11 =	vld [tilespmem:s17+$0x10]  }
0x4c: {  	v4 =	vshrl.u32 v16, $0x18;
	[tilespmem:v6+s9+$0x0] =	vst.idx.add.s32.msk $0xffff, v2  }
0x4d: {  	vm0 =	vlt.s32 v17, $0x0;
	v10 =	vxor.u32 v4, v10;
	[tilespmem:v8+s9+$0x0] =	vst.idx.add.s32.msk $0xffff, v2  }
0x4e: {  	v4 =	vshrl.u32 v17, $0x18;
	vm3 =	vlt.s32 v22, $0x0;
	v8 =	vshrl.u32 v15, $0x18;
	[tilespmem:v9+s9+$0x0] =	vst.idx.add.s32.msk $0xffff, v2  }
0x4f: {  	vm1 =	vlt.s32 v21, $0x0;
	v16 =	vsel vm3, $0xFF, v1;
	v9 =	vsel vm2, $0xFF, v1;
	[tilespmem:v12+s9+$0x0] =	vst.idx.add.s32.msk $0xffff, v2  }
0x50: {  	vm3 =	vlt.s32 v20, $0x0;
	v12 =	vshrl.u32 v20, $0x18;
	vm2 =	vlt.s32 v11, $0x0;
	[tilespmem:v13+s9+$0x0] =	vst.idx.add.s32.msk $0xffff, v2  }
0x51: {  	vm4 =	vlt.s32 v19, $0x0;
	v13 =	vsel vm3, $0xFF, v1;
	v15 =	vshrl.u32 v11, $0x18;
	[tilespmem:v5+s9+$0x0] =	vst.idx.add.s32.msk $0xffff, v2  }
0x52: {  	v17 =	vxor.u32 v8, v9;
	v11 =	vsel vm4, $0xFF, v1;
	v5 =	vshrl.u32 v19, $0x18;
	v6 =	vld [tilespmem:s17+$0xFFFFFF80]  }
0x53: {  	v20 =	vxor.u32 v12, v13;
	v19 =	vxor.u32 v5, v11;
	v5 =	vshrl.u32 v18, $0x18;
	v8 =	vld [tilespmem:s17+$0x50]  }
0x54: {  	vm5 =	vlt.s32 v18, $0x0;
	vm3 =	vlt.s32 v14, $0x0;
	vm4 =	vlt.s32 v7, $0x0;
	[tilespmem:v10+s9+$0x0] =	vst.idx.add.s32.msk $0xffff, v2  }
.Ltmp0:
0x55: {  	v9 =	vshrl.u32 v14, $0x18;
	v13 =	vsel vm5, $0xFF, v1;
	v10 =	vsel vm3, $0xFF, v1;
	v11 =	vld [tilespmem:s17+$0x40];
	(pc) =	sbr.rel @p1 .LBB2_3-.Ltmp0, $4  }
0x56: {  	v9 =	vxor.u32 v9, v10;
	v10 =	vshrl.u32 v7, $0x18;
	v7 =	vxor.u32 v5, v13;
	v12 =	vld [tilespmem:s17+$0x30]  }
0x57: {  	v14 =	vsel vm2, $0xFF, v1;
	v5 =	vsel vm4, $0xFF, v1;
	v13 =	vsel vm1, $0xFF, v1;
	[tilespmem:v17+s9+$0x0] =	vst.idx.add.s32.msk $0xffff, v2  }
0x58: {  	v5 =	vxor.u32 v10, v5;
	v10 =	vxor.u32 v15, v14;
	v17 =	vshrl.u32 v22, $0x18;
	[tilespmem:v20+s9+$0x0] =	vst.idx.add.s32.msk $0xffff, v2  }
0x59: {  	v15 =	vshrl.u32 v21, $0x18;
	s17 =	sadd.s32 $0x100, s17;
	vm1 =	vlt.s32 v6, $0x0;
	v14 =	vxor.u32 v17, v16;
	[tilespmem:v19+s9+$0x0] =	vst.idx.add.s32.msk $0xffff, v2  }
0x5a: {  	_ =	sdelay $0x2  }
0x5b: {  	vm2 =	vlt.s32 v11, $0x0;
	vm4 =	vlt.s32 v8, $0x0;
	v11 =	vshrl.u32 v11, $0x18  }
0x5c: {  	v8 =	vshrl.u32 v8, $0x18;
	[tilespmem:v7+s9+$0x0] =	vst.idx.add.s32.msk $0xffff, v2;
	v7 =	vxor.u32 v15, v13;
	v17 =	vsel vm2, $0xFF, v1  }
0x5d: {  	[tilespmem:v9+s9+$0x0] =	vst.idx.add.s32.msk $0xffff, v2;
	vm3 =	vlt.s32 v12, $0x0;
	v61 =	vsel vm4, $0xFF, v1;
	v9 =	vxor.u32 v11, v17  }
0x5e: {  	[tilespmem:v14+s9+$0x0] =	vst.idx.add.s32.msk $0xffff, v2;
	v12 =	vshrl.u32 v12, $0x18;
	v16 =	vsel vm3, $0xFF, v1;
	v8 =	vxor.u32 v8, v61  }
0x5f: {  	v6 =	vshrl.u32 v6, $0x18;
	[tilespmem:v10+s9+$0x0] =	vst.idx.add.s32.msk $0xffff, v2;
	v11 =	vsel vm1, $0xFF, v1;
	v12 =	vxor.u32 v12, v16  }
0x60: {  	[tilespmem:v5+s9+$0x0] =	vst.idx.add.s32.msk $0xffff, v2;
	v6 =	vxor.u32 v6, v11;
	v11 =	vsel vm0, $0xFF, v1;
	vm0 =	vlt.s32 v3, $0x0  }
0x61: {  	v3 =	vshrl.u32 v3, $0x18;
	v4 =	vxor.u32 v4, v11;
	v10 =	vsel vm0, $0xFF, v1;
	[tilespmem:v7+s9+$0x0] =	vst.idx.add.s32.msk $0xffff, v2  }
0x62: {  	v3 =	vxor.u32 v3, v10;
	[tilespmem:v9+s9+$0x0] =	vst.idx.add.s32.msk $0xffff, v2  }
0x63: {  	[tilespmem:v8+s9+$0x0] =	vst.idx.add.s32.msk $0xffff, v2  }
0x64: {  	[tilespmem:v12+s9+$0x0] =	vst.idx.add.s32.msk $0xffff, v2  }
0x65: {  	[tilespmem:v6+s9+$0x0] =	vst.idx.add.s32.msk $0xffff, v2  }
0x66: {  	[tilespmem:v4+s9+$0x0] =	vst.idx.add.s32.msk $0xffff, v2  }
0x67: {  	[tilespmem:v3+s9+$0x0] =	vst.idx.add.s32.msk $0xffff, v2  }
0x68: {  	v3 =	vld [tilespmem:$0x4000]  }
0x69: {  	v4 =	vld [tilespmem:$0x4010]  }
0x6a: {  	v5 =	vld [tilespmem:$0x4020]  }
0x6b: {  	v6 =	vld [tilespmem:$0x4030]  }
0x6c: {  	v7 =	vld [tilespmem:$0x4040]  }
0x6d: {  	(xrf0) =	vadd.scan.msk.s32 $0xffff, v3;
	v3 =	vld [tilespmem:$0x4050]  }
0x6e: {  	(xrf0) =	vadd.scan.msk.s32 $0xffff, v4;
	v4 =	vld [tilespmem:$0x4060]  }
0x6f: {  	(xrf0) =	vadd.scan.msk.s32 $0xffff, v5;
	v5 =	vld [tilespmem:$0x4070]  }
0x70: {  	(xrf0) =	vadd.scan.msk.s32 $0xffff, v6;
	v6 =	vld [tilespmem:$0x4080]  }
0x71: {  	(xrf0) =	vadd.scan.msk.s32 $0xffff, v7;
	v7 =	vld [tilespmem:$0x4090]  }
0x72: {  	(xrf0) =	vadd.scan.msk.s32 $0xffff, v3;
	v3 =	vld [tilespmem:$0x40A0]  }
0x73: {  	v8, _, _ =	vpop (xrf0);
	(xrf0) =	vadd.scan.msk.s32 $0xffff, v4  }
0x74: {  	v4 =	vld [tilespmem:$0x40B0];
	(v2sf) =	vpush v8, $0xF;
	v8, _, _ =	vpop (xrf0);
	(xrf0) =	vadd.scan.msk.s32 $0xffff, v5  }
0x75: {  	v5 =	vld [tilespmem:$0x40C0];
	(v2sf) =	vpush v8, $0xF;
	v8, _, _ =	vpop (xrf0);
	(xrf0) =	vadd.scan.msk.s32 $0xffff, v6  }
0x76: {  	(v2sf) =	vpush v8, $0xF;
	v6, _, _ =	vpop (xrf0);
	(xrf0) =	vadd.scan.msk.s32 $0xffff, v7  }
0x77: {  	v7 =	vld [tilespmem:$0x40D0];
	(v2sf) =	vpush v6, $0xF;
	v6, _, _ =	vpop (xrf0);
	(xrf0) =	vadd.scan.msk.s32 $0xffff, v3  }
0x78: {  	v3 =	vld [tilespmem:$0x40E0];
	(v2sf) =	vpush v6, $0xF;
	v6, _, _ =	vpop (xrf0)  }
0x79: {  	(xrf0) =	vadd.scan.msk.s32 $0xffff, v4;
	(v2sf) =	vpush v6, $0xF;
	v4, _, _ =	vpop (xrf0)  }
0x7a: {  	(xrf0) =	vadd.scan.msk.s32 $0xffff, v5;
	v5, _, _ =	vpop (xrf0);
	(v2sf) =	vpush v4, $0xF  }
0x7b: {  	(v2sf) =	vpush v5, $0xF;
	v4, _, _ =	vpop (xrf0)  }
0x7c: {  	(xrf0) =	vadd.scan.msk.s32 $0xffff, v7;
	(v2sf) =	vpush v4, $0xF;
	v4, _, _ =	vpop (xrf0)  }
0x7d: {  	(xrf0) =	vadd.scan.msk.s32 $0xffff, v3;
	v3, _, _ =	vpop (xrf0);
	(v2sf) =	vpush v4, $0xF  }
0x7e: {  	(v2sf) =	vpush v3, $0xF  }
0x7f: {  	v4, _, _ =	vpop (xrf0)  }
0x80: {  	(v2sf) =	vpush v4, $0xF  }
0x81: {  	v3, _, _ =	vpop (xrf0)  }
0x82: {  	(v2sf) =	vpush v3, $0xF  }
0x83: {  	s17 =	spop (v2sf)  }
0x84: {  	v3, _, _ =	vpop (xrf0);
	s16 =	spop (v2sf);
	p0 =	slt.s32 s17, $0x1000;
	p1 =	sgt.s32 s17, $0x0  }
0x85: {  	(v2sf) =	vpush v3, $0xF;
	v3, _, _ =	vpop (xrf0);
	s18 =	spop (v2sf);
	s26 =	sadd.s32 s17, s16;
	s17 =	simm.s32 @!p1 $0x0  }
0x86: {  	(v2sf) =	vpush v3, $0xF;
	s19 =	spop (v2sf);
	s28 =	sadd.s32 s18, s26;
	s17 =	simm.s32 @!p0 $0x0  }
0x87: {  	p1 =	slt.s32 s26, $0x1000;
	s20 =	spop (v2sf);
	s29 =	sadd.s32 s19, s28  }
0x88: {  	p2 =	sgt.s32 s17, s26;
	s25 =	spop (v2sf);
	s30 =	sadd.s32 s20, s29  }
0x89: {  	s26 =	smov.u32 @p2 s17;
	s31 =	spop (v2sf);
	s25 =	sadd.s32 s25, s30  }
0x8a: {  	s17 =	smov.u32 @p1 s26;
	s0 =	spop (v2sf);
	s24 =	sadd.s32 s31, s25  }
0x8b: {  	s26 =	simm.s32 $0x1;
	s1 =	spop (v2sf);
	s23 =	sadd.s32 s0, s24  }
0x8c: {  	s0 =	simm.s32 $0x1;
	s2 =	spop (v2sf);
	s21 =	sadd.s32 s1, s23  }
0x8d: {  	s0 =	simm.s32 @!p0 $0x0;
	p0 =	slt.s32 s28, $0x1000;
	s5 =	spop (v2sf)  }
0x8e: {  	s20 =	sadd.s32 s2, s21;
	s2 =	simm.s32 $0x1;
	s26 =	simm.s32 @!p0 $0x0  }
0x8f: {  	p2 =	slt.s32 s21, $0x1000;
	s6 =	spop (v2sf);
	s16 =	sadd.s32 s5, s20  }
0x90: {  	s2 =	simm.s32 @!p1 $0x0;
	p1 =	sgt.s32 s17, s28;
	p3 =	slt.s32 s20, $0x1000  }
0x91: {  	s22 =	spop (v2sf);
	s18 =	sadd.s32 s6, s16;
	s0 =	sadd.s32 s0, s2  }
0x92: {  	s28 =	smov.u32 @p1 s17;
	s2 =	simm.s32 $0x1;
	s19 =	sadd.s32 s22, s18  }
0x93: {  	s17 =	smov.u32 @p0 s28;
	p0 =	slt.s32 s29, $0x1000;
	s0 =	sadd.s32 s26, s0  }
0x94: {  	p4 =	slt.s32 s18, $0x1000;
	s31 =	spop (v2sf);
	s2 =	simm.s32 @!p0 $0x0  }
0x95: {  	p1 =	sgt.s32 s17, s29;
	p5 =	slt.s32 s19, $0x1000;
	s1 =	spop (v2sf)  }
0x96: {  	s22 =	sadd.s32 s31, s19;
	s0 =	sadd.s32 s2, s0;
	s29 =	smov.u32 @p1 s17  }
0x97: {  	p1 =	slt.s32 s30, $0x1000;
	s2 =	simm.s32 $0x1;
	s17 =	smov.u32 @p0 s29  }
0x98: {  	s30 =	simm.s32 @!p1 $0x0;
	s2 =	simm.s32 @!p1 $0x0;
	p1 =	slt.s32 s25, $0x1000  }
0x99: {  	p6 =	slt.s32 s22, $0x1000;
	p0 =	sgt.s32 s17, s30;
	s25 =	simm.s32 @!p1 $0x0  }
0x9a: {  	s0 =	sadd.s32 s2, s0;
	s30 =	smov.u32 @p0 s17;
	s17 =	simm.s32 $0x1  }
0x9b: {  	s2 =	simm.s32 $0x1;
	s17 =	simm.s32 @!p1 $0x0;
	p0 =	sgt.s32 s30, s25  }
0x9c: {  	s25 =	smov.u32 @p0 s30;
	p0 =	slt.s32 s24, $0x1000;
	s0 =	sadd.s32 s17, s0  }
0x9d: {  	s17 =	sadd.s32 s1, s22;
	s2 =	simm.s32 @!p0 $0x0;
	s24 =	simm.s32 @!p0 $0x0  }
0x9e: {  	s1 =	simm.s32 $0x1;
	s0 =	sadd.s32 s2, s0;
	p0 =	sgt.s32 s25, s24  }
0x9f: {  	s2 =	simm.s32 $0x1;
	s24 =	smov.u32 @p0 s25;
	p0 =	slt.s32 s23, $0x1000  }
0xa0: {  	p1 =	slt.s32 s16, $0x1000;
	s2 =	simm.s32 @!p2 $0x0;
	s1 =	simm.s32 @!p0 $0x0  }
0xa1: {  	s23 =	simm.s32 @!p0 $0x0;
	s0 =	sadd.s32 s1, s0;
	s1 =	simm.s32 $0x1  }
0xa2: {  	p0 =	sgt.s32 s24, s23;
	s0 =	sadd.s32 s2, s0;
	s1 =	simm.s32 @!p3 $0x0  }
0xa3: {  	s2 =	simm.s32 $0x1;
	s23 =	smov.u32 @p0 s24;
	p0 =	slt.s32 s17, $0x1000  }
0xa4: {  	s0 =	sadd.s32 s1, s0;
	s2 =	simm.s32 @!p1 $0x0;
	s1 =	simm.s32 $0x1  }
0xa5: {  	s0 =	sadd.s32 s2, s0;
	s1 =	simm.s32 @!p4 $0x0;
	s2 =	simm.s32 $0x1  }
0xa6: {  	s0 =	sadd.s32 s1, s0;
	s2 =	simm.s32 @!p5 $0x0;
	s1 =	simm.s32 $0x1  }
0xa7: {  	s0 =	sadd.s32 s2, s0;
	s1 =	simm.s32 @!p6 $0x0;
	s2 =	simm.s32 $0x1  }
0xa8: {  	s21 =	simm.s32 @!p2 $0x0;
	s0 =	sadd.s32 s1, s0;
	s2 =	simm.s32 @!p0 $0x0  }
0xa9: {  	p2 =	sgt.s32 s23, s21;
	s0 =	sadd.s32 s2, s0  }
0xaa: {  	s20 =	simm.s32 @!p3 $0x0;
	s21 =	smov.u32 @p2 s23;
	s0 =	sshll.u32 s0, $0x4  }
0xab: {  	p2 =	sgt.s32 s21, s20;
	v3 =	vld [tilespmem:s0+$0x4000]  }
0xac: {  	s16 =	simm.s32 @!p1 $0x0;
	s20 =	smov.u32 @p2 s21  }
0xad: {  	p1 =	sgt.s32 s20, s16  }
0xae: {  	s18 =	simm.s32 @!p4 $0x0;
	s16 =	smov.u32 @p1 s20  }
0xaf: {  	p1 =	sgt.s32 s16, s18  }
0xb0: {  	s19 =	simm.s32 @!p5 $0x0;
	s18 =	smov.u32 @p1 s16;
	(xrf0) =	vadd.scan.msk.s32 $0xffff, v3  }
0xb1: {  	p1 =	sgt.s32 s18, s19  }
0xb2: {  	s22 =	simm.s32 @!p6 $0x0;
	s19 =	smov.u32 @p1 s18  }
0xb3: {  	p1 =	sgt.s32 s19, s22  }
0xb4: {  	s17 =	simm.s32 @!p0 $0x0;
	s22 =	smov.u32 @p1 s19  }
0xb5: {  	p0 =	sgt.s32 s22, s17  }
0xb6: {  	s17 =	smov.u32 @p0 s22;
	v3, _, _ =	vpop (xrf0)  }
0xb7: {  	v3 =	vadd.s32 s17, v3  }
0xb8: {  	v4 =	vimm.s32 $0x0;
	vm0 =	vlt.s32 v3, $0x1000  }
0xb9: {  	v4 =	vsel vm0, $0xFFFFFFFF, v4  }
0xba: {  	[tilespmem:$0x1FFE0] =	vst v4;
	v4 =	vsel vm0, $0x1, v0  }
0xbb: {  	(xrf0) =	vadd.scan.msk.s32 $0xffff, v4;
	_ =	sdelay $0x5  }
0xbc: {  	v4, _, _ =	vpop (xrf0)  }
0xbd: {  	[tilespmem:$0x4000] =	vst v0;
	(v2sf) =	vpush v4, $0xF  }
0xbe: {  	[tilespmem:$0x4010] =	vst v0  }
0xbf: {  	[tilespmem:$0x4020] =	vst v0  }
0xc0: {  	[tilespmem:$0x4030] =	vst v0  }
0xc1: {  	[tilespmem:$0x4040] =	vst v0  }
0xc2: {  	[tilespmem:$0x4050] =	vst v0  }
0xc3: {  	[tilespmem:$0x4060] =	vst v0  }
0xc4: {  	[tilespmem:$0x4070] =	vst v0  }
0xc5: {  	[tilespmem:$0x4080] =	vst v0  }
0xc6: {  	[tilespmem:$0x4090] =	vst v0  }
0xc7: {  	[tilespmem:$0x40A0] =	vst v0  }
0xc8: {  	[tilespmem:$0x40B0] =	vst v0  }
0xc9: {  	[tilespmem:$0x40C0] =	vst v0  }
0xca: {  	[tilespmem:$0x40D0] =	vst v0  }
0xcb: {  	[tilespmem:$0x40E0] =	vst v0  }
0xcc: {  	[tilespmem:$0x40F0] =	vst v0;
	s31 =	spop (v2sf)  }
0xcd: {  	v5 =	vld [tilespmem:s15+$0x70];
	s0 =	sadd.s32 s0, s31  }
0xce: {  	s1 =	simm.s32 $0xFF;
	v6 =	vld [tilespmem:s15+$0xFFFFFF90];
	p1 =	slt.s32 s0, $0x80  }
0xcf: {  	v7 =	vld [tilespmem:s15+$0xFFFFFFA0];
	s1 =	simm.s32 @!p1 $0x80  }
0xd0: {  	v8 =	vld [tilespmem:s15+$0xFFFFFFB0];
	s0 =	sxor.u32 s0, s1  }
0xd1: {  	v10 =	vld [tilespmem:s15+$0xFFFFFFD0];
	s16 =	sshll.u32 s0, $0x18  }
0xd2: {  	v9 =	vld [tilespmem:s15+$0xFFFFFFC0];
	s0 =	sxor.u32 $0x80000000, s16  }
0xd3: {  	v13 =	vld [tilespmem:s15+$0xFFFFFFE0];
	v4 =	vmov s0  }
0xd4: {  	v14 =	vld [tilespmem:s15+$0xFFFFFFF0];
	v11 =	vxor.u32 v4, v5  }
0xd5: {  	v62 =	vld [tilespmem:s15+$0x0];
	vm3 =	vlt.s32 v11, $0x81000000;
	v11 =	vxor.u32 v4, v7  }
0xd6: {  	v63 =	vld [tilespmem:s15+$0x10];
	vm4 =	vlt.s32 v11, $0x81000000;
	v11 =	vxor.u32 v4, v10  }
0xd7: {  	v18 =	vld [tilespmem:s15+$0x20];
	v12 =	vxor.u32 v4, v6;
	vm0 =	vlt.s32 v11, $0x81000000;
	v11 =	vimm.s32 $0x0  }
0xd8: {  	v19 =	vld [tilespmem:s15+$0x30];
	v5 =	vshrl.u32 v5, $0x10;
	v6 =	vshrl.u32 v6, $0x10;
	v11 =	vsel vm0, $0xFFFFFFFF, v11  }
0xd9: {  	v20 =	vld [tilespmem:s15+$0x40];
	v15 =	vxor.u32 v4, v8;
	v8 =	vshrl.u32 v8, $0x10;
	v5 =	vand.u32 $0xFF, v5;
	[tilespmem:$0x1FFF0] =	vst v11  }
0xda: {  	v7 =	vshrl.u32 v7, $0x10;
	vm5 =	vlt.s32 v12, $0x81000000;
	v12 =	vxor.u32 v4, v9;
	v22 =	vld [tilespmem:s15+$0xFFFFFF80]  }
0xdb: {  	v9 =	vshrl.u32 v9, $0x10;
	vm1 =	vlt.s32 v15, $0x81000000;
	v15 =	vxor.u32 v4, v13  }
0xdc: {  	v6 =	vand.u32 $0xFF, v6;
	v23 =	vand.u32 $0xFF, v8;
	vm2 =	vlt.s32 v12, $0x81000000  }
0xdd: {  	v12 =	vxor.u32 v4, v14;
	vm6 =	vlt.s32 v15, $0x81000000;
	v15 =	vxor.u32 v4, v63  }
0xde: {  	v7 =	vand.u32 $0xFF, v7;
	vm7 =	vlt.s32 v12, $0x81000000;
	v12 =	vxor.u32 v4, v18  }
0xdf: {  	v24 =	vand.u32 $0xFF, v9;
	vm12 =	vlt.s32 v12, $0x81000000;
	v21 =	vld [tilespmem:s15+$0x50];
	v12 =	vxor.u32 v4, v22  }
0xe0: {  	vm11 =	vlt.s32 v15, $0x81000000;
	v15 =	vld [tilespmem:s15+$0x60];
	v22 =	vshrl.u32 v22, $0x10;
	vm8 =	vlt.s32 v12, $0x81000000  }
0xe1: {  	[tilespmem:v5+s9+$0x0] =	vst.idx.add.s32.msk vm3, v2;
	v22 =	vand.u32 $0xFF, v22  }
0xe2: {  	[tilespmem:v6+s9+$0x0] =	vst.idx.add.s32.msk vm5, v2  }
0xe3: {  	[tilespmem:v23+s9+$0x0] =	vst.idx.add.s32.msk vm1, v2  }
0xe4: {  	[tilespmem:v7+s9+$0x0] =	vst.idx.add.s32.msk vm4, v2  }
0xe5: {  	v16 =	vshrl.u32 v62, $0x10;
	[tilespmem:v24+s9+$0x0] =	vst.idx.add.s32.msk vm2, v2  }
0xe6: {  	v17 =	vshrl.u32 v63, $0x10;
	v14 =	vshrl.u32 v14, $0x10;
	v11 =	vxor.u32 v4, v62;
	[tilespmem:v22+s9+$0x0] =	vst.idx.add.s32.msk vm8, v2  }
0xe7: {  	vm10 =	vlt.s32 v11, $0x81000000;
	v11 =	vxor.u32 v4, v19;
	v12 =	vand.u32 $0xFF, v14;
	v14 =	vld [tilespmem:$0x1FFF0]  }
0xe8: {  	v13 =	vshrl.u32 v13, $0x10;
	vm13 =	vlt.s32 v11, $0x81000000;
	v11 =	vxor.u32 v4, v20  }
0xe9: {  	v10 =	vshrl.u32 v10, $0x10;
	vm14 =	vlt.s32 v11, $0x81000000;
	v11 =	vxor.u32 v4, v21  }
0xea: {  	v13 =	vand.u32 $0xFF, v13;
	vm15 =	vlt.s32 v11, $0x81000000;
	v11 =	vxor.u32 v4, v15  }
0xeb: {  	v18 =	vshrl.u32 v18, $0x10;
	v25 =	vand.u32 $0xFF, v10;
	vm0 =	vlt.s32 v11, $0x81000000  }
0xec: {  	vm4 =	vmmov vm13;
	vm13 =	vmmov vm0;
	vm0 =	vnez.u8 v14  }
0xed: {  	v10 =	vand.u32 $0xFF, v17;
	vm9 =	vmmov vm6;
	v9 =	vand.u32 $0xFF, v18  }
0xee: {  	vm6 =	vmmov vm11;
	v19 =	vshrl.u32 v19, $0x10;
	v20 =	vshrl.u32 v20, $0x10  }
0xef: {  	v8 =	vand.u32 $0xFF, v19;
	vm5 =	vmmov vm12;
	v7 =	vand.u32 $0xFF, v20  }
0xf0: {  	vm3 =	vmmov vm14;
	v21 =	vshrl.u32 v21, $0x10;
	v15 =	vshrl.u32 v15, $0x10  }
0xf1: {  	v6 =	vand.u32 $0xFF, v21;
	v11 =	vand.u32 $0xFF, v16;
	v5 =	vand.u32 $0xFF, v15  }
0xf2: {  	s18 =	simm.s32 $0x0;
	s19 =	sadd.s32 $0x100, s15;
	vm2 =	vmmov vm15;
	vm8 =	vmmov vm7;
	vm7 =	vmmov vm10;
	[tilespmem:v25+s9+$0x0] =	vst.idx.add.s32.msk vm0, v2  }
.LBB2_5:
0xf3: {  	v14 =	vld [tilespmem:s19+$0x70];
	_ =	sdelay $0x4  }
0xf4: {  	v15 =	vld [tilespmem:s19+$0xFFFFFF90];
	v20 =	vxor.u32 v4, v14  }
0xf5: {  	v19 =	vld [tilespmem:s19+$0xFFFFFFD0];
	v14 =	vshrl.u32 v14, $0x10;
	vm0 =	vlt.s32 v20, $0x81000000  }
0xf6: {  	v16 =	vld [tilespmem:s19+$0xFFFFFFA0];
	v14 =	vand.u32 $0xFF, v14  }
0xf7: {  	v25 =	vld [tilespmem:s19+$0x0]  }
0xf8: {  	v28 =	vld [tilespmem:s19+$0x30]  }
0xf9: {  	v57 =	vld [tilespmem:s19+$0x40]  }
0xfa: {  	v48 =	vimm.s32 $0x0;
	v29 =	vld [tilespmem:s19+$0x50];
	v51 =	vxor.u32 v4, v19  }
0xfb: {  	v21 =	vxor.u32 v4, v15;
	[tilespmem:v14+s9+$0x0] =	vst.idx.add.s32.msk vm0, v2;
	vm0 =	vlt.s32 v51, $0x81000000;
	v14 =	vimm.s32 $0x0  }
0xfc: {  	v50 =	vimm.s32 $0x0;
	vm1 =	vlt.s32 v21, $0x81000000;
	v14 =	vsel vm0, $0xFFFFFFFF, v14  }
0xfd: {  	v17 =	vld [tilespmem:s19+$0xFFFFFFB0];
	v47 =	vxor.u32 v4, v16;
	v21 =	vsel vm1, $0xFFFFFFFF, v48;
	[tilespmem:$0x1FFD0] =	vst v14;
	v14 =	vxor.u32 v4, v25  }
0xfe: {  	v22 =	vld [tilespmem:s19+$0xFFFFFFE0];
	vm1 =	vlt.s32 v47, $0x81000000;
	vm11 =	vlt.s32 v14, $0x81000000;
	v14 =	vxor.u32 v4, v28  }
0xff: {  	[tilespmem:v6+s9+$0x0] =	vst.idx.add.s32.msk vm2, v2;
	v20 =	vsel vm1, $0xFFFFFFFF, v50;
	vm10 =	vlt.s32 v14, $0x81000000;
	v14 =	vxor.u32 v4, v57  }
0x100: {  	[tilespmem:$0x1FF80] =	vst v20;
	vm12 =	vlt.s32 v14, $0x81000000;
	v14 =	vshrl.u32 v29, $0x10  }
0x101: {  	v6 =	vand.u32 $0xFF, v14;
	v14 =	vld [tilespmem:$0x1FF80]  }
0x102: {  	v18 =	vld [tilespmem:s19+$0xFFFFFFC0]  }
0x103: {  	v23 =	vld [tilespmem:s19+$0xFFFFFFF0];
	v24 =	vxor.u32 v4, v17  }
0x104: {  	v52 =	vimm.s32 $0x0;
	v53 =	vxor.u32 v4, v22;
	vm1 =	vlt.s32 v24, $0x81000000  }
0x105: {  	v58 =	vimm.s32 $0x0;
	v24 =	vsel vm1, $0xFFFFFFFF, v52;
	vm0 =	vlt.s32 v53, $0x81000000  }
0x106: {  	v16 =	vshrl.u32 v16, $0x10;
	[tilespmem:$0x1FFB0] =	vst v24;
	v24 =	vsel vm0, $0xFFFFFFFF, v58;
	vm2 =	vnez.u8 v14  }
0x107: {  	v49 =	vxor.u32 v4, v18;
	v16 =	vand.u32 $0xFF, v16;
	[tilespmem:$0x1FF90] =	vst v24  }
0x108: {  	v54 =	vimm.s32 $0x0;
	v55 =	vxor.u32 v4, v23;
	vm1 =	vlt.s32 v49, $0x81000000;
	v14 =	vld [tilespmem:$0x1FF90]  }
0x109: {  	v60 =	vimm.s32 $0x0;
	[tilespmem:$0x1FF70] =	vst v21;
	v21 =	vsel vm1, $0xFFFFFFFF, v54;
	vm0 =	vlt.s32 v55, $0x81000000  }
0x10a: {  	[tilespmem:$0x1FFC0] =	vst v21;
	v21 =	vsel vm0, $0xFFFFFFFF, v60  }
0x10b: {  	[tilespmem:$0x1FFA0] =	vst v21  }
0x10c: {  	[tilespmem:v16+s9+$0x0] =	vst.idx.add.s32.msk vm2, v2  }
0x10d: {  	vm2 =	vnez.u8 v14;
	v14 =	vld [tilespmem:$0x1FFA0];
	_ =	sdelay $0x2  }
0x10e: {  	v26 =	vld [tilespmem:s19+$0x10]  }
0x10f: {  	[tilespmem:v13+s9+$0x0] =	vst.idx.add.s32.msk vm9, v2  }
0x110: {  	vm9 =	vmmov vm2;
	vm2 =	vnez.u8 v14;
	v14 =	vld [tilespmem:$0x1FFB0];
	_ =	sdelay $0x2  }
0x111: {  	v59 =	vxor.u32 v4, v26  }
0x112: {  	v27 =	vld [tilespmem:s19+$0x20];
	vm0 =	vlt.s32 v59, $0x81000000  }
0x113: {  	[tilespmem:v10+s9+$0x0] =	vst.idx.add.s32.msk vm6, v2;
	v17 =	vshrl.u32 v17, $0x10;
	vm6 =	vmmov vm0;
	vm0 =	vnez.u8 v14  }
0x114: {  	v17 =	vand.u32 $0xFF, v17;
	v14 =	vld [tilespmem:$0x1FFC0]  }
0x115: {  	v30 =	vld [tilespmem:s19+$0x60]  }
0x116: {  	v31 =	vld [tilespmem:s19+$0xFFFFFF80]  }
0x117: {  	[tilespmem:v8+s9+$0x0] =	vst.idx.add.s32.msk vm4, v2  }
0x118: {  	v15 =	vshrl.u32 v15, $0x10;
	v18 =	vshrl.u32 v18, $0x10;
	v19 =	vshrl.u32 v19, $0x10;
	v8 =	vld [tilespmem:$0x1FF70]  }
0x119: {  	v22 =	vshrl.u32 v22, $0x10;
	v23 =	vshrl.u32 v23, $0x10;
	[tilespmem:v17+s9+$0x0] =	vst.idx.add.s32.msk vm0, v2;
	vm0 =	vnez.u8 v14  }
0x11a: {  	v56 =	vshrl.u32 v25, $0x10;
	v26 =	vshrl.u32 v26, $0x10;
	v18 =	vand.u32 $0xFF, v18;
	v14 =	vld [tilespmem:$0x1FFD0]  }
0x11b: {  	[tilespmem:v12+s9+$0x0] =	vst.idx.add.s32.msk vm8, v2;
	v61 =	vxor.u32 v4, v27;
	v27 =	vshrl.u32 v27, $0x10;
	v12 =	vxor.u32 v4, v29  }
0x11c: {  	[tilespmem:v11+s9+$0x0] =	vst.idx.add.s32.msk vm7, v2;
	v11 =	vxor.u32 v4, v30;
	v62 =	vshrl.u32 v30, $0x10;
	v10 =	vxor.u32 v4, v31  }
0x11d: {  	[tilespmem:v9+s9+$0x0] =	vst.idx.add.s32.msk vm5, v2;
	vm14 =	vlt.s32 v12, $0x81000000;
	v12 =	vshrl.u32 v31, $0x10;
	vm5 =	vlt.s32 v10, $0x81000000  }
0x11e: {  	v13 =	vand.u32 $0xFF, v15;
	v63 =	vand.u32 $0xFF, v12;
	vm4 =	vnez.u8 v8  }
0x11f: {  	s18 =	sadd.s32 $0x10, s18;
	v15 =	vshrl.u32 v57, $0x10;
	vm15 =	vlt.s32 v11, $0x81000000;
	[tilespmem:v18+s9+$0x0] =	vst.idx.add.s32.msk vm0, v2;
	vm0 =	vnez.u8 v14  }
0x120: {  	p2 =	slt.u32 s18, $0x1F0;
	v19 =	vand.u32 $0xFF, v19;
	v11 =	vand.u32 $0xFF, v56;
	v10 =	vand.u32 $0xFF, v26  }
.Ltmp1:
0x121: {  	[tilespmem:v5+s9+$0x0] =	vst.idx.add.s32.msk vm13, v2;
	v9 =	vand.u32 $0xFF, v27;
	v5 =	vand.u32 $0xFF, v62;
	v12 =	vand.u32 $0xFF, v23;
	(pc) =	sbr.rel @p2 .LBB2_5-.Ltmp1, $4  }
0x122: {  	[tilespmem:v7+s9+$0x0] =	vst.idx.add.s32.msk vm3, v2;
	v7 =	vand.u32 $0xFF, v15;
	vm1 =	vlt.s32 v61, $0x81000000;
	v28 =	vshrl.u32 v28, $0x10  }
0x123: {  	vm13 =	vmmov vm15;
	[tilespmem:v63+s9+$0x0] =	vst.idx.add.s32.msk vm5, v2;
	vm5 =	vmmov vm1;
	v8 =	vand.u32 $0xFF, v28  }
0x124: {  	vm7 =	vmmov vm11;
	vm3 =	vmmov vm12;
	[tilespmem:v13+s9+$0x0] =	vst.idx.add.s32.msk vm4, v2;
	v13 =	vand.u32 $0xFF, v22  }
0x125: {  	s19 =	sadd.s32 $0x100, s19;
	vm4 =	vmmov vm10;
	vm8 =	vmmov vm2;
	vm2 =	vmmov vm14;
	[tilespmem:v19+s9+$0x0] =	vst.idx.add.s32.msk vm0, v2  }
0x126: {  	_ =	sdelay $0x4  }
0x127: {  	[tilespmem:v13+s9+$0x0] =	vst.idx.add.s32.msk vm9, v2  }
0x128: {  	[tilespmem:v12+s9+$0x0] =	vst.idx.add.s32.msk vm8, v2  }
0x129: {  	[tilespmem:v11+s9+$0x0] =	vst.idx.add.s32.msk vm7, v2  }
0x12a: {  	[tilespmem:v10+s9+$0x0] =	vst.idx.add.s32.msk vm6, v2  }
0x12b: {  	[tilespmem:v9+s9+$0x0] =	vst.idx.add.s32.msk vm5, v2  }
0x12c: {  	[tilespmem:v8+s9+$0x0] =	vst.idx.add.s32.msk vm4, v2  }
0x12d: {  	[tilespmem:v7+s9+$0x0] =	vst.idx.add.s32.msk vm3, v2  }
0x12e: {  	[tilespmem:v6+s9+$0x0] =	vst.idx.add.s32.msk vm2, v2  }
0x12f: {  	[tilespmem:v5+s9+$0x0] =	vst.idx.add.s32.msk vm13, v2  }
0x130: {  	v6 =	vld [tilespmem:$0x1FFE0];
	_ =	sdelay $0x3  }
0x131: {  	v4 =	vld [tilespmem:$0x4000]  }
0x132: {  	v3 =	vxor.u32 $0x80000000, v3;
	v5 =	vld [tilespmem:$0x4010];
	vm0 =	vnez.u8 v6  }
0x133: {  	v6 =	vnsel vm0, $0x80000000, v3  }
0x134: {  	v7 =	vld [tilespmem:$0x4020];
	v3 =	vsel vm0, $0xC0000000, v3;
	(xrf0) =	vmax.scan.msk.u32 $0xffff, v6  }
0x135: {  	v6 =	vld [tilespmem:$0x4030];
	(xrf0) =	vmin.scan.msk.u32 $0xffff, v3  }
0x136: {  	v3 =	vld [tilespmem:$0x4040];
	(xrf0) =	vadd.scan.msk.s32 $0xffff, v4  }
0x137: {  	(xrf0) =	vadd.scan.msk.s32 $0xffff, v5  }
0x138: {  	v4 =	vld [tilespmem:$0x4050]  }
0x139: {  	v5 =	vld [tilespmem:$0x4060];
	(xrf0) =	vadd.scan.msk.s32 $0xffff, v7  }
0x13a: {  	v7 =	vld [tilespmem:$0x4070];
	(xrf0) =	vadd.scan.msk.s32 $0xffff, v6;
	v8, _, _ =	vpop (xrf0)  }
0x13b: {  	v6 =	vld [tilespmem:$0x4080];
	(xrf0) =	vadd.scan.msk.s32 $0xffff, v3;
	(v2sf) =	vpush v8, $0xF;
	v8, _, _ =	vpop (xrf0)  }
0x13c: {  	v3 =	vld [tilespmem:$0x4090];
	(v2sf) =	vpush v8, $0xF;
	v8, _, _ =	vpop (xrf0)  }
0x13d: {  	(xrf0) =	vadd.scan.msk.s32 $0xffff, v4;
	v4 =	vld [tilespmem:$0x40A0];
	(v2sf) =	vpush v8, $0xF;
	v8, _, _ =	vpop (xrf0)  }
0x13e: {  	(xrf0) =	vadd.scan.msk.s32 $0xffff, v5;
	v5 =	vld [tilespmem:$0x40B0];
	(v2sf) =	vpush v8, $0xF  }
0x13f: {  	(xrf0) =	vadd.scan.msk.s32 $0xffff, v7;
	v7, _, _ =	vpop (xrf0)  }
0x140: {  	(xrf0) =	vadd.scan.msk.s32 $0xffff, v6;
	v6 =	vld [tilespmem:$0x40C0];
	(v2sf) =	vpush v7, $0xF;
	v7, _, _ =	vpop (xrf0)  }
0x141: {  	(xrf0) =	vadd.scan.msk.s32 $0xffff, v3;
	(v2sf) =	vpush v7, $0xF;
	v3, _, _ =	vpop (xrf0)  }
0x142: {  	(xrf0) =	vadd.scan.msk.s32 $0xffff, v4;
	v4 =	vld [tilespmem:$0x40D0];
	(v2sf) =	vpush v3, $0xF  }
0x143: {  	v3, _, _ =	vpop (xrf0);
	(xrf0) =	vadd.scan.msk.s32 $0xffff, v5;
	v5 =	vld [tilespmem:$0x40E0]  }
0x144: {  	v7, _, _ =	vpop (xrf0);
	(v2sf) =	vpush v3, $0xF  }
0x145: {  	(v2sf) =	vpush v7, $0xF;
	v3, _, _ =	vpop (xrf0);
	(xrf0) =	vadd.scan.msk.s32 $0xffff, v6  }
0x146: {  	v6, _, _ =	vpop (xrf0);
	(v2sf) =	vpush v3, $0xF  }
0x147: {  	(v2sf) =	vpush v6, $0xF;
	v3, _, _ =	vpop (xrf0);
	(xrf0) =	vadd.scan.msk.s32 $0xffff, v4  }
0x148: {  	(v2sf) =	vpush v3, $0xF;
	v3, _, _ =	vpop (xrf0);
	(xrf0) =	vadd.scan.msk.s32 $0xffff, v5;
	_ =	sdelay $0x1  }
0x149: {  	v4, _, _ =	vpop (xrf0);
	(v2sf) =	vpush v3, $0xF;
	s0 =	spop (v2sf)  }
0x14a: {  	(v2sf) =	vpush v4, $0xF;
	v3, _, _ =	vpop (xrf0);
	s1 =	spop (v2sf)  }
0x14b: {  	(v2sf) =	vpush v3, $0xF;
	s0 =	sxor.u32 $0x80000000, s0;
	s18 =	spop (v2sf)  }
0x14c: {  	v3, _, _ =	vpop (xrf0);
	p0 =	sgt.s32 s0, s17;
	s2 =	spop (v2sf)  }
0x14d: {  	(v2sf) =	vpush v3, $0xF;
	v3, _, _ =	vpop (xrf0);
	s17 =	smov.u32 @p0 s0;
	s0 =	sadd.s32 $0x7FFFF000, s1;
	s1 =	simm.s32 $0x1  }
0x14e: {  	(v2sf) =	vpush v3, $0xF;
	s19 =	spop (v2sf);
	s2 =	sadd.s32 s18, s2;
	s17 =	ssub.s32 $0xFFF, s17  }
0x14f: {  	s20 =	spop (v2sf);
	s29 =	sadd.s32 s19, s2;
	s17 =	smov.u32 @p1 s0  }
0x150: {  	p1 =	sgt.s32 s18, $0x0;
	s0 =	simm.s32 $0x1;
	s21 =	spop (v2sf)  }
0x151: {  	s30 =	sadd.s32 s20, s29;
	p0 =	sle.s32 s18, s17;
	s18 =	simm.s32 @!p1 $0x0  }
0x152: {  	p1 =	sle.s32 s2, s17;
	s22 =	spop (v2sf);
	s31 =	sadd.s32 s21, s30  }
0x153: {  	s18 =	simm.s32 @!p0 $0x0;
	s1 =	simm.s32 @!p0 $0x0;
	p0 =	sle.s32 s29, s17  }
0x154: {  	s23 =	spop (v2sf);
	s28 =	sadd.s32 s22, s31;
	p2 =	sgt.s32 s18, s2  }
0x155: {  	s0 =	simm.s32 @!p0 $0x0;
	s24 =	spop (v2sf);
	s26 =	sadd.s32 s23, s28  }
0x156: {  	s2 =	smov.u32 @p2 s18;
	s6 =	spop (v2sf);
	s24 =	sadd.s32 s24, s26  }
0x157: {  	s18 =	smov.u32 @p1 s2;
	s21 =	spop (v2sf);
	s22 =	sadd.s32 s6, s24  }
0x158: {  	s2 =	simm.s32 $0x1;
	s25 =	spop (v2sf);
	s23 =	sadd.s32 s21, s22  }
0x159: {  	p2 =	sle.s32 s22, s17;
	s5 =	spop (v2sf);
	s19 =	sadd.s32 s25, s23  }
0x15a: {  	p3 =	sle.s32 s23, s17;
	s20 =	sadd.s32 s5, s19;
	s6 =	spop (v2sf)  }
0x15b: {  	p4 =	sle.s32 s20, s17;
	s21 =	sadd.s32 s6, s20;
	s6 =	simm.s32 $0x1  }
0x15c: {  	s25 =	spop (v2sf);
	s6 =	simm.s32 @!p1 $0x0;
	p1 =	sgt.s32 s18, s29  }
0x15d: {  	p5 =	sle.s32 s21, s17;
	s5 =	spop (v2sf);
	s29 =	smov.u32 @p1 s18  }
0x15e: {  	s25 =	sadd.s32 s25, s21;
	s1 =	sadd.s32 s1, s6;
	s18 =	smov.u32 @p0 s29  }
0x15f: {  	p0 =	sle.s32 s30, s17;
	s0 =	sadd.s32 s0, s1;
	p1 =	sgt.s32 s18, s30  }
0x160: {  	s1 =	simm.s32 $0x1;
	s2 =	simm.s32 @!p0 $0x0;
	s30 =	smov.u32 @p1 s18  }
0x161: {  	s0 =	sadd.s32 s2, s0;
	p1 =	sle.s32 s31, s17;
	s18 =	smov.u32 @p0 s30  }
0x162: {  	s31 =	simm.s32 @!p1 $0x0;
	s1 =	simm.s32 @!p1 $0x0;
	p1 =	sle.s32 s28, s17  }
0x163: {  	s2 =	simm.s32 $0x1;
	p0 =	sgt.s32 s18, s31;
	s28 =	simm.s32 @!p1 $0x0  }
0x164: {  	s0 =	sadd.s32 s1, s0;
	s2 =	simm.s32 @!p1 $0x0;
	s31 =	smov.u32 @p0 s18  }
0x165: {  	s1 =	simm.s32 $0x1;
	p1 =	sle.s32 s19, s17;
	p0 =	sgt.s32 s31, s28  }
0x166: {  	s0 =	sadd.s32 s2, s0;
	s28 =	smov.u32 @p0 s31;
	p0 =	sle.s32 s26, s17  }
0x167: {  	s18 =	sadd.s32 s5, s25;
	s1 =	simm.s32 @!p0 $0x0;
	s26 =	simm.s32 @!p0 $0x0  }
0x168: {  	s2 =	simm.s32 $0x1;
	s0 =	sadd.s32 s1, s0;
	p0 =	sgt.s32 s28, s26  }
0x169: {  	s1 =	simm.s32 $0x1;
	s26 =	smov.u32 @p0 s28;
	p0 =	sle.s32 s24, s17  }
0x16a: {  	s2 =	simm.s32 @!p2 $0x0;
	p6 =	sle.s32 s18, s17;
	s1 =	simm.s32 @!p0 $0x0  }
0x16b: {  	s24 =	simm.s32 @!p0 $0x0;
	s0 =	sadd.s32 s1, s0;
	s1 =	simm.s32 $0x1  }
0x16c: {  	p0 =	sgt.s32 s26, s24;
	s0 =	sadd.s32 s2, s0;
	s1 =	simm.s32 @!p3 $0x0  }
0x16d: {  	s2 =	simm.s32 $0x1;
	s24 =	smov.u32 @p0 s26;
	p0 =	sle.s32 s25, s17  }
0x16e: {  	s0 =	sadd.s32 s1, s0;
	s2 =	simm.s32 @!p1 $0x0;
	s1 =	simm.s32 $0x1  }
0x16f: {  	s0 =	sadd.s32 s2, s0;
	s1 =	simm.s32 @!p4 $0x0;
	s2 =	simm.s32 $0x1  }
0x170: {  	s0 =	sadd.s32 s1, s0;
	s2 =	simm.s32 @!p5 $0x0;
	s1 =	simm.s32 $0x1  }
0x171: {  	s0 =	sadd.s32 s2, s0;
	s1 =	simm.s32 @!p0 $0x0;
	s2 =	simm.s32 $0x1  }
0x172: {  	s22 =	simm.s32 @!p2 $0x0;
	s0 =	sadd.s32 s1, s0;
	s2 =	simm.s32 @!p6 $0x0  }
0x173: {  	p2 =	sgt.s32 s24, s22;
	s0 =	sadd.s32 s2, s0  }
0x174: {  	s23 =	simm.s32 @!p3 $0x0;
	s22 =	smov.u32 @p2 s24;
	s0 =	sshll.u32 s0, $0x4  }
0x175: {  	p2 =	sgt.s32 s22, s23;
	v3 =	vld [tilespmem:s0+$0x4000]  }
0x176: {  	s19 =	simm.s32 @!p1 $0x0;
	s23 =	smov.u32 @p2 s22  }
0x177: {  	p1 =	sgt.s32 s23, s19  }
0x178: {  	s20 =	simm.s32 @!p4 $0x0;
	s19 =	smov.u32 @p1 s23  }
0x179: {  	p1 =	sgt.s32 s19, s20  }
0x17a: {  	s21 =	simm.s32 @!p5 $0x0;
	s20 =	smov.u32 @p1 s19;
	(xrf0) =	vadd.scan.msk.s32 $0xffff, v3  }
0x17b: {  	p1 =	sgt.s32 s20, s21  }
0x17c: {  	s25 =	simm.s32 @!p0 $0x0;
	s21 =	smov.u32 @p1 s20  }
0x17d: {  	p0 =	sgt.s32 s21, s25  }
0x17e: {  	s18 =	simm.s32 @!p6 $0x0;
	s25 =	smov.u32 @p0 s21  }
0x17f: {  	p0 =	sgt.s32 s25, s18  }
0x180: {  	s18 =	smov.u32 @p0 s25;
	v3, _, _ =	vpop (xrf0)  }
0x181: {  	v3 =	vadd.s32 s18, v3  }
0x182: {  	vm0 =	vle.s32 v3, s17  }
0x183: {  	v4 =	vsel vm0, $0x1, v0  }
0x184: {  	(xrf0) =	vadd.scan.msk.s32 $0xffff, v4;
	_ =	sdelay $0x4  }
0x185: {  	[tilespmem:$0x4000] =	vst v0  }
0x186: {  	[tilespmem:$0x4010] =	vst v0;
	v4, _, _ =	vpop (xrf0)  }
0x187: {  	[tilespmem:$0x4020] =	vst v0;
	(v2sf) =	vpush v4, $0xF  }
0x188: {  	[tilespmem:$0x4030] =	vst v0  }
0x189: {  	[tilespmem:$0x4040] =	vst v0  }
0x18a: {  	[tilespmem:$0x4050] =	vst v0  }
0x18b: {  	[tilespmem:$0x4060] =	vst v0  }
0x18c: {  	[tilespmem:$0x4070] =	vst v0  }
0x18d: {  	[tilespmem:$0x4080] =	vst v0  }
0x18e: {  	[tilespmem:$0x4090] =	vst v0  }
0x18f: {  	[tilespmem:$0x40A0] =	vst v0  }
0x190: {  	[tilespmem:$0x40B0] =	vst v0  }
0x191: {  	[tilespmem:$0x40C0] =	vst v0  }
0x192: {  	[tilespmem:$0x40D0] =	vst v0  }
0x193: {  	[tilespmem:$0x40E0] =	vst v0  }
0x194: {  	[tilespmem:$0x40F0] =	vst v0  }
0x195: {  	v6 =	vld [tilespmem:s15+$0x70]  }
0x196: {  	v7 =	vld [tilespmem:s15+$0xFFFFFF90];
	s31 =	spop (v2sf)  }
0x197: {  	v8 =	vld [tilespmem:s15+$0xFFFFFFA0];
	s0 =	sadd.s32 s0, s31  }
0x198: {  	v9 =	vld [tilespmem:s15+$0xFFFFFFB0];
	s0 =	sshll.u32 s0, $0x10  }
0x199: {  	v11 =	vld [tilespmem:s15+$0xFFFFFFD0];
	s16 =	sor.u32 s16, s0  }
0x19a: {  	v10 =	vld [tilespmem:s15+$0xFFFFFFC0];
	s0 =	sxor.u32 $0x80000000, s16  }
0x19b: {  	v14 =	vld [tilespmem:s15+$0xFFFFFFE0];
	v5 =	vmov s0  }
0x19c: {  	v15 =	vld [tilespmem:s15+$0xFFFFFFF0];
	v12 =	vxor.u32 v5, v6  }
0x19d: {  	v17 =	vld [tilespmem:s15+$0x0];
	vm2 =	vlt.s32 v12, $0x80010000;
	v12 =	vxor.u32 v5, v8  }
0x19e: {  	v18 =	vld [tilespmem:s15+$0x10];
	vm3 =	vlt.s32 v12, $0x80010000;
	v12 =	vxor.u32 v5, v11  }
0x19f: {  	v19 =	vld [tilespmem:s15+$0x20];
	vm0 =	vlt.s32 v12, $0x80010000;
	v12 =	vimm.s32 $0x0  }
0x1a0: {  	v20 =	vld [tilespmem:s15+$0x30];
	v12 =	vsel vm0, $0xFFFFFFFF, v12  }
0x1a1: {  	v21 =	vld [tilespmem:s15+$0x40];
	v13 =	vxor.u32 v5, v7;
	v6 =	vshrl.u32 v6, $0x8;
	[tilespmem:$0x1FF60] =	vst v12  }
0x1a2: {  	v7 =	vshrl.u32 v7, $0x8;
	v16 =	vxor.u32 v5, v9;
	v9 =	vshrl.u32 v9, $0x8;
	v23 =	vld [tilespmem:s15+$0xFFFFFF80]  }
0x1a3: {  	v6 =	vand.u32 $0xFF, v6;
	v8 =	vshrl.u32 v8, $0x8;
	vm4 =	vlt.s32 v13, $0x80010000  }
0x1a4: {  	v13 =	vxor.u32 v5, v10;
	v10 =	vshrl.u32 v10, $0x8;
	vm9 =	vlt.s32 v16, $0x80010000  }
0x1a5: {  	v7 =	vand.u32 $0xFF, v7;
	vm1 =	vlt.s32 v13, $0x80010000;
	v13 =	vxor.u32 v5, v15  }
0x1a6: {  	v24 =	vand.u32 $0xFF, v9;
	vm6 =	vlt.s32 v13, $0x80010000;
	v13 =	vxor.u32 v5, v19  }
0x1a7: {  	v8 =	vand.u32 $0xFF, v8;
	vm12 =	vlt.s32 v13, $0x80010000;
	v22 =	vld [tilespmem:s15+$0x50];
	v13 =	vxor.u32 v5, v23  }
0x1a8: {  	v25 =	vand.u32 $0xFF, v10;
	v63 =	vld [tilespmem:s15+$0x60];
	v23 =	vshrl.u32 v23, $0x8;
	vm7 =	vlt.s32 v13, $0x80010000  }
0x1a9: {  	[tilespmem:v6+s9+$0x0] =	vst.idx.add.s32.msk vm2, v2;
	v23 =	vand.u32 $0xFF, v23  }
0x1aa: {  	[tilespmem:v7+s9+$0x0] =	vst.idx.add.s32.msk vm4, v2  }
0x1ab: {  	[tilespmem:v24+s9+$0x0] =	vst.idx.add.s32.msk vm9, v2  }
0x1ac: {  	v4 =	vmov s17;
	v61 =	vxor.u32 v5, v14;
	v14 =	vshrl.u32 v14, $0x8;
	[tilespmem:v8+s9+$0x0] =	vst.idx.add.s32.msk vm3, v2  }
0x1ad: {  	v62 =	vxor.u32 v5, v18;
	v18 =	vshrl.u32 v18, $0x8;
	vm5 =	vlt.s32 v61, $0x80010000;
	[tilespmem:v25+s9+$0x0] =	vst.idx.add.s32.msk vm1, v2  }
0x1ae: {  	vm11 =	vlt.s32 v62, $0x80010000;
	v15 =	vshrl.u32 v15, $0x8;
	v12 =	vxor.u32 v5, v17;
	[tilespmem:v23+s9+$0x0] =	vst.idx.add.s32.msk vm7, v2  }
0x1af: {  	vm10 =	vlt.s32 v12, $0x80010000;
	v12 =	vxor.u32 v5, v20;
	v13 =	vand.u32 $0xFF, v15;
	v15 =	vld [tilespmem:$0x1FF60]  }
0x1b0: {  	v14 =	vand.u32 $0xFF, v14;
	vm13 =	vlt.s32 v12, $0x80010000;
	v12 =	vxor.u32 v5, v21  }
0x1b1: {  	v11 =	vshrl.u32 v11, $0x8;
	vm14 =	vlt.s32 v12, $0x80010000;
	v12 =	vxor.u32 v5, v22  }
0x1b2: {  	vm8 =	vmmov vm5;
	vm15 =	vlt.s32 v12, $0x80010000;
	v12 =	vxor.u32 v5, v63  }
0x1b3: {  	vm5 =	vmmov vm11;
	v19 =	vshrl.u32 v19, $0x8;
	vm0 =	vlt.s32 v12, $0x80010000  }
0x1b4: {  	vm1 =	vmmov vm15;
	vm15 =	vmmov vm0;
	vm0 =	vnez.u8 v15  }
0x1b5: {  	v26 =	vand.u32 $0xFF, v11;
	v11 =	vand.u32 $0xFF, v18;
	v10 =	vand.u32 $0xFF, v19  }
0x1b6: {  	v17 =	vshrl.u32 v17, $0x8;
	v20 =	vshrl.u32 v20, $0x8;
	v21 =	vshrl.u32 v21, $0x8  }
0x1b7: {  	v9 =	vand.u32 $0xFF, v20;
	vm4 =	vmmov vm12;
	v8 =	vand.u32 $0xFF, v21  }
0x1b8: {  	vm3 =	vmmov vm13;
	v22 =	vshrl.u32 v22, $0x8;
	v16 =	vshrl.u32 v63, $0x8  }
0x1b9: {  	vm2 =	vmmov vm14;
	v7 =	vand.u32 $0xFF, v22;
	v6 =	vand.u32 $0xFF, v16  }
0x1ba: {  	s19 =	simm.s32 $0x0;
	s20 =	sadd.s32 $0x100, s15;
	v12 =	vand.u32 $0xFF, v17;
	vm7 =	vmmov vm6;
	vm6 =	vmmov vm10;
	[tilespmem:v26+s9+$0x0] =	vst.idx.add.s32.msk vm0, v2  }
.LBB2_7:
0x1bb: {  	v15 =	vld [tilespmem:s20+$0x70];
	_ =	sdelay $0x4  }
0x1bc: {  	v16 =	vld [tilespmem:s20+$0xFFFFFF90];
	v21 =	vxor.u32 v5, v15  }
0x1bd: {  	v20 =	vld [tilespmem:s20+$0xFFFFFFD0];
	v15 =	vshrl.u32 v15, $0x8;
	vm0 =	vlt.s32 v21, $0x80010000  }
0x1be: {  	v17 =	vld [tilespmem:s20+$0xFFFFFFA0];
	v15 =	vand.u32 $0xFF, v15  }
0x1bf: {  	v26 =	vld [tilespmem:s20+$0x0]  }
0x1c0: {  	v29 =	vld [tilespmem:s20+$0x30]  }
0x1c1: {  	v56 =	vld [tilespmem:s20+$0x40]  }
0x1c2: {  	v47 =	vimm.s32 $0x0;
	v30 =	vld [tilespmem:s20+$0x50];
	v50 =	vxor.u32 v5, v20  }
0x1c3: {  	v22 =	vxor.u32 v5, v16;
	[tilespmem:v15+s9+$0x0] =	vst.idx.add.s32.msk vm0, v2;
	vm0 =	vlt.s32 v50, $0x80010000;
	v15 =	vimm.s32 $0x0  }
0x1c4: {  	v49 =	vimm.s32 $0x0;
	vm9 =	vlt.s32 v22, $0x80010000;
	v15 =	vsel vm0, $0xFFFFFFFF, v15  }
0x1c5: {  	v18 =	vld [tilespmem:s20+$0xFFFFFFB0];
	v46 =	vxor.u32 v5, v17;
	v22 =	vsel vm9, $0xFFFFFFFF, v47;
	[tilespmem:$0x1FF50] =	vst v15;
	v15 =	vxor.u32 v5, v26  }
0x1c6: {  	v23 =	vld [tilespmem:s20+$0xFFFFFFE0];
	vm9 =	vlt.s32 v46, $0x80010000;
	vm11 =	vlt.s32 v15, $0x80010000;
	v15 =	vxor.u32 v5, v29  }
0x1c7: {  	[tilespmem:v7+s9+$0x0] =	vst.idx.add.s32.msk vm1, v2;
	v21 =	vsel vm9, $0xFFFFFFFF, v49;
	vm10 =	vlt.s32 v15, $0x80010000;
	v15 =	vxor.u32 v5, v56  }
0x1c8: {  	[tilespmem:$0x1FF00] =	vst v21;
	vm12 =	vlt.s32 v15, $0x80010000;
	v15 =	vshrl.u32 v30, $0x8  }
0x1c9: {  	v7 =	vand.u32 $0xFF, v15;
	v15 =	vld [tilespmem:$0x1FF00]  }
0x1ca: {  	v19 =	vld [tilespmem:s20+$0xFFFFFFC0]  }
0x1cb: {  	v24 =	vld [tilespmem:s20+$0xFFFFFFF0];
	v25 =	vxor.u32 v5, v18  }
0x1cc: {  	v51 =	vimm.s32 $0x0;
	v52 =	vxor.u32 v5, v23;
	vm9 =	vlt.s32 v25, $0x80010000  }
0x1cd: {  	v57 =	vimm.s32 $0x0;
	v25 =	vsel vm9, $0xFFFFFFFF, v51;
	vm0 =	vlt.s32 v52, $0x80010000  }
0x1ce: {  	v17 =	vshrl.u32 v17, $0x8;
	[tilespmem:$0x1FF30] =	vst v25;
	v25 =	vsel vm0, $0xFFFFFFFF, v57;
	vm1 =	vnez.u8 v15  }
0x1cf: {  	v48 =	vxor.u32 v5, v19;
	v17 =	vand.u32 $0xFF, v17;
	[tilespmem:$0x1FF10] =	vst v25  }
0x1d0: {  	v53 =	vimm.s32 $0x0;
	v54 =	vxor.u32 v5, v24;
	vm9 =	vlt.s32 v48, $0x80010000;
	v15 =	vld [tilespmem:$0x1FF10]  }
0x1d1: {  	v59 =	vimm.s32 $0x0;
	[tilespmem:$0x1FEF0] =	vst v22;
	v22 =	vsel vm9, $0xFFFFFFFF, v53;
	vm0 =	vlt.s32 v54, $0x80010000  }
0x1d2: {  	[tilespmem:$0x1FF40] =	vst v22;
	v22 =	vsel vm0, $0xFFFFFFFF, v59  }
0x1d3: {  	[tilespmem:$0x1FF20] =	vst v22  }
0x1d4: {  	[tilespmem:v17+s9+$0x0] =	vst.idx.add.s32.msk vm1, v2  }
0x1d5: {  	vm1 =	vnez.u8 v15;
	v15 =	vld [tilespmem:$0x1FF20];
	_ =	sdelay $0x2  }
0x1d6: {  	v27 =	vld [tilespmem:s20+$0x10]  }
0x1d7: {  	[tilespmem:v14+s9+$0x0] =	vst.idx.add.s32.msk vm8, v2  }
0x1d8: {  	vm8 =	vmmov vm1;
	vm1 =	vnez.u8 v15;
	v15 =	vld [tilespmem:$0x1FF30];
	_ =	sdelay $0x2  }
0x1d9: {  	v28 =	vld [tilespmem:s20+$0x20];
	v58 =	vxor.u32 v5, v27  }
0x1da: {  	v31 =	vld [tilespmem:s20+$0x60];
	vm0 =	vlt.s32 v58, $0x80010000  }
0x1db: {  	[tilespmem:v11+s9+$0x0] =	vst.idx.add.s32.msk vm5, v2;
	v18 =	vshrl.u32 v18, $0x8;
	vm5 =	vmmov vm0;
	vm0 =	vnez.u8 v15  }
0x1dc: {  	v18 =	vand.u32 $0xFF, v18;
	v15 =	vld [tilespmem:$0x1FF40]  }
0x1dd: {  	v32 =	vld [tilespmem:s20+$0xFFFFFF80]  }
0x1de: {  	[tilespmem:v13+s9+$0x0] =	vst.idx.add.s32.msk vm7, v2  }
0x1df: {  	[tilespmem:v9+s9+$0x0] =	vst.idx.add.s32.msk vm3, v2  }
0x1e0: {  	v16 =	vshrl.u32 v16, $0x8;
	v19 =	vshrl.u32 v19, $0x8;
	v20 =	vshrl.u32 v20, $0x8;
	v9 =	vld [tilespmem:$0x1FEF0]  }
0x1e1: {  	v23 =	vshrl.u32 v23, $0x8;
	v24 =	vshrl.u32 v24, $0x8;
	[tilespmem:v18+s9+$0x0] =	vst.idx.add.s32.msk vm0, v2;
	vm0 =	vnez.u8 v15  }
0x1e2: {  	v55 =	vshrl.u32 v26, $0x8;
	v27 =	vshrl.u32 v27, $0x8;
	v19 =	vand.u32 $0xFF, v19;
	v15 =	vld [tilespmem:$0x1FF50]  }
0x1e3: {  	[tilespmem:v12+s9+$0x0] =	vst.idx.add.s32.msk vm6, v2;
	v60 =	vxor.u32 v5, v28;
	v28 =	vshrl.u32 v28, $0x8;
	v61 =	vshrl.u32 v56, $0x8  }
0x1e4: {  	v13 =	vxor.u32 v5, v30;
	v12 =	vxor.u32 v5, v31;
	v11 =	vxor.u32 v5, v32  }
0x1e5: {  	[tilespmem:v10+s9+$0x0] =	vst.idx.add.s32.msk vm4, v2;
	vm13 =	vlt.s32 v13, $0x80010000;
	v13 =	vshrl.u32 v32, $0x8;
	vm4 =	vlt.s32 v11, $0x80010000  }
0x1e6: {  	v62 =	vshrl.u32 v31, $0x8;
	v63 =	vand.u32 $0xFF, v13;
	vm3 =	vnez.u8 v9  }
0x1e7: {  	s19 =	sadd.s32 $0x10, s19;
	v14 =	vand.u32 $0xFF, v16;
	vm14 =	vlt.s32 v12, $0x80010000;
	[tilespmem:v19+s9+$0x0] =	vst.idx.add.s32.msk vm0, v2;
	vm0 =	vnez.u8 v15  }
0x1e8: {  	[tilespmem:v8+s9+$0x0] =	vst.idx.add.s32.msk vm2, v2;
	p1 =	slt.u32 s19, $0x1F0;
	v20 =	vand.u32 $0xFF, v20;
	v12 =	vand.u32 $0xFF, v55;
	v11 =	vand.u32 $0xFF, v27  }
.Ltmp2:
0x1e9: {  	[tilespmem:v6+s9+$0x0] =	vst.idx.add.s32.msk vm15, v2;
	v10 =	vand.u32 $0xFF, v28;
	v8 =	vand.u32 $0xFF, v61;
	v6 =	vand.u32 $0xFF, v62;
	(pc) =	sbr.rel @p1 .LBB2_7-.Ltmp2, $4  }
0x1ea: {  	v13 =	vand.u32 $0xFF, v24;
	vm9 =	vlt.s32 v60, $0x80010000;
	v29 =	vshrl.u32 v29, $0x8  }
0x1eb: {  	vm15 =	vmmov vm14;
	[tilespmem:v63+s9+$0x0] =	vst.idx.add.s32.msk vm4, v2;
	vm4 =	vmmov vm9;
	v9 =	vand.u32 $0xFF, v29  }
0x1ec: {  	vm6 =	vmmov vm11;
	vm2 =	vmmov vm12;
	[tilespmem:v14+s9+$0x0] =	vst.idx.add.s32.msk vm3, v2;
	v14 =	vand.u32 $0xFF, v23  }
0x1ed: {  	s20 =	sadd.s32 $0x100, s20;
	vm3 =	vmmov vm10;
	vm7 =	vmmov vm1;
	vm1 =	vmmov vm13;
	[tilespmem:v20+s9+$0x0] =	vst.idx.add.s32.msk vm0, v2  }
0x1ee: {  	_ =	sdelay $0x4  }
0x1ef: {  	[tilespmem:v14+s9+$0x0] =	vst.idx.add.s32.msk vm8, v2  }
0x1f0: {  	[tilespmem:v13+s9+$0x0] =	vst.idx.add.s32.msk vm7, v2  }
0x1f1: {  	[tilespmem:v12+s9+$0x0] =	vst.idx.add.s32.msk vm6, v2  }
0x1f2: {  	[tilespmem:v11+s9+$0x0] =	vst.idx.add.s32.msk vm5, v2  }
0x1f3: {  	[tilespmem:v10+s9+$0x0] =	vst.idx.add.s32.msk vm4, v2  }
0x1f4: {  	[tilespmem:v9+s9+$0x0] =	vst.idx.add.s32.msk vm3, v2  }
0x1f5: {  	[tilespmem:v8+s9+$0x0] =	vst.idx.add.s32.msk vm2, v2  }
0x1f6: {  	[tilespmem:v7+s9+$0x0] =	vst.idx.add.s32.msk vm1, v2  }
0x1f7: {  	[tilespmem:v6+s9+$0x0] =	vst.idx.add.s32.msk vm15, v2;
	vm0 =	vle.s32 v3, v4;
	v3 =	vxor.u32 $0x80000000, v3  }
0x1f8: {  	v5 =	vld [tilespmem:$0x4000];
	v3 =	vnsel vm0, $0x80000000, v3  }
0x1f9: {  	v6 =	vld [tilespmem:$0x4010];
	(xrf0) =	vmax.scan.msk.u32 $0xffff, v3  }
0x1fa: {  	v4 =	vld [tilespmem:$0x4020]  }
0x1fb: {  	v7 =	vld [tilespmem:$0x4030]  }
0x1fc: {  	v3 =	vld [tilespmem:$0x4040]  }
0x1fd: {  	(xrf0) =	vadd.scan.msk.s32 $0xffff, v5;
	v5 =	vld [tilespmem:$0x4050]  }
0x1fe: {  	(xrf0) =	vadd.scan.msk.s32 $0xffff, v6;
	v6 =	vld [tilespmem:$0x4060]  }
0x1ff: {  	(xrf0) =	vadd.scan.msk.s32 $0xffff, v4;
	v4 =	vld [tilespmem:$0x4070];
	v8, _, _ =	vpop (xrf0)  }
0x200: {  	(xrf0) =	vadd.scan.msk.s32 $0xffff, v7;
	v7 =	vld [tilespmem:$0x4080];
	(v2sf) =	vpush v8, $0xF  }
0x201: {  	(xrf0) =	vadd.scan.msk.s32 $0xffff, v3;
	v3 =	vld [tilespmem:$0x4090]  }
0x202: {  	(xrf0) =	vadd.scan.msk.s32 $0xffff, v5;
	v5 =	vld [tilespmem:$0x40A0]  }
0x203: {  	v8, _, _ =	vpop (xrf0);
	(xrf0) =	vadd.scan.msk.s32 $0xffff, v6;
	v6 =	vld [tilespmem:$0x40B0]  }
0x204: {  	(v2sf) =	vpush v8, $0xF;
	v8, _, _ =	vpop (xrf0);
	(xrf0) =	vadd.scan.msk.s32 $0xffff, v4;
	v4 =	vld [tilespmem:$0x40C0]  }
0x205: {  	(v2sf) =	vpush v8, $0xF;
	v8, _, _ =	vpop (xrf0);
	(xrf0) =	vadd.scan.msk.s32 $0xffff, v7  }
0x206: {  	(v2sf) =	vpush v8, $0xF;
	v7, _, _ =	vpop (xrf0);
	(xrf0) =	vadd.scan.msk.s32 $0xffff, v3;
	v3 =	vld [tilespmem:$0x40D0]  }
0x207: {  	(v2sf) =	vpush v7, $0xF;
	v7, _, _ =	vpop (xrf0);
	(xrf0) =	vadd.scan.msk.s32 $0xffff, v5  }
0x208: {  	v5 =	vld [tilespmem:$0x40E0];
	(v2sf) =	vpush v7, $0xF;
	v7, _, _ =	vpop (xrf0);
	(xrf0) =	vadd.scan.msk.s32 $0xffff, v6  }
0x209: {  	(v2sf) =	vpush v7, $0xF;
	v6, _, _ =	vpop (xrf0);
	(xrf0) =	vadd.scan.msk.s32 $0xffff, v4  }
0x20a: {  	v4, _, _ =	vpop (xrf0);
	(v2sf) =	vpush v6, $0xF  }
0x20b: {  	(v2sf) =	vpush v4, $0xF;
	v4, _, _ =	vpop (xrf0);
	(xrf0) =	vadd.scan.msk.s32 $0xffff, v3  }
0x20c: {  	(v2sf) =	vpush v4, $0xF;
	v3, _, _ =	vpop (xrf0)  }
0x20d: {  	(xrf0) =	vadd.scan.msk.s32 $0xffff, v5;
	v4, _, _ =	vpop (xrf0);
	(v2sf) =	vpush v3, $0xF  }
0x20e: {  	v3, _, _ =	vpop (xrf0);
	(v2sf) =	vpush v4, $0xF  }
0x20f: {  	v4, _, _ =	vpop (xrf0);
	(v2sf) =	vpush v3, $0xF;
	s0 =	spop (v2sf)  }
0x210: {  	(v2sf) =	vpush v4, $0xF;
	s0 =	sxor.u32 $0x80000000, s0  }
0x211: {  	v3, _, _ =	vpop (xrf0);
	p0 =	sgt.s32 s0, s18  }
0x212: {  	(v2sf) =	vpush v3, $0xF;
	s18 =	smov.u32 @p0 s0  }
0x213: {  	v3, _, _ =	vpop (xrf0);
	s29 =	spop (v2sf);
	s17 =	ssub.s32 s17, s18  }
0x214: {  	s0 =	simm.s32 $0x1;
	(v2sf) =	vpush v3, $0xF;
	s1 =	spop (v2sf);
	p0 =	sle.s32 s29, s17  }
0x215: {  	p1 =	sgt.s32 s29, $0x0;
	s2 =	spop (v2sf);
	s1 =	sadd.s32 s29, s1  }
0x216: {  	s29 =	simm.s32 @!p1 $0x0;
	s5 =	spop (v2sf);
	s2 =	sadd.s32 s2, s1  }
0x217: {  	s0 =	simm.s32 @!p0 $0x0;
	s6 =	spop (v2sf);
	s5 =	sadd.s32 s5, s2  }
0x218: {  	s29 =	simm.s32 @!p0 $0x0;
	s19 =	spop (v2sf);
	s6 =	sadd.s32 s6, s5  }
0x219: {  	p1 =	sle.s32 s1, s17;
	s20 =	spop (v2sf);
	s28 =	sadd.s32 s19, s6  }
0x21a: {  	p2 =	sgt.s32 s29, s1;
	s21 =	spop (v2sf);
	s26 =	sadd.s32 s20, s28  }
0x21b: {  	p0 =	sle.s32 s2, s17;
	s22 =	spop (v2sf);
	s24 =	sadd.s32 s21, s26  }
0x21c: {  	s1 =	smov.u32 @p2 s29;
	s23 =	spop (v2sf);
	s22 =	sadd.s32 s22, s24  }
0x21d: {  	s29 =	smov.u32 @p1 s1;
	s25 =	spop (v2sf);
	s23 =	sadd.s32 s23, s22  }
0x21e: {  	s1 =	simm.s32 $0x1;
	s30 =	spop (v2sf);
	s19 =	sadd.s32 s25, s23  }
0x21f: {  	s1 =	simm.s32 @!p0 $0x0;
	s31 =	spop (v2sf);
	s20 =	sadd.s32 s30, s19  }
0x220: {  	p2 =	sle.s32 s22, s17;
	p3 =	sle.s32 s23, s17;
	s21 =	sadd.s32 s31, s20  }
0x221: {  	s31 =	simm.s32 $0x1;
	p4 =	sle.s32 s20, s17;
	s25 =	spop (v2sf)  }
0x222: {  	s31 =	simm.s32 @!p1 $0x0;
	p1 =	sgt.s32 s29, s2;
	p5 =	sle.s32 s21, s17  }
0x223: {  	s30 =	spop (v2sf);
	s25 =	sadd.s32 s25, s21;
	s2 =	smov.u32 @p1 s29  }
0x224: {  	s0 =	sadd.s32 s0, s31;
	s29 =	smov.u32 @p0 s2;
	p0 =	sle.s32 s5, s17  }
0x225: {  	s2 =	simm.s32 $0x1;
	s0 =	sadd.s32 s1, s0;
	s1 =	simm.s32 $0x1  }
0x226: {  	s18 =	sadd.s32 s30, s25;
	s2 =	simm.s32 @!p0 $0x0;
	p1 =	sgt.s32 s29, s5  }
0x227: {  	p6 =	sle.s32 s18, s17;
	s5 =	smov.u32 @p1 s29;
	p1 =	sle.s32 s6, s17  }
0x228: {  	s0 =	sadd.s32 s2, s0;
	s29 =	smov.u32 @p0 s5;
	s6 =	simm.s32 @!p1 $0x0  }
0x229: {  	s1 =	simm.s32 @!p1 $0x0;
	p1 =	sle.s32 s28, s17;
	p0 =	sgt.s32 s29, s6  }
0x22a: {  	s2 =	simm.s32 $0x1;
	s28 =	simm.s32 @!p1 $0x0;
	s6 =	smov.u32 @p0 s29  }
0x22b: {  	s0 =	sadd.s32 s1, s0;
	s2 =	simm.s32 @!p1 $0x0;
	p0 =	sgt.s32 s6, s28  }
0x22c: {  	s1 =	simm.s32 $0x1;
	s28 =	smov.u32 @p0 s6;
	p0 =	sle.s32 s26, s17  }
0x22d: {  	s0 =	sadd.s32 s2, s0;
	s1 =	simm.s32 @!p0 $0x0;
	s26 =	simm.s32 @!p0 $0x0  }
0x22e: {  	s2 =	simm.s32 $0x1;
	s0 =	sadd.s32 s1, s0;
	p0 =	sgt.s32 s28, s26  }
0x22f: {  	s1 =	simm.s32 $0x1;
	s26 =	smov.u32 @p0 s28;
	p0 =	sle.s32 s24, s17  }
0x230: {  	p1 =	sle.s32 s19, s17;
	s2 =	simm.s32 @!p2 $0x0;
	s1 =	simm.s32 @!p0 $0x0  }
0x231: {  	s24 =	simm.s32 @!p0 $0x0;
	s0 =	sadd.s32 s1, s0;
	s1 =	simm.s32 $0x1  }
0x232: {  	p0 =	sgt.s32 s26, s24;
	s0 =	sadd.s32 s2, s0;
	s1 =	simm.s32 @!p3 $0x0  }
0x233: {  	s2 =	simm.s32 $0x1;
	s24 =	smov.u32 @p0 s26;
	p0 =	sle.s32 s25, s17  }
0x234: {  	s0 =	sadd.s32 s1, s0;
	s2 =	simm.s32 @!p1 $0x0;
	s1 =	simm.s32 $0x1  }
0x235: {  	s0 =	sadd.s32 s2, s0;
	s1 =	simm.s32 @!p4 $0x0;
	s2 =	simm.s32 $0x1  }
0x236: {  	s0 =	sadd.s32 s1, s0;
	s2 =	simm.s32 @!p5 $0x0;
	s1 =	simm.s32 $0x1  }
0x237: {  	s0 =	sadd.s32 s2, s0;
	s1 =	simm.s32 @!p0 $0x0;
	s2 =	simm.s32 $0x1  }
0x238: {  	s22 =	simm.s32 @!p2 $0x0;
	s0 =	sadd.s32 s1, s0;
	s2 =	simm.s32 @!p6 $0x0  }
0x239: {  	p2 =	sgt.s32 s24, s22;
	s0 =	sadd.s32 s2, s0  }
0x23a: {  	s23 =	simm.s32 @!p3 $0x0;
	s22 =	smov.u32 @p2 s24;
	s0 =	sshll.u32 s0, $0x4  }
0x23b: {  	p2 =	sgt.s32 s22, s23;
	v3 =	vld [tilespmem:s0+$0x4000]  }
0x23c: {  	s19 =	simm.s32 @!p1 $0x0;
	s23 =	smov.u32 @p2 s22  }
0x23d: {  	p1 =	sgt.s32 s23, s19  }
0x23e: {  	s20 =	simm.s32 @!p4 $0x0;
	s19 =	smov.u32 @p1 s23  }
0x23f: {  	p1 =	sgt.s32 s19, s20  }
0x240: {  	s21 =	simm.s32 @!p5 $0x0;
	s20 =	smov.u32 @p1 s19;
	(xrf0) =	vadd.scan.msk.s32 $0xffff, v3  }
0x241: {  	p1 =	sgt.s32 s20, s21  }
0x242: {  	s25 =	simm.s32 @!p0 $0x0;
	s21 =	smov.u32 @p1 s20  }
0x243: {  	p0 =	sgt.s32 s21, s25  }
0x244: {  	s18 =	simm.s32 @!p6 $0x0;
	s25 =	smov.u32 @p0 s21  }
0x245: {  	p0 =	sgt.s32 s25, s18  }
0x246: {  	s18 =	smov.u32 @p0 s25;
	v3, _, _ =	vpop (xrf0)  }
0x247: {  	v3 =	vadd.s32 s18, v3  }
0x248: {  	vm0 =	vle.s32 v3, s17  }
0x249: {  	v4 =	vsel vm0, $0x1, v0  }
0x24a: {  	(xrf0) =	vadd.scan.msk.s32 $0xffff, v4;
	_ =	sdelay $0x5  }
0x24b: {  	v4, _, _ =	vpop (xrf0)  }
0x24c: {  	[tilespmem:$0x4000] =	vst v0;
	(v2sf) =	vpush v4, $0xF  }
0x24d: {  	[tilespmem:$0x4010] =	vst v0  }
0x24e: {  	[tilespmem:$0x4020] =	vst v0  }
0x24f: {  	[tilespmem:$0x4030] =	vst v0  }
0x250: {  	[tilespmem:$0x4040] =	vst v0  }
0x251: {  	[tilespmem:$0x4050] =	vst v0  }
0x252: {  	[tilespmem:$0x4060] =	vst v0  }
0x253: {  	[tilespmem:$0x4070] =	vst v0  }
0x254: {  	[tilespmem:$0x4080] =	vst v0  }
0x255: {  	[tilespmem:$0x4090] =	vst v0  }
0x256: {  	[tilespmem:$0x40A0] =	vst v0  }
0x257: {  	[tilespmem:$0x40B0] =	vst v0  }
0x258: {  	[tilespmem:$0x40C0] =	vst v0  }
0x259: {  	[tilespmem:$0x40D0] =	vst v0  }
0x25a: {  	[tilespmem:$0x40E0] =	vst v0  }
0x25b: {  	[tilespmem:$0x40F0] =	vst v0;
	s31 =	spop (v2sf)  }
0x25c: {  	v6 =	vld [tilespmem:s15+$0xFFFFFF80];
	s0 =	sadd.s32 s0, s31  }
0x25d: {  	v5 =	vld [tilespmem:s15+$0xFFFFFFD0];
	s0 =	sshll.u32 s0, $0x8  }
0x25e: {  	v8 =	vld [tilespmem:s15+$0x70];
	s16 =	sor.u32 s16, s0  }
0x25f: {  	v7 =	vld [tilespmem:s15+$0xFFFFFFB0];
	s0 =	sxor.u32 $0x80000000, s16  }
0x260: {  	v9 =	vld [tilespmem:s15+$0x60];
	v4 =	vmov s0  }
0x261: {  	v12 =	vld [tilespmem:s15+$0x40];
	v11 =	vxor.u32 v4, v6  }
0x262: {  	vm0 =	vlt.s32 v11, $0x80000100;
	v11 =	vld [tilespmem:s15+$0x30]  }
0x263: {  	v10 =	vld [tilespmem:s15+$0x50];
	v6 =	vand.u32 $0xFF, v6;
	v55 =	vxor.u32 v4, v8  }
0x264: {  	v13 =	vld [tilespmem:s15+$0x20];
	vm1 =	vlt.s32 v55, $0x80000100  }
0x265: {  	v15 =	vld [tilespmem:s15+$0x10];
	v8 =	vand.u32 $0xFF, v8  }
0x266: {  	v16 =	vld [tilespmem:s15+$0xFFFFFFF0];
	v17 =	vxor.u32 v4, v12  }
0x267: {  	v18 =	vld [tilespmem:s15+$0xFFFFFFE0];
	vm2 =	vlt.s32 v17, $0x80000100;
	v19 =	vxor.u32 v4, v11  }
0x268: {  	[tilespmem:v6+s9+$0x0] =	vst.idx.add.s32.msk vm0, v2;
	vm0 =	vlt.s32 v19, $0x80000100;
	v6 =	vand.u32 $0xFF, v12  }
0x269: {  	v56 =	vld [tilespmem:s15+$0x0];
	v57 =	vxor.u32 v4, v10;
	v11 =	vand.u32 $0xFF, v11  }
0x26a: {  	vm3 =	vlt.s32 v57, $0x80000100;
	[tilespmem:v8+s9+$0x0] =	vst.idx.add.s32.msk vm1, v2;
	v8 =	vxor.u32 v4, v9  }
0x26b: {  	v58 =	vld [tilespmem:s15+$0xFFFFFFC0];
	v10 =	vand.u32 $0xFF, v10;
	vm5 =	vlt.s32 v8, $0x80000100;
	v8 =	vxor.u32 v4, v16  }
0x26c: {  	v61 =	vld [tilespmem:s15+$0xFFFFFFA0];
	v20 =	vxor.u32 v4, v15;
	v9 =	vand.u32 $0xFF, v9;
	vm6 =	vlt.s32 v8, $0x80000100  }
0x26d: {  	v8 =	vxor.u32 v4, v18;
	[tilespmem:v6+s9+$0x0] =	vst.idx.add.s32.msk vm2, v2;
	v6 =	vand.u32 $0xFF, v16;
	vm2 =	vlt.s32 v20, $0x80000100  }
0x26e: {  	v59 =	vxor.u32 v4, v13;
	v15 =	vand.u32 $0xFF, v15;
	[tilespmem:v11+s9+$0x0] =	vst.idx.add.s32.msk vm0, v2;
	vm0 =	vlt.s32 v8, $0x80000100  }
0x26f: {  	v62 =	vld [tilespmem:s15+$0xFFFFFF90];
	v60 =	vxor.u32 v4, v56;
	vm4 =	vlt.s32 v59, $0x80000100;
	v8 =	vand.u32 $0xFF, v18  }
0x270: {  	v13 =	vand.u32 $0xFF, v13;
	vm1 =	vlt.s32 v60, $0x80000100;
	[tilespmem:v10+s9+$0x0] =	vst.idx.add.s32.msk vm3, v2;
	v10 =	vxor.u32 v4, v5  }
0x271: {  	v14 =	vand.u32 $0xFF, v56;
	vm15 =	vlt.s32 v10, $0x80000100;
	v11 =	vxor.u32 v4, v58;
	[tilespmem:v9+s9+$0x0] =	vst.idx.add.s32.msk vm5, v2  }
0x272: {  	v10 =	vand.u32 $0xFF, v5;
	vm7 =	vlt.s32 v11, $0x80000100;
	[tilespmem:v6+s9+$0x0] =	vst.idx.add.s32.msk vm6, v2;
	v6 =	vxor.u32 v4, v7  }
0x273: {  	v11 =	vand.u32 $0xFF, v58;
	v9 =	vxor.u32 v4, v61;
	[tilespmem:v15+s9+$0x0] =	vst.idx.add.s32.msk vm2, v2;
	vm2 =	vlt.s32 v6, $0x80000100  }
0x274: {  	v63 =	vxor.u32 v4, v62;
	vm3 =	vlt.s32 v9, $0x80000100;
	[tilespmem:v8+s9+$0x0] =	vst.idx.add.s32.msk vm0, v2;
	v8 =	vand.u32 $0xFF, v7  }
0x275: {  	[tilespmem:v13+s9+$0x0] =	vst.idx.add.s32.msk vm4, v2;
	vm4 =	vlt.s32 v63, $0x80000100;
	v6 =	vand.u32 $0xFF, v61  }
0x276: {  	[tilespmem:v14+s9+$0x0] =	vst.idx.add.s32.msk vm1, v2;
	v7 =	vand.u32 $0xFF, v62  }
0x277: {  	[tilespmem:v10+s9+$0x0] =	vst.idx.add.s32.msk vm15, v2  }
0x278: {  	s19 =	simm.s32 $0x0;
	v5 =	vmov s17;
	[tilespmem:v11+s9+$0x0] =	vst.idx.add.s32.msk vm7, v2  }
.LBB2_9:
0x279: {  	s19 =	sadd.s32 $0x10, s19;
	[tilespmem:v8+s9+$0x0] =	vst.idx.add.s32.msk vm2, v2;
	s15 =	sadd.s32 $0x100, s15  }
0x27a: {  	p1 =	slt.u32 s19, $0x1F0;
	[tilespmem:v6+s9+$0x0] =	vst.idx.add.s32.msk vm3, v2  }
0x27b: {  	[tilespmem:v7+s9+$0x0] =	vst.idx.add.s32.msk vm4, v2  }
0x27c: {  	v6 =	vld [tilespmem:s15+$0xFFFFFFD0]  }
0x27d: {  	v7 =	vld [tilespmem:s15+$0xFFFFFF80]  }
0x27e: {  	v8 =	vld [tilespmem:s15+$0xFFFFFFB0]  }
0x27f: {  	v9 =	vld [tilespmem:s15+$0x70]  }
0x280: {  	v10 =	vld [tilespmem:s15+$0x60]  }
0x281: {  	v11 =	vld [tilespmem:s15+$0x50]  }
0x282: {  	v12 =	vxor.u32 v4, v7;
	v13 =	vld [tilespmem:s15+$0x40]  }
0x283: {  	vm1 =	vlt.s32 v12, $0x80000100;
	v12 =	vld [tilespmem:s15+$0x30]  }
0x284: {  	v7 =	vand.u32 $0xFF, v7;
	v14 =	vld [tilespmem:s15+$0x20];
	v15 =	vxor.u32 v4, v9  }
0x285: {  	v16 =	vld [tilespmem:s15+$0x10];
	v17 =	vxor.u32 v4, v10;
	vm3 =	vlt.s32 v15, $0x80000100  }
0x286: {  	v9 =	vand.u32 $0xFF, v9;
	v15 =	vld [tilespmem:s15+$0x0];
	v18 =	vxor.u32 v4, v11  }
0x287: {  	v10 =	vand.u32 $0xFF, v10;
	vm0 =	vlt.s32 v17, $0x80000100;
	v19 =	vld [tilespmem:s15+$0xFFFFFFF0];
	v20 =	vxor.u32 v4, v13  }
0x288: {  	vm2 =	vlt.s32 v18, $0x80000100;
	v17 =	vld [tilespmem:s15+$0xFFFFFFE0];
	v21 =	vxor.u32 v4, v12;
	vm4 =	vlt.s32 v20, $0x80000100  }
0x289: {  	v13 =	vand.u32 $0xFF, v13;
	[tilespmem:v7+s9+$0x0] =	vst.idx.add.s32.msk vm1, v2;
	v7 =	vand.u32 $0xFF, v14;
	vm5 =	vlt.s32 v21, $0x80000100  }
0x28a: {  	v12 =	vand.u32 $0xFF, v12;
	v14 =	vxor.u32 v4, v14;
	v18 =	vld [tilespmem:s15+$0xFFFFFFC0];
	v20 =	vxor.u32 v4, v16  }
0x28b: {  	v11 =	vand.u32 $0xFF, v11;
	vm6 =	vlt.s32 v14, $0x80000100;
	v21 =	vxor.u32 v4, v15;
	[tilespmem:v9+s9+$0x0] =	vst.idx.add.s32.msk vm3, v2  }
0x28c: {  	vm1 =	vlt.s32 v20, $0x80000100;
	v9 =	vld [tilespmem:s15+$0xFFFFFFA0];
	v14 =	vand.u32 $0xFF, v19;
	vm7 =	vlt.s32 v21, $0x80000100  }
0x28d: {  	v15 =	vand.u32 $0xFF, v15;
	v19 =	vxor.u32 v4, v19;
	v20 =	vld [tilespmem:s15+$0xFFFFFF90];
	v21 =	vand.u32 $0xFF, v17  }
0x28e: {  	v22 =	vand.u32 $0xFF, v6;
	v17 =	vxor.u32 v4, v17;
	vm8 =	vlt.s32 v19, $0x80000100;
	[tilespmem:v13+s9+$0x0] =	vst.idx.add.s32.msk vm4, v2  }
0x28f: {  	v6 =	vxor.u32 v4, v6;
	v16 =	vand.u32 $0xFF, v16;
	v13 =	vxor.u32 v4, v18;
	[tilespmem:v12+s9+$0x0] =	vst.idx.add.s32.msk vm5, v2  }
0x290: {  	vm9 =	vlt.s32 v17, $0x80000100;
	v12 =	vxor.u32 v4, v8;
	vm5 =	vlt.s32 v13, $0x80000100;
	[tilespmem:v11+s9+$0x0] =	vst.idx.add.s32.msk vm2, v2  }
0x291: {  	vm2 =	vlt.s32 v12, $0x80000100;
	v12 =	vand.u32 $0xFF, v18;
	v11 =	vxor.u32 v4, v9;
	[tilespmem:v7+s9+$0x0] =	vst.idx.add.s32.msk vm6, v2  }
0x292: {  	vm6 =	vlt.s32 v6, $0x80000100;
	v7 =	vxor.u32 v4, v20;
	vm3 =	vlt.s32 v11, $0x80000100;
	[tilespmem:v15+s9+$0x0] =	vst.idx.add.s32.msk vm7, v2  }
0x293: {  	v8 =	vand.u32 $0xFF, v8;
	v6 =	vand.u32 $0xFF, v9;
	vm4 =	vlt.s32 v7, $0x80000100;
	[tilespmem:v10+s9+$0x0] =	vst.idx.add.s32.msk vm0, v2  }
.Ltmp3:
0x294: {  	v7 =	vand.u32 $0xFF, v20;
	[tilespmem:v14+s9+$0x0] =	vst.idx.add.s32.msk vm8, v2;
	(pc) =	sbr.rel @p1 .LBB2_9-.Ltmp3, $4  }
0x295: {  	[tilespmem:v16+s9+$0x0] =	vst.idx.add.s32.msk vm1, v2  }
0x296: {  	[tilespmem:v21+s9+$0x0] =	vst.idx.add.s32.msk vm9, v2  }
0x297: {  	[tilespmem:v12+s9+$0x0] =	vst.idx.add.s32.msk vm5, v2  }
0x298: {  	[tilespmem:v22+s9+$0x0] =	vst.idx.add.s32.msk vm6, v2  }
0x299: {  	_ =	sdelay $0x4  }
0x29a: {  	[tilespmem:v8+s9+$0x0] =	vst.idx.add.s32.msk vm2, v2  }
0x29b: {  	[tilespmem:v6+s9+$0x0] =	vst.idx.add.s32.msk vm3, v2  }
0x29c: {  	[tilespmem:v7+s9+$0x0] =	vst.idx.add.s32.msk vm4, v2  }
0x29d: {  	v4 =	vld [tilespmem:$0x4000]  }
0x29e: {  	v6 =	vld [tilespmem:$0x4010]  }
0x29f: {  	vm0 =	vle.s32 v3, v5;
	v3 =	vxor.u32 $0x80000000, v3;
	v42 =	vld [tilespmem:$0x4020]  }
0x2a0: {  	v3 =	vnsel vm0, $0x80000000, v3;
	v7 =	vld [tilespmem:$0x4030]  }
0x2a1: {  	(xrf0) =	vmax.scan.msk.u32 $0xffff, v3;
	v3 =	vld [tilespmem:$0x4040]  }
0x2a2: {  	v43 =	vld [tilespmem:$0x4050];
	(xrf0) =	vadd.scan.msk.s32 $0xffff, v4  }
0x2a3: {  	v44 =	vld [tilespmem:$0x4060];
	(xrf0) =	vadd.scan.msk.s32 $0xffff, v6  }
0x2a4: {  	v45 =	vld [tilespmem:$0x4070];
	(xrf0) =	vadd.scan.msk.s32 $0xffff, v42  }
0x2a5: {  	(xrf0) =	vadd.scan.msk.s32 $0xffff, v7  }
0x2a6: {  	v46 =	vld [tilespmem:$0x4080];
	(xrf0) =	vadd.scan.msk.s32 $0xffff, v3  }
0x2a7: {  	v47, _, _ =	vpop (xrf0);
	v3 =	vld [tilespmem:$0x4090];
	(xrf0) =	vadd.scan.msk.s32 $0xffff, v43  }
0x2a8: {  	v48 =	vld [tilespmem:$0x40A0];
	(v2sf) =	vpush v47, $0xF;
	v49, _, _ =	vpop (xrf0);
	(xrf0) =	vadd.scan.msk.s32 $0xffff, v44  }
0x2a9: {  	(v2sf) =	vpush v49, $0xF;
	v51, _, _ =	vpop (xrf0);
	(xrf0) =	vadd.scan.msk.s32 $0xffff, v45  }
0x2aa: {  	v50 =	vld [tilespmem:$0x40B0];
	(v2sf) =	vpush v51, $0xF;
	v53, _, _ =	vpop (xrf0)  }
0x2ab: {  	v52 =	vld [tilespmem:$0x40C0];
	(xrf0) =	vadd.scan.msk.s32 $0xffff, v46;
	(v2sf) =	vpush v53, $0xF;
	v54, _, _ =	vpop (xrf0)  }
0x2ac: {  	(xrf0) =	vadd.scan.msk.s32 $0xffff, v3;
	(v2sf) =	vpush v54, $0xF;
	v55, _, _ =	vpop (xrf0)  }
0x2ad: {  	v3 =	vld [tilespmem:$0x40D0];
	(xrf0) =	vadd.scan.msk.s32 $0xffff, v48;
	(v2sf) =	vpush v55, $0xF;
	v57, _, _ =	vpop (xrf0)  }
0x2ae: {  	(v2sf) =	vpush v57, $0xF;
	v58, _, _ =	vpop (xrf0)  }
0x2af: {  	v56 =	vld [tilespmem:$0x40E0];
	(xrf0) =	vadd.scan.msk.s32 $0xffff, v50;
	v59, _, _ =	vpop (xrf0);
	(v2sf) =	vpush v58, $0xF  }
0x2b0: {  	(xrf0) =	vadd.scan.msk.s32 $0xffff, v52;
	(v2sf) =	vpush v59, $0xF  }
0x2b1: {  	v60, _, _ =	vpop (xrf0)  }
0x2b2: {  	(xrf0) =	vadd.scan.msk.s32 $0xffff, v3;
	(v2sf) =	vpush v60, $0xF;
	v3, _, _ =	vpop (xrf0)  }
0x2b3: {  	v61, _, _ =	vpop (xrf0);
	(v2sf) =	vpush v3, $0xF  }
0x2b4: {  	(xrf0) =	vadd.scan.msk.s32 $0xffff, v56;
	(v2sf) =	vpush v61, $0xF  }
0x2b5: {  	v3, _, _ =	vpop (xrf0)  }
0x2b6: {  	v62, _, _ =	vpop (xrf0);
	(v2sf) =	vpush v3, $0xF  }
0x2b7: {  	s0 =	spop (v2sf);
	(v2sf) =	vpush v62, $0xF  }
0x2b8: {  	v3, _, _ =	vpop (xrf0);
	s26 =	spop (v2sf)  }
0x2b9: {  	(v2sf) =	vpush v3, $0xF;
	s1 =	spop (v2sf)  }
0x2ba: {  	s0 =	sxor.u32 $0x80000000, s0;
	v3, _, _ =	vpop (xrf0);
	s2 =	spop (v2sf);
	s1 =	sadd.s32 s26, s1  }
0x2bb: {  	p0 =	sgt.s32 s0, s18;
	(v2sf) =	vpush v3, $0xF;
	s5 =	spop (v2sf);
	s2 =	sadd.s32 s2, s1  }
0x2bc: {  	s18 =	smov.u32 @p0 s0;
	s6 =	spop (v2sf);
	s5 =	sadd.s32 s5, s2  }
0x2bd: {  	s0 =	simm.s32 $0x1;
	s15 =	spop (v2sf);
	s6 =	sadd.s32 s6, s5  }
0x2be: {  	p1 =	sgt.s32 s26, $0x0;
	s19 =	spop (v2sf);
	s25 =	sadd.s32 s15, s6  }
0x2bf: {  	s15 =	ssub.s32 s17, s18;
	s20 =	spop (v2sf);
	s24 =	sadd.s32 s19, s25  }
0x2c0: {  	p0 =	sle.s32 s26, s15;
	s26 =	simm.s32 @!p1 $0x0;
	p1 =	sle.s32 s1, s15  }
0x2c1: {  	s21 =	spop (v2sf);
	s22 =	sadd.s32 s20, s24;
	s26 =	simm.s32 @!p0 $0x0  }
0x2c2: {  	s0 =	simm.s32 @!p0 $0x0;
	p0 =	sle.s32 s2, s15;
	s23 =	spop (v2sf)  }
0x2c3: {  	s20 =	sadd.s32 s21, s22;
	p2 =	sgt.s32 s26, s1;
	s31 =	spop (v2sf)  }
0x2c4: {  	s21 =	sadd.s32 s23, s20;
	s1 =	smov.u32 @p2 s26;
	p2 =	sle.s32 s20, s15  }
0x2c5: {  	s28 =	spop (v2sf);
	s17 =	sadd.s32 s31, s21;
	s26 =	smov.u32 @p1 s1  }
0x2c6: {  	s1 =	simm.s32 $0x1;
	s29 =	spop (v2sf);
	s18 =	sadd.s32 s28, s17  }
0x2c7: {  	p3 =	sle.s32 s21, s15;
	s1 =	simm.s32 @!p0 $0x0;
	s19 =	sadd.s32 s29, s18  }
0x2c8: {  	s29 =	simm.s32 $0x1;
	p4 =	sle.s32 s18, s15;
	s30 =	spop (v2sf)  }
0x2c9: {  	s29 =	simm.s32 @!p1 $0x0;
	p1 =	sgt.s32 s26, s2;
	p5 =	sle.s32 s19, s15  }
0x2ca: {  	s31 =	spop (v2sf);
	s23 =	sadd.s32 s30, s19;
	s2 =	smov.u32 @p1 s26  }
0x2cb: {  	s0 =	sadd.s32 s0, s29;
	s26 =	smov.u32 @p0 s2;
	p0 =	sle.s32 s5, s15  }
0x2cc: {  	s2 =	simm.s32 $0x1;
	s0 =	sadd.s32 s1, s0;
	p1 =	sgt.s32 s26, s5  }
0x2cd: {  	s1 =	simm.s32 $0x1;
	s2 =	simm.s32 @!p0 $0x0;
	s5 =	smov.u32 @p1 s26  }
0x2ce: {  	s0 =	sadd.s32 s2, s0;
	p1 =	sle.s32 s6, s15;
	s26 =	smov.u32 @p0 s5  }
0x2cf: {  	s6 =	simm.s32 @!p1 $0x0;
	s1 =	simm.s32 @!p1 $0x0;
	p1 =	sle.s32 s25, s15  }
0x2d0: {  	s2 =	simm.s32 $0x1;
	p0 =	sgt.s32 s26, s6;
	s25 =	simm.s32 @!p1 $0x0  }
0x2d1: {  	s0 =	sadd.s32 s1, s0;
	s2 =	simm.s32 @!p1 $0x0;
	s6 =	smov.u32 @p0 s26  }
0x2d2: {  	s1 =	simm.s32 $0x1;
	p1 =	sle.s32 s17, s15;
	p0 =	sgt.s32 s6, s25  }
0x2d3: {  	s0 =	sadd.s32 s2, s0;
	s25 =	smov.u32 @p0 s6;
	p0 =	sle.s32 s24, s15  }
0x2d4: {  	s26 =	sadd.s32 s31, s23;
	s1 =	simm.s32 @!p0 $0x0;
	s24 =	simm.s32 @!p0 $0x0  }
0x2d5: {  	s2 =	simm.s32 $0x1;
	s0 =	sadd.s32 s1, s0;
	p0 =	sgt.s32 s25, s24  }
0x2d6: {  	s1 =	simm.s32 $0x1;
	s24 =	smov.u32 @p0 s25;
	p0 =	sle.s32 s22, s15  }
0x2d7: {  	s2 =	simm.s32 @!p2 $0x0;
	p6 =	sle.s32 s26, s15;
	s1 =	simm.s32 @!p0 $0x0  }
0x2d8: {  	s22 =	simm.s32 @!p0 $0x0;
	s0 =	sadd.s32 s1, s0;
	s1 =	simm.s32 $0x1  }
0x2d9: {  	p0 =	sgt.s32 s24, s22;
	s0 =	sadd.s32 s2, s0;
	s1 =	simm.s32 @!p3 $0x0  }
0x2da: {  	s2 =	simm.s32 $0x1;
	s22 =	smov.u32 @p0 s24;
	p0 =	sle.s32 s23, s15  }
0x2db: {  	s0 =	sadd.s32 s1, s0;
	s2 =	simm.s32 @!p1 $0x0;
	s1 =	simm.s32 $0x1  }
0x2dc: {  	s0 =	sadd.s32 s2, s0;
	s1 =	simm.s32 @!p4 $0x0;
	s2 =	simm.s32 $0x1  }
0x2dd: {  	s0 =	sadd.s32 s1, s0;
	s2 =	simm.s32 @!p5 $0x0;
	s1 =	simm.s32 $0x1  }
0x2de: {  	s0 =	sadd.s32 s2, s0;
	s1 =	simm.s32 @!p0 $0x0;
	s2 =	simm.s32 $0x1  }
0x2df: {  	s20 =	simm.s32 @!p2 $0x0;
	s0 =	sadd.s32 s1, s0;
	s2 =	simm.s32 @!p6 $0x0  }
0x2e0: {  	p2 =	sgt.s32 s22, s20;
	s0 =	sadd.s32 s2, s0  }
0x2e1: {  	s21 =	simm.s32 @!p3 $0x0;
	s20 =	smov.u32 @p2 s22;
	s0 =	sshll.u32 s0, $0x4  }
0x2e2: {  	p2 =	sgt.s32 s20, s21;
	v3 =	vld [tilespmem:s0+$0x4000]  }
0x2e3: {  	s17 =	simm.s32 @!p1 $0x0;
	s21 =	smov.u32 @p2 s20  }
0x2e4: {  	p1 =	sgt.s32 s21, s17  }
0x2e5: {  	s18 =	simm.s32 @!p4 $0x0;
	s17 =	smov.u32 @p1 s21  }
0x2e6: {  	p1 =	sgt.s32 s17, s18  }
0x2e7: {  	s19 =	simm.s32 @!p5 $0x0;
	s18 =	smov.u32 @p1 s17;
	(xrf0) =	vadd.scan.msk.s32 $0xffff, v3  }
0x2e8: {  	p1 =	sgt.s32 s18, s19  }
0x2e9: {  	s23 =	simm.s32 @!p0 $0x0;
	s19 =	smov.u32 @p1 s18  }
0x2ea: {  	p0 =	sgt.s32 s19, s23  }
0x2eb: {  	s26 =	simm.s32 @!p6 $0x0;
	s23 =	smov.u32 @p0 s19  }
0x2ec: {  	p0 =	sgt.s32 s23, s26  }
0x2ed: {  	s26 =	smov.u32 @p0 s23;
	v3, _, _ =	vpop (xrf0)  }
0x2ee: {  	v3 =	vadd.s32 s26, v3  }
0x2ef: {  	vm15 =	vle.s32 v3, s15  }
0x2f0: {  	v3 =	vsel vm15, $0x1, v0  }
0x2f1: {  	(xrf0) =	vadd.scan.msk.s32 $0xffff, v3;
	_ =	sdelay $0x5  }
0x2f2: {  	v3, _, _ =	vpop (xrf0)  }
0x2f3: {  	(v2sf) =	vpush v3, $0xF;
	_ =	sdelay $0xe  }
0x2f4: {  	s30 =	spop (v2sf)  }
0x2f5: {  	p0 =	sne.s32 s13, $0x18;
	v3 =	vmov s14;
	s0 =	sadd.s32 s0, s30  }
.Ltmp4:
0x2f6: {  	s31 =	sld [smem:$0x7FD];
	s0 =	sor.u32 s16, s0;
	(pc) =	sbr.rel @p0 .LBB2_2-.Ltmp4, $4  }
0x2f7: {  	v63 =	vmov s0  }
0x2f8: {  	v4 =	vbroadcast v63, $0x0  }
0x2f9: {  	p6 =	seq.s32 s31, $0x1  }
0x2fa: {  	p1 =	por !p6, !p6;
	s14 =	smov.u32 s13;
	[tilespmem:v3+s10+$0x0] =	vst.idx.msk $0x1, v4  }
0x2fb: {  	s12 =	sadd.s32 $0x1, s12  }
0x2fc: {  	p0 =	sne.s32 s12, s7  }
.Ltmp5:
0x2fd: {  	s0 =	simm.s32 $0x0;
	s1 =	rddreg [dreg:$0x4];
	(pc) =	sbr.rel @p0 .LBB2_1-.Ltmp5, $4  }
0x2fe: {  	[hbm4b:s1+s0] =	stream.linear.scatter [tilespmem:s10], [sflag:$0x2], $0x18, $0x38;
	[tilespmem:$0x4180] =	vst v63  }
0x2ff: {  	_ =	swait.ge [sflag:s11], $0x18  }
0x300: {  	[sflag:s11] =	ssyncset.done $0x0  }
0x301: {  	[sflag:s11] =	ssyncadd.s32 $0xFFFFFFE8  }
0x302: {  	_ =	sfence.sel $0x180000  }
0x303: {  	[bflag:$0x0] =	sbarrier.arrive $0xFFFF  }
0x304: {  	_ =	strace $0x90000047  }
0x305: {  	s0 =	stileid.u32;
	[bflag:$0x2] =	sbarrier.arrive $0xFFFF  }
0x306: {  	p0 =	sne.s32 s0, $0x0;
	s0 =	rddreg [dreg:$0x2]  }
0x307: {  	s0 =	sadd.s32 @!p0 $0x100000, s0  }
0x308: {  	[sflag:s0] =	ssyncadd.tile.s32 @!p0 $0x1;
	_ =	shalt  }
.Lfunc_end2:
_tile_overlayer_lowered:
.L_overlay_start_2:
0x309: {  	(tag) =	ssettag $0x2  }
0x30a: {  	s0 =	rddreg [dreg:$0x0];
	s2 =	stileid.u32  }
0x30b: {  	s1 =	rddreg [dreg:$0x1];
	p0 =	sne.s32 s2, $0x0  }
0x30c: {  	s3 =	rddreg [dreg:$0x2];
	[bflag:$0x3] =	sbarrier.arrive $0xFFFF;
	s2 =	simm.s32 @!p0 $0x1C02  }
0x30d: {  	[timem:s3], [sflag:s2] =	dma.local @!p0 [hbm:s0], s1  }
0x30e: {  	s0 =	simm.s32 @!p0 $0x2  }
0x30f: {  	_ =	swait.ge @!p0 [sflag:s0], s1  }
0x310: {  	s1 =	ssub.s32 @!p0 $0x0, s1;
	[sflag:s0] =	ssyncset.done @!p0 $0x0  }
0x311: {  	[sflag:s0] =	ssyncadd.s32 @!p0 s1  }
0x312: {  	[bflag:$0x3] =	sbarrier.arrive $0xFFFF  }
0x313: {  	_ =	shalt  }

</sc_bundles>
